<compile_context>
chip_gen: v7x
topology: tpu7x:2x2x1
jax: 0.10.2.dev20260603
libtpu: 0.0.44.dev20260713+nightly
codegen_flags: <defaults>
</compile_context>

<pallas_src>
import functools

import numpy as np

import jax
import jax.numpy as jnp
from jax import lax
from jax.experimental import pallas as pl
from jax.experimental.pallas import tpu as pltpu
from jax.experimental.pallas import tpu_sc as plsc

_NG = 64

_F32 = jnp.float32


def _edge_body(ea_ref, ne_ref, we1_ref, be1_ref, we2_ref, be2_ref,
               m1_ref, e2_ref):
    a = ea_ref[...]
    m1 = jnp.dot(a, we1_ref[...], preferred_element_type=_F32)
    m1_ref[...] = jnp.maximum(m1 + be1_ref[...] + ne_ref[...], 0.0)
    e2 = jnp.dot(a, we2_ref[...], preferred_element_type=_F32)
    e2_ref[...] = e2 + be2_ref[...]


def _edge_call(ea, ne, we1, be1, we2, be2, E, EDIM, HID, BE):
    nblk = E // BE
    half_spec = pl.BlockSpec((1, HID // 2), lambda c, i: (0, c))
    w_spec = pl.BlockSpec((EDIM, HID // 2), lambda c, i: (0, c))
    out_spec = pl.BlockSpec((BE, HID // 2),
                            lambda c, i, nblk=nblk: (c * nblk + i, 0))
    return pl.pallas_call(
        _edge_body,
        grid=(2, nblk),
        in_specs=[pl.BlockSpec((BE, EDIM), lambda c, i: (i, 0)),
                  half_spec, w_spec, half_spec, w_spec, half_spec],
        out_specs=[out_spec, out_spec],
        out_shape=[jax.ShapeDtypeStruct((2 * E, HID // 2), _F32),
                   jax.ShapeDtypeStruct((2 * E, HID // 2), _F32)],
    )(ea, ne, we1, be1, we2, be2)


def _sc_common_zero(acc, zb, zrows, s, n, dc, sem):
    nch = n // dc
    nit = (nch + 15) // 16

    @pl.loop(0, zrows)
    def _zero_rows(r):
        for j in range(8):
            zb[r, pl.ds(j * 16, 16)] = jnp.zeros((16,), _F32)

    @pl.loop(0, nit)
    def _zero_acc(i):
        k = s + i * 16

        @pl.when(k < nch)
        def _():
            pltpu.sync_copy(zb.at[pl.ds(0, dc)], acc.at[pl.ds(k * dc, dc)])


def _sc_common_drain(acc, out_hbm, c, s, n, dc, sem):
    nch = n // dc
    nit = (nch + 15) // 16

    @pl.loop(0, nit)
    def _drain(i):
        k = s + i * 16

        @pl.when(k < nch)
        def _():
            pltpu.async_copy(acc.at[pl.ds(k * dc, dc)],
                             out_hbm.at[pl.ds(c * n + k * dc, dc)], sem)

    @pl.loop(0, nit)
    def _drain_wait(i):
        k = s + i * 16

        @pl.when(k < nch)
        def _():
            pltpu.make_async_copy(acc.at[pl.ds(0, dc)],
                                  out_hbm.at[pl.ds(0, dc)], sem).wait()


def _make_sc_scatter(N, E, EC, DC):
    EPT = E // 16
    NCH = EPT // EC
    TAIL = EPT - NCH * EC
    mesh = plsc.VectorSubcoreMesh(core_axis_name="c", subcore_axis_name="s")

    @functools.partial(
        pl.kernel,
        out_type=jax.ShapeDtypeStruct((2 * N, 128), _F32),
        mesh=mesh,
        scratch_types=(
            [pltpu.VMEM_SHARED((N, 128), _F32)]
            + [pltpu.VMEM((EC,), jnp.int32)] * 3
            + [pltpu.VMEM((EC, 128), _F32)] * 3
            + [pltpu.VMEM((16,), jnp.int32),
               pltpu.VMEM((16, 128), _F32)]
            + [pltpu.SemaphoreType.DMA] * 10
        ),
    )
    def sc_scatter(msg_hbm, dst_hbm, out_hbm, acc,
                   idx0, idx1, idx2, row0, row1, row2, idx_t, row_t,
                   si0, si1, si2, sr0, sr1, sr2, sc0, sc1, sc2, sdr):
        c = lax.axis_index("c")
        s = lax.axis_index("s")
        idx = (idx0, idx1, idx2)
        row = (row0, row1, row2)
        sis = (si0, si1, si2)
        srs = (sr0, sr1, sr2)
        scs = (sc0, sc1, sc2)
        _sc_common_zero(acc, row0, EC, s, N, DC, sdr)
        plsc.subcore_barrier()
        base0 = s * EPT

        def issue(k, p):
            pltpu.async_copy(dst_hbm.at[pl.ds(base0 + k * EC, EC)],
                             idx[p], sis[p])
            pltpu.async_copy(msg_hbm.at[pl.ds(c * E + base0 + k * EC, EC)],
                             row[p], srs[p])

        def wait_scatter(p):
            pltpu.make_async_copy(row[p], acc.at[pl.ds(0, EC)], scs[p]).wait()

        issue(0, 0)
        issue(1, 1)

        @pl.loop(0, NCH // 3)
        def _trip(i):
            for b in range(3):
                k = i * 3 + b
                p2 = (b + 2) % 3
                pltpu.make_async_copy(dst_hbm.at[pl.ds(0, EC)],
                                      idx[b], sis[b]).wait()
                pltpu.make_async_copy(msg_hbm.at[pl.ds(0, EC)],
                                      row[b], srs[b]).wait()
                pltpu.async_copy(row[b], acc.at[idx[b]], scs[b], add=True)

                @pl.when(k >= 1)
                def _():
                    wait_scatter(p2)

                @pl.when(k + 2 < NCH)
                def _():
                    issue(k + 2, p2)

        wait_scatter((NCH - 1) % 3)

        if TAIL:
            assert TAIL == 16
            tb = base0 + NCH * EC
            pltpu.sync_copy(dst_hbm.at[pl.ds(tb, TAIL)], idx_t)
            pltpu.sync_copy(msg_hbm.at[pl.ds(c * E + tb, TAIL)], row_t)
            pltpu.sync_copy(row_t, acc.at[idx_t], add=True)

        plsc.subcore_barrier()
        _sc_common_drain(acc, out_hbm, c, s, N, DC, sdr)

    return sc_scatter


def _make_sc_gather_scatter(N, E, EC, DC):
    EPT = E // 16
    NCH = EPT // EC
    TAIL = EPT - NCH * EC
    mesh = plsc.VectorSubcoreMesh(core_axis_name="c", subcore_axis_name="s")

    @functools.partial(
        pl.kernel,
        out_type=jax.ShapeDtypeStruct((2 * N, 128), _F32),
        mesh=mesh,
        scratch_types=(
            [pltpu.VMEM_SHARED((N, 128), _F32)]
            + [pltpu.VMEM((EC,), jnp.int32)] * 3
            + [pltpu.VMEM((EC,), jnp.int32)] * 3
            + [pltpu.VMEM((EC,), jnp.int32)] * 3
            + [pltpu.VMEM((EC, 128), _F32)] * 3
            + [pltpu.VMEM((EC, 128), _F32)] * 3
            + [pltpu.VMEM((16,), jnp.int32),
               pltpu.VMEM((16,), jnp.int32)]
            + [pltpu.SemaphoreType.DMA] * 16
        ),
    )
    def sc_gather_scatter(e2_hbm, h1v_hbm, src_hbm, dst_hbm, out_hbm,
                          acc, sidx0, sidx1, sidx2, didx0, didx1, didx2,
                          gidx0, gidx1, gidx2, e0, e1, e2b, h0, h1, h2b,
                          sidx_t, didx_t,
                          ss0, ss1, ss2, sd0, sd1, sd2,
                          se0, se1, se2, sg0, sg1, sg2, sa0, sa1, sa2, sdr):
        c = lax.axis_index("c")
        s = lax.axis_index("s")
        sidx = (sidx0, sidx1, sidx2)
        didx = (didx0, didx1, didx2)
        gidx = (gidx0, gidx1, gidx2)
        ev = (e0, e1, e2b)
        hv = (h0, h1, h2b)
        sss = (ss0, ss1, ss2)
        sds = (sd0, sd1, sd2)
        ses = (se0, se1, se2)
        sgs = (sg0, sg1, sg2)
        sscat = (sa0, sa1, sa2)
        _sc_common_zero(acc, h0, EC, s, N, DC, sdr)
        plsc.subcore_barrier()
        base0 = s * EPT

        def issue_idx(k, p):
            pltpu.async_copy(src_hbm.at[pl.ds(base0 + k * EC, EC)],
                             sidx[p], sss[p])
            pltpu.async_copy(dst_hbm.at[pl.ds(base0 + k * EC, EC)],
                             didx[p], sds[p])
            pltpu.async_copy(e2_hbm.at[pl.ds(c * E + base0 + k * EC, EC)],
                             ev[p], ses[p])

        def start_gather(p):
            pltpu.make_async_copy(src_hbm.at[pl.ds(0, EC)],
                                  sidx[p], sss[p]).wait()
            for j in range(EC // 16):
                sl = pl.ds(j * 16, 16)
                gidx[p][sl] = sidx[p][sl] * 2 + c
            pltpu.async_copy(h1v_hbm.at[gidx[p]], hv[p], sgs[p])

        def relu_add(h_ref, e_ref, nrows):
            @pl.loop(0, nrows)
            def _rows(r):
                for j in range(8):
                    sl = pl.ds(j * 16, 16)
                    h_ref[r, sl] = jnp.maximum(h_ref[r, sl] + e_ref[r, sl],
                                               0.0)

        issue_idx(0, 0)
        issue_idx(1, 1)
        start_gather(0)

        @pl.loop(0, NCH // 3)
        def _trip(i):
            for b in range(3):
                k = i * 3 + b
                p1 = (b + 1) % 3
                p2 = (b + 2) % 3

                @pl.when(k + 1 < NCH)
                def _():
                    start_gather(p1)

                pltpu.make_async_copy(h1v_hbm.at[pl.ds(0, EC)],
                                      hv[b], sgs[b]).wait()
                pltpu.make_async_copy(e2_hbm.at[pl.ds(0, EC)],
                                      ev[b], ses[b]).wait()
                relu_add(hv[b], ev[b], EC)
                pltpu.make_async_copy(dst_hbm.at[pl.ds(0, EC)],
                                      didx[b], sds[b]).wait()
                pltpu.async_copy(hv[b], acc.at[didx[b]], sscat[b], add=True)

                @pl.when(k >= 1)
                def _():
                    pltpu.make_async_copy(hv[p2], acc.at[pl.ds(0, EC)],
                                          sscat[p2]).wait()

                @pl.when(k + 2 < NCH)
                def _():
                    issue_idx(k + 2, p2)

        pltpu.make_async_copy(hv[(NCH - 1) % 3], acc.at[pl.ds(0, EC)],
                              sscat[(NCH - 1) % 3]).wait()

        if TAIL:
            assert TAIL == 16
            tb = base0 + NCH * EC
            pltpu.sync_copy(src_hbm.at[pl.ds(tb, TAIL)], sidx_t)
            sl = pl.ds(0, 16)
            didx_t[sl] = sidx_t[sl] * 2 + c
            pltpu.sync_copy(h1v_hbm.at[didx_t], h0.at[pl.ds(0, TAIL)])
            pltpu.sync_copy(e2_hbm.at[pl.ds(c * E + tb, TAIL)],
                            e0.at[pl.ds(0, TAIL)])
            relu_add(h0, e0, TAIL)
            pltpu.sync_copy(dst_hbm.at[pl.ds(tb, TAIL)], didx_t)
            pltpu.sync_copy(h0.at[pl.ds(0, TAIL)], acc.at[didx_t], add=True)

        plsc.subcore_barrier()
        _sc_common_drain(acc, out_hbm, c, s, N, DC, sdr)

    return sc_gather_scatter


def _mlp1_body(a0_ref, a1_ref, ne_ref, w1_ref, b1_ref, w2_ref, b2_ref, h_ref):
    h = ne_ref[...].shape[1] // 2
    u0 = a0_ref[...] + ne_ref[0:1, 0:h]
    u1 = a1_ref[...] + ne_ref[0:1, h:2 * h]
    t = (jnp.dot(u0, w1_ref[0:h, :], preferred_element_type=_F32)
         + jnp.dot(u1, w1_ref[h:2 * h, :], preferred_element_type=_F32)
         + b1_ref[...])
    t = jnp.maximum(t, 0.0)
    out = jnp.dot(t, w2_ref[...], preferred_element_type=_F32) + b2_ref[...]
    h_ref[...] = jnp.maximum(out, 0.0)


def _mlp1_call(agg1, ne, w1, b1, w2, b2, N, HID, BN):
    nblk = N // BN
    return pl.pallas_call(
        _mlp1_body,
        grid=(nblk,),
        in_specs=[
            pl.BlockSpec((BN, HID // 2), lambda i: (i, 0)),
            pl.BlockSpec((BN, HID // 2), lambda i, nblk=nblk: (nblk + i, 0)),
            pl.BlockSpec((1, HID), lambda i: (0, 0)),
            pl.BlockSpec((HID, HID), lambda i: (0, 0)),
            pl.BlockSpec((1, HID), lambda i: (0, 0)),
            pl.BlockSpec((HID, HID), lambda i: (0, 0)),
            pl.BlockSpec((1, HID), lambda i: (0, 0)),
        ],
        out_specs=pl.BlockSpec((BN, HID), lambda i: (i, 0)),
        out_shape=jax.ShapeDtypeStruct((N, HID), _F32),
    )(agg1, agg1, ne, w1, b1, w2, b2)


def _mlp2_body(h1_ref, a0_ref, a1_ref, bt_ref, w1_ref, b1_ref, w2_ref, b2_ref,
               wl_ref, bl_ref, h2_ref, out_ref, pool_ref, cnt_ref):
    i = pl.program_id(0)
    nprog = pl.num_programs(0)
    bn, hid = h1_ref[...].shape
    h = hid // 2

    u = h1_ref[...] + jnp.concatenate([a0_ref[...], a1_ref[...]], axis=1)
    t = jnp.dot(u, w1_ref[...], preferred_element_type=_F32) + b1_ref[...]
    t = jnp.maximum(t, 0.0)
    h2 = jnp.dot(t, w2_ref[...], preferred_element_type=_F32) + b2_ref[...]
    h2_ref[...] = h2

    groups = lax.broadcasted_iota(jnp.int32, (1, _NG), 1)
    onehot = (bt_ref[...] == groups).astype(_F32)
    pool_part = lax.dot_general(onehot, h2, (((0,), (0,)), ((), ())),
                                preferred_element_type=_F32)
    cnt_part = lax.dot_general(onehot, jnp.ones((bn, 128), _F32),
                               (((0,), (0,)), ((), ())),
                               preferred_element_type=_F32)

    @pl.when(i == 0)
    def _init():
        pool_ref[...] = jnp.zeros_like(pool_ref)
        cnt_ref[...] = jnp.zeros_like(cnt_ref)

    pool_ref[...] += pool_part
    cnt_ref[...] += cnt_part

    @pl.when(i == nprog - 1)
    def _final():
        outp = jnp.dot(pool_ref[...], wl_ref[...], preferred_element_type=_F32)
        cnt = jnp.maximum(cnt_ref[...], 1.0)
        out_ref[...] = outp / cnt + bl_ref[...]


def _mlp2_call(h1, agg2, batch2, w1, b1, w2, b2, wl, bl, N, HID, OUT, BN):
    nblk = N // BN
    return pl.pallas_call(
        _mlp2_body,
        grid=(nblk,),
        in_specs=[
            pl.BlockSpec((BN, HID), lambda i: (i, 0)),
            pl.BlockSpec((BN, HID // 2), lambda i: (i, 0)),
            pl.BlockSpec((BN, HID // 2), lambda i, nblk=nblk: (nblk + i, 0)),
            pl.BlockSpec((BN, 1), lambda i: (i, 0)),
            pl.BlockSpec((HID, HID), lambda i: (0, 0)),
            pl.BlockSpec((1, HID), lambda i: (0, 0)),
            pl.BlockSpec((HID, HID), lambda i: (0, 0)),
            pl.BlockSpec((1, HID), lambda i: (0, 0)),
            pl.BlockSpec((HID, OUT), lambda i: (0, 0)),
            pl.BlockSpec((1, OUT), lambda i: (0, 0)),
        ],
        out_specs=[
            pl.BlockSpec((BN, HID), lambda i: (i, 0)),
            pl.BlockSpec((_NG, OUT), lambda i: (0, 0)),
        ],
        out_shape=[
            jax.ShapeDtypeStruct((N, HID), _F32),
            jax.ShapeDtypeStruct((_NG, OUT), _F32),
        ],
        scratch_shapes=[
            pltpu.VMEM((_NG, HID), _F32),
            pltpu.VMEM((_NG, OUT), _F32),
        ],
    )(h1, agg2, agg2, batch2, w1, b1, w2, b2, wl, bl)


def kernel(x, edge_index, edge_attr, batch, node_emb, We1, be1, W11, b11,
           W12, b12, We2, be2, W21, b21, W22, b22, Wlin, blin):
    N = x.shape[0]
    E = edge_index.shape[1]
    EDIM = edge_attr.shape[1]
    HID = We1.shape[1]
    OUT = Wlin.shape[1]

    src = edge_index[0]
    dst = edge_index[1]
    ne = node_emb.reshape(1, HID)
    be1r = be1.reshape(1, HID)
    be2r = be2.reshape(1, HID)
    b11r = b11.reshape(1, HID)
    b12r = b12.reshape(1, HID)
    b21r = b21.reshape(1, HID)
    b22r = b22.reshape(1, HID)
    blinr = blin.reshape(1, OUT)

    BE = 2000
    BN = 2000

    msg1, e2 = _edge_call(edge_attr, ne, We1, be1r, We2, be2r,
                          E, EDIM, HID, BE)

    sc1 = _make_sc_scatter(N, E, 64, 40)
    agg1 = sc1(msg1, dst)

    h1 = _mlp1_call(agg1, ne, W11, b11r, W12, b12r, N, HID, BN)
    h1v = h1.reshape(2 * N, HID // 2)

    sc2 = _make_sc_gather_scatter(N, E, 64, 40)
    agg2 = sc2(e2, h1v, src, dst)

    h2, out = _mlp2_call(h1, agg2, batch.reshape(N, 1), W21, b21r, W22, b22r,
                         Wlin, blinr, N, HID, OUT, BN)
    return (out, h2)

# --- scband reference (transcript-rebuilt; emitter-appended) ---
"""Pipeline reference for scband-simple-gine-395136991279 (READ-ONLY COPY).

The authoritative reference and input builder live on the scoring server;
editing this copy changes nothing except your own understanding.
"""

import jax, jax.numpy as jnp
import numpy as np

N = 10000
E = 160000
HID = 256
OUT = 128
NG = 64
EDIM = 7

def _init(key, shape, fan_in):
    return jax.random.normal(key, shape, dtype=jnp.float32) * (1.0 / np.sqrt(fan_in))

def setup_inputs(seed: int = 0):
    key = jax.random.key(seed)
    ks = jax.random.split(key, 24)
    inp = {}
    inp["x"] = jnp.zeros((N,), dtype=jnp.int32)
    inp["edge_index"] = jax.random.randint(ks[0], (2, E), 0, N, dtype=jnp.int32)
    inp["edge_attr"] = jax.random.normal(ks[1], (E, EDIM), dtype=jnp.float32)
    inp["batch"] = jnp.sort(jax.random.randint(ks[2], (N,), 0, NG, dtype=jnp.int32))
    inp["node_emb"] = jax.random.normal(ks[3], (1, HID), dtype=jnp.float32)
    inp["We1"] = _init(ks[4], (EDIM, HID), EDIM)
    inp["be1"] = jnp.zeros((HID,), jnp.float32)
    inp["W11"] = _init(ks[5], (HID, HID), HID)
    inp["b11"] = jnp.zeros((HID,), jnp.float32)
    inp["W12"] = _init(ks[6], (HID, HID), HID)
    inp["b12"] = jnp.zeros((HID,), jnp.float32)
    inp["We2"] = _init(ks[7], (EDIM, HID), EDIM)
    inp["be2"] = jnp.zeros((HID,), jnp.float32)
    inp["W21"] = _init(ks[8], (HID, HID), HID)
    inp["b21"] = jnp.zeros((HID,), jnp.float32)
    inp["W22"] = _init(ks[9], (HID, HID), HID)
    inp["b22"] = jnp.zeros((HID,), jnp.float32)
    inp["Wlin"] = _init(ks[10], (HID, OUT), HID)
    inp["blin"] = jnp.zeros((OUT,), jnp.float32)
    return inp

def _gine_conv(h, edge_index, edge_attr, We, be, W1, b1, W2, b2):
    # GINEConv (eps=0): out = nn(x + sum_{j->i} relu(x_j + lin_edge(e_ji)))
    src = edge_index[0]
    dst = edge_index[1]
    e = edge_attr @ We + be
    msg = jax.nn.relu(jnp.take(h, src, axis=0) + e)
    agg = jax.ops.segment_sum(msg, dst, num_segments=h.shape[0])
    out = h + agg
    out = jax.nn.relu(out @ W1 + b1) @ W2 + b2
    return out

def reference(x, edge_index, edge_attr, batch, node_emb, We1, be1, W11, b11, W12, b12, We2, be2, W21, b21, W22, b22, Wlin, blin):
    h = jnp.take(node_emb, x, axis=0)
    h = _gine_conv(h, edge_index, edge_attr, We1, be1, W11, b11, W12, b12)
    h = jax.nn.relu(h)
    h = _gine_conv(h, edge_index, edge_attr, We2, be2, W21, b21, W22, b22)
    node_embeddings = h
    counts = jax.ops.segment_sum(jnp.ones((h.shape[0],), jnp.float32), batch, num_segments=NG)
    pooled = jax.ops.segment_sum(h, batch, num_segments=NG) / jnp.clip(counts, 1.0)[:, None]
    out = pooled @ Wlin + blin
    return (out, node_embeddings)

if __name__ == "__main__":
    import jax
    _d = setup_inputs()
    print(jax.jit(kernel)(*tuple(_d.values())))

</pallas_src>

<mosaic_0001>
#map = affine_map<(d0, d1) -> (0, 0)>
#map1 = affine_map<(d0, d1) -> (0)>
module attributes {stable_mosaic.version = 14 : i64} {
  func.func @sc_scatter(%arg0: i32, %arg1: i32, %arg2: memref<320000x128xf32, #tpu.memory_space<hbm>>, %arg3: memref<160000xi32, #tpu.memory_space<hbm>>, %arg4: memref<20000x128xf32, #tpu.memory_space<hbm>>, %arg5: memref<10000x128xf32, #tpu.memory_space<vmem_shared>>, %arg6: memref<64xi32, #tpu.memory_space<vmem>>, %arg7: memref<64xi32, #tpu.memory_space<vmem>>, %arg8: memref<64xi32, #tpu.memory_space<vmem>>, %arg9: memref<64x128xf32, #tpu.memory_space<vmem>>, %arg10: memref<64x128xf32, #tpu.memory_space<vmem>>, %arg11: memref<64x128xf32, #tpu.memory_space<vmem>>, %arg12: memref<16xi32, #tpu.memory_space<vmem>>, %arg13: memref<16x128xf32, #tpu.memory_space<vmem>>, %arg14: memref<!tpu.dma_semaphore, #tpu.memory_space<semaphore_mem>>, %arg15: memref<!tpu.dma_semaphore, #tpu.memory_space<semaphore_mem>>, %arg16: memref<!tpu.dma_semaphore, #tpu.memory_space<semaphore_mem>>, %arg17: memref<!tpu.dma_semaphore, #tpu.memory_space<semaphore_mem>>, %arg18: memref<!tpu.dma_semaphore, #tpu.memory_space<semaphore_mem>>, %arg19: memref<!tpu.dma_semaphore, #tpu.memory_space<semaphore_mem>>, %arg20: memref<!tpu.dma_semaphore, #tpu.memory_space<semaphore_mem>>, %arg21: memref<!tpu.dma_semaphore, #tpu.memory_space<semaphore_mem>>, %arg22: memref<!tpu.dma_semaphore, #tpu.memory_space<semaphore_mem>>, %arg23: memref<!tpu.dma_semaphore, #tpu.memory_space<semaphore_mem>>) attributes {dimension_semantics = [#tpu.dimension_semantics<core_parallel>, #tpu.dimension_semantics<subcore_parallel>], iteration_bounds = array<i64: 2, 16>, scalar_prefetch = 0 : i64, scratch_operands = 19 : i64, tpu.core_type = #tpu.core_type<sc_vector_subcore>, window_params = [{transform_indices = #map}, {transform_indices = #map1}, {transform_indices = #map}]} {
    %scan3A = arith.constant 0 : i32
    %scan3A_0 = arith.constant 64 : i32
    %scan3A_1 = arith.addi %scan3A, %scan3A_0 : i32
    %scan3A_2 = arith.constant 1 : i32
    scf.for %scan3A_60 = %scan3A to %scan3A_1 step %scan3A_2  : i32 {
      %mul3A_61 = arith.constant 1 : i32
      %mul3A_62 = arith.muli %scan3A_60, %mul3A_61 : i32
      %add3A_63 = arith.constant 0 : i32
      %add3A_64 = arith.addi %add3A_63, %mul3A_62 : i32
      %broadcast_in_dim3A = arith.constant 0.000000e+00 : f32
      %broadcast_in_dim3A_65 = vector.broadcast %broadcast_in_dim3A : f32 to vector<16xf32>
      %swap3A = arith.index_cast %add3A_64 : i32 to index
      %swap3A_66 = arith.constant 0 : index
      %swap3A_67 = tpu.vector_load %arg9[%swap3A, %swap3A_66] {strides = array<i32>} : memref<64x128xf32, #tpu.memory_space<vmem>>, vector<1x16xf32>,
      %swap3A_68 = vector.shape_cast %swap3A_67 : vector<1x16xf32> to vector<16xf32>
      %swap3A_69 = vector.shape_cast %broadcast_in_dim3A_65 : vector<16xf32> to vector<1x16xf32>
      tpu.vector_store %arg9[%swap3A, %swap3A_66], %swap3A_69 {strides = array<i32>} : memref<64x128xf32, #tpu.memory_space<vmem>>, vector<1x16xf32>,
      %broadcast_in_dim3A_70 = arith.constant 0.000000e+00 : f32
      %broadcast_in_dim3A_71 = vector.broadcast %broadcast_in_dim3A_70 : f32 to vector<16xf32>
      %swap3A_72 = arith.index_cast %add3A_64 : i32 to index
      %swap3A_73 = arith.constant 16 : index
      %swap3A_74 = tpu.vector_load %arg9[%swap3A_72, %swap3A_73] {strides = array<i32>} : memref<64x128xf32, #tpu.memory_space<vmem>>, vector<1x16xf32>,
      %swap3A_75 = vector.shape_cast %swap3A_74 : vector<1x16xf32> to vector<16xf32>
      %swap3A_76 = vector.shape_cast %broadcast_in_dim3A_71 : vector<16xf32> to vector<1x16xf32>
      tpu.vector_store %arg9[%swap3A_72, %swap3A_73], %swap3A_76 {strides = array<i32>} : memref<64x128xf32, #tpu.memory_space<vmem>>, vector<1x16xf32>,
      %broadcast_in_dim3A_77 = arith.constant 0.000000e+00 : f32
      %broadcast_in_dim3A_78 = vector.broadcast %broadcast_in_dim3A_77 : f32 to vector<16xf32>
      %swap3A_79 = arith.index_cast %add3A_64 : i32 to index
      %swap3A_80 = arith.constant 32 : index
      %swap3A_81 = tpu.vector_load %arg9[%swap3A_79, %swap3A_80] {strides = array<i32>} : memref<64x128xf32, #tpu.memory_space<vmem>>, vector<1x16xf32>,
      %swap3A_82 = vector.shape_cast %swap3A_81 : vector<1x16xf32> to vector<16xf32>
      %swap3A_83 = vector.shape_cast %broadcast_in_dim3A_78 : vector<16xf32> to vector<1x16xf32>
      tpu.vector_store %arg9[%swap3A_79, %swap3A_80], %swap3A_83 {strides = array<i32>} : memref<64x128xf32, #tpu.memory_space<vmem>>, vector<1x16xf32>,
      %broadcast_in_dim3A_84 = arith.constant 0.000000e+00 : f32
      %broadcast_in_dim3A_85 = vector.broadcast %broadcast_in_dim3A_84 : f32 to vector<16xf32>
      %swap3A_86 = arith.index_cast %add3A_64 : i32 to index
      %swap3A_87 = arith.constant 48 : index
      %swap3A_88 = tpu.vector_load %arg9[%swap3A_86, %swap3A_87] {strides = array<i32>} : memref<64x128xf32, #tpu.memory_space<vmem>>, vector<1x16xf32>,
      %swap3A_89 = vector.shape_cast %swap3A_88 : vector<1x16xf32> to vector<16xf32>
      %swap3A_90 = vector.shape_cast %broadcast_in_dim3A_85 : vector<16xf32> to vector<1x16xf32>
      tpu.vector_store %arg9[%swap3A_86, %swap3A_87], %swap3A_90 {strides = array<i32>} : memref<64x128xf32, #tpu.memory_space<vmem>>, vector<1x16xf32>,
      %broadcast_in_dim3A_91 = arith.constant 0.000000e+00 : f32
      %broadcast_in_dim3A_92 = vector.broadcast %broadcast_in_dim3A_91 : f32 to vector<16xf32>
      %swap3A_93 = arith.index_cast %add3A_64 : i32 to index
      %swap3A_94 = arith.constant 64 : index
      %swap3A_95 = tpu.vector_load %arg9[%swap3A_93, %swap3A_94] {strides = array<i32>} : memref<64x128xf32, #tpu.memory_space<vmem>>, vector<1x16xf32>,
      %swap3A_96 = vector.shape_cast %swap3A_95 : vector<1x16xf32> to vector<16xf32>
      %swap3A_97 = vector.shape_cast %broadcast_in_dim3A_92 : vector<16xf32> to vector<1x16xf32>
      tpu.vector_store %arg9[%swap3A_93, %swap3A_94], %swap3A_97 {strides = array<i32>} : memref<64x128xf32, #tpu.memory_space<vmem>>, vector<1x16xf32>,
      %broadcast_in_dim3A_98 = arith.constant 0.000000e+00 : f32
      %broadcast_in_dim3A_99 = vector.broadcast %broadcast_in_dim3A_98 : f32 to vector<16xf32>
      %swap3A_100 = arith.index_cast %add3A_64 : i32 to index
      %swap3A_101 = arith.constant 80 : index
      %swap3A_102 = tpu.vector_load %arg9[%swap3A_100, %swap3A_101] {strides = array<i32>} : memref<64x128xf32, #tpu.memory_space<vmem>>, vector<1x16xf32>,
      %swap3A_103 = vector.shape_cast %swap3A_102 : vector<1x16xf32> to vector<16xf32>
      %swap3A_104 = vector.shape_cast %broadcast_in_dim3A_99 : vector<16xf32> to vector<1x16xf32>
      tpu.vector_store %arg9[%swap3A_100, %swap3A_101], %swap3A_104 {strides = array<i32>} : memref<64x128xf32, #tpu.memory_space<vmem>>, vector<1x16xf32>,
      %broadcast_in_dim3A_105 = arith.constant 0.000000e+00 : f32
      %broadcast_in_dim3A_106 = vector.broadcast %broadcast_in_dim3A_105 : f32 to vector<16xf32>
      %swap3A_107 = arith.index_cast %add3A_64 : i32 to index
      %swap3A_108 = arith.constant 96 : index
      %swap3A_109 = tpu.vector_load %arg9[%swap3A_107, %swap3A_108] {strides = array<i32>} : memref<64x128xf32, #tpu.memory_space<vmem>>, vector<1x16xf32>,
      %swap3A_110 = vector.shape_cast %swap3A_109 : vector<1x16xf32> to vector<16xf32>
      %swap3A_111 = vector.shape_cast %broadcast_in_dim3A_106 : vector<16xf32> to vector<1x16xf32>
      tpu.vector_store %arg9[%swap3A_107, %swap3A_108], %swap3A_111 {strides = array<i32>} : memref<64x128xf32, #tpu.memory_space<vmem>>, vector<1x16xf32>,
      %broadcast_in_dim3A_112 = arith.constant 0.000000e+00 : f32
      %broadcast_in_dim3A_113 = vector.broadcast %broadcast_in_dim3A_112 : f32 to vector<16xf32>
      %swap3A_114 = arith.index_cast %add3A_64 : i32 to index
      %swap3A_115 = arith.constant 112 : index
      %swap3A_116 = tpu.vector_load %arg9[%swap3A_114, %swap3A_115] {strides = array<i32>} : memref<64x128xf32, #tpu.memory_space<vmem>>, vector<1x16xf32>,
      %swap3A_117 = vector.shape_cast %swap3A_116 : vector<1x16xf32> to vector<16xf32>
      %swap3A_118 = vector.shape_cast %broadcast_in_dim3A_113 : vector<16xf32> to vector<1x16xf32>
      tpu.vector_store %arg9[%swap3A_114, %swap3A_115], %swap3A_118 {strides = array<i32>} : memref<64x128xf32, #tpu.memory_space<vmem>>, vector<1x16xf32>,
    }
    %scan3A_3 = arith.constant 64 : i32
    %scan3A_4 = arith.constant 0 : i32
    %scan3A_5 = arith.constant 16 : i32
    %scan3A_6 = arith.addi %scan3A_4, %scan3A_5 : i32
    %scan3A_7 = arith.constant 1 : i32
    scf.for %scan3A_60 = %scan3A_4 to %scan3A_6 step %scan3A_7  : i32 {
      %mul3A_61 = arith.constant 1 : i32
      %mul3A_62 = arith.muli %scan3A_60, %mul3A_61 : i32
      %add3A_63 = arith.constant 0 : i32
      %add3A_64 = arith.addi %add3A_63, %mul3A_62 : i32
      %mul3A_65 = arith.constant 16 : i32
      %mul3A_66 = arith.muli %add3A_64, %mul3A_65 : i32
      %add3A_67 = arith.addi %arg1, %mul3A_66 : i32
      %lt3A = arith.constant 250 : i32
      %lt3A_68 = arith.cmpi slt, %add3A_67, %lt3A : i32
      %convert_element_type3A = arith.extui %lt3A_68 : i1 to i32
      %cond3A = arith.constant 0 : i32
      %cond3A_69 = arith.cmpi ne, %convert_element_type3A, %cond3A : i32
      scf.if %cond3A_69 {
        %mul3A_70 = arith.constant 40 : i32
        %mul3A_71 = arith.muli %add3A_67, %mul3A_70 : i32
        "tpu.region"() ({
          %run_scoped3A = tpu.sem_alloc : memref<!tpu.dma_semaphore, #tpu.memory_space<semaphore_mem>>
          %dma_start3A_72 = arith.constant 0 : i32
          %dma_start3A_73 = arith.constant 0 : i32
          %dma_start3A_74 = tpu.memref_slice %arg9[%dma_start3A_72, %dma_start3A_73] : memref<64x128xf32, #tpu.memory_space<vmem>> -> memref<40x128xf32, #tpu.memory_space<vmem>>
          %dma_start3A_75 = arith.constant 0 : i32
          %dma_start3A_76 = tpu.memref_slice %arg5[%mul3A_71, %dma_start3A_75] : memref<10000x128xf32, #tpu.memory_space<vmem_shared>> -> memref<40x128xf32, #tpu.memory_space<vmem_shared>>
          %dma_start3A_77 = arith.constant 0 : i32
          %dma_start3A_78 = tpu.memref_slice %arg5[%mul3A_71, %dma_start3A_77] : memref<10000x128xf32, #tpu.memory_space<vmem_shared>> -> memref<40x128xf32, #tpu.memory_space<vmem_shared>>
          %dma_start3A_79 = arith.constant 0 : i32
          %dma_start3A_80 = arith.constant 0 : i32
          %dma_start3A_81 = tpu.memref_slice %arg9[%dma_start3A_79, %dma_start3A_80] : memref<64x128xf32, #tpu.memory_space<vmem>> -> memref<40x128xf32, #tpu.memory_space<vmem>>
          tpu.enqueue_dma source(%dma_start3A_81 : memref<40x128xf32, #tpu.memory_space<vmem>>) target(%dma_start3A_78 : memref<40x128xf32, #tpu.memory_space<vmem_shared>>) target_semaphore(%run_scoped3A : memref<!tpu.dma_semaphore, #tpu.memory_space<semaphore_mem>>)
          %dma_wait3A_82 = arith.constant 0 : i32
          %dma_wait3A_83 = arith.constant 0 : i32
          %dma_wait3A_84 = tpu.memref_slice %arg9[%dma_wait3A_82, %dma_wait3A_83] : memref<64x128xf32, #tpu.memory_space<vmem>> -> memref<40x128xf32, #tpu.memory_space<vmem>>
          %dma_wait3A_85 = arith.constant 0 : i32
          %dma_wait3A_86 = tpu.memref_slice %arg5[%mul3A_71, %dma_wait3A_85] : memref<10000x128xf32, #tpu.memory_space<vmem_shared>> -> memref<40x128xf32, #tpu.memory_space<vmem_shared>>
          %dma_wait3A_87 = arith.constant 0 : i32
          %dma_wait3A_88 = tpu.memref_slice %arg5[%mul3A_71, %dma_wait3A_87] : memref<10000x128xf32, #tpu.memory_space<vmem_shared>> -> memref<40x128xf32, #tpu.memory_space<vmem_shared>>
          %dma_wait3A_89 = arith.constant 0 : i32
          %dma_wait3A_90 = arith.constant 0 : i32
          %dma_wait3A_91 = tpu.memref_slice %arg9[%dma_wait3A_89, %dma_wait3A_90] : memref<64x128xf32, #tpu.memory_space<vmem>> -> memref<40x128xf32, #tpu.memory_space<vmem>>
          tpu.wait_dma2 semaphore(%run_scoped3A : memref<!tpu.dma_semaphore, #tpu.memory_space<semaphore_mem>>) src(%dma_wait3A_91 : memref<40x128xf32, #tpu.memory_space<vmem>>) dst(%dma_wait3A_88 : memref<40x128xf32, #tpu.memory_space<vmem_shared>>)
          tpu.yield
        }) : () -> ()
      } else {
      }
    }
    %scan3A_8 = arith.constant 16 : i32
    %barrier3A = arith.constant 0 : index
    tpu.barrier barrier_id(%barrier3A)
    %mul3A = arith.constant 10000 : i32
    %mul3A_9 = arith.muli %arg1, %mul3A : i32
    %add3A = arith.constant 0 : i32
    %add3A_10 = arith.addi %mul3A_9, %add3A : i32
    %dma_start3A = tpu.memref_slice %arg3[%add3A_10] : memref<160000xi32, #tpu.memory_space<hbm>> -> memref<64xi32, #tpu.memory_space<hbm>>
    %dma_start3A_11 = tpu.memref_slice %arg3[%add3A_10] : memref<160000xi32, #tpu.memory_space<hbm>> -> memref<64xi32, #tpu.memory_space<hbm>>
    tpu.enqueue_dma source(%dma_start3A_11 : memref<64xi32, #tpu.memory_space<hbm>>) target(%arg6 : memref<64xi32, #tpu.memory_space<vmem>>) target_semaphore(%arg14 : memref<!tpu.dma_semaphore, #tpu.memory_space<semaphore_mem>>)
    %mul3A_12 = arith.constant 160000 : i32
    %mul3A_13 = arith.muli %arg0, %mul3A_12 : i32
    %add3A_14 = arith.addi %mul3A_13, %mul3A_9 : i32
    %add3A_15 = arith.constant 0 : i32
    %add3A_16 = arith.addi %add3A_14, %add3A_15 : i32
    %dma_start3A_17 = arith.constant 0 : i32
    %dma_start3A_18 = tpu.memref_slice %arg2[%add3A_16, %dma_start3A_17] : memref<320000x128xf32, #tpu.memory_space<hbm>> -> memref<64x128xf32, #tpu.memory_space<hbm>>
    %dma_start3A_19 = arith.constant 0 : i32
    %dma_start3A_20 = tpu.memref_slice %arg2[%add3A_16, %dma_start3A_19] : memref<320000x128xf32, #tpu.memory_space<hbm>> -> memref<64x128xf32, #tpu.memory_space<hbm>>
    tpu.enqueue_dma source(%dma_start3A_20 : memref<64x128xf32, #tpu.memory_space<hbm>>) target(%arg9 : memref<64x128xf32, #tpu.memory_space<vmem>>) target_semaphore(%arg17 : memref<!tpu.dma_semaphore, #tpu.memory_space<semaphore_mem>>)
    %add3A_21 = arith.constant 64 : i32
    %add3A_22 = arith.addi %mul3A_9, %add3A_21 : i32
    %dma_start3A_23 = tpu.memref_slice %arg3[%add3A_22] : memref<160000xi32, #tpu.memory_space<hbm>> -> memref<64xi32, #tpu.memory_space<hbm>>
    %dma_start3A_24 = tpu.memref_slice %arg3[%add3A_22] : memref<160000xi32, #tpu.memory_space<hbm>> -> memref<64xi32, #tpu.memory_space<hbm>>
    tpu.enqueue_dma source(%dma_start3A_24 : memref<64xi32, #tpu.memory_space<hbm>>) target(%arg7 : memref<64xi32, #tpu.memory_space<vmem>>) target_semaphore(%arg15 : memref<!tpu.dma_semaphore, #tpu.memory_space<semaphore_mem>>)
    %mul3A_25 = arith.constant 160000 : i32
    %mul3A_26 = arith.muli %arg0, %mul3A_25 : i32
    %add3A_27 = arith.addi %mul3A_26, %mul3A_9 : i32
    %add3A_28 = arith.constant 64 : i32
    %add3A_29 = arith.addi %add3A_27, %add3A_28 : i32
    %dma_start3A_30 = arith.constant 0 : i32
    %dma_start3A_31 = tpu.memref_slice %arg2[%add3A_29, %dma_start3A_30] : memref<320000x128xf32, #tpu.memory_space<hbm>> -> memref<64x128xf32, #tpu.memory_space<hbm>>
    %dma_start3A_32 = arith.constant 0 : i32
    %dma_start3A_33 = tpu.memref_slice %arg2[%add3A_29, %dma_start3A_32] : memref<320000x128xf32, #tpu.memory_space<hbm>> -> memref<64x128xf32, #tpu.memory_space<hbm>>
    tpu.enqueue_dma source(%dma_start3A_33 : memref<64x128xf32, #tpu.memory_space<hbm>>) target(%arg10 : memref<64x128xf32, #tpu.memory_space<vmem>>) target_semaphore(%arg18 : memref<!tpu.dma_semaphore, #tpu.memory_space<semaphore_mem>>)
    %scan3A_34 = arith.constant 0 : i32
    %scan3A_35 = arith.constant 52 : i32
    %scan3A_36 = arith.addi %scan3A_34, %scan3A_35 : i32
    %scan3A_37 = arith.constant 1 : i32
    scf.for %scan3A_60 = %scan3A_34 to %scan3A_36 step %scan3A_37  : i32 {
      %mul3A_61 = arith.constant 1 : i32
      %mul3A_62 = arith.muli %scan3A_60, %mul3A_61 : i32
      %add3A_63 = arith.constant 0 : i32
      %add3A_64 = arith.addi %add3A_63, %mul3A_62 : i32
      %mul3A_65 = arith.constant 3 : i32
      %mul3A_66 = arith.muli %add3A_64, %mul3A_65 : i32
      %add3A_67 = arith.constant 0 : i32
      %add3A_68 = arith.addi %mul3A_66, %add3A_67 : i32
      %dma_wait3A_69 = arith.constant 0 : i32
      %dma_wait3A_70 = tpu.memref_slice %arg3[%dma_wait3A_69] : memref<160000xi32, #tpu.memory_space<hbm>> -> memref<64xi32, #tpu.memory_space<hbm>>
      %dma_wait3A_71 = arith.constant 0 : i32
      %dma_wait3A_72 = tpu.memref_slice %arg3[%dma_wait3A_71] : memref<160000xi32, #tpu.memory_space<hbm>> -> memref<64xi32, #tpu.memory_space<hbm>>
      tpu.wait_dma2 semaphore(%arg14 : memref<!tpu.dma_semaphore, #tpu.memory_space<semaphore_mem>>) src(%dma_wait3A_72 : memref<64xi32, #tpu.memory_space<hbm>>) dst(%arg6 : memref<64xi32, #tpu.memory_space<vmem>>)
      %dma_wait3A_73 = arith.constant 0 : i32
      %dma_wait3A_74 = arith.constant 0 : i32
      %dma_wait3A_75 = tpu.memref_slice %arg2[%dma_wait3A_73, %dma_wait3A_74] : memref<320000x128xf32, #tpu.memory_space<hbm>> -> memref<64x128xf32, #tpu.memory_space<hbm>>
      %dma_wait3A_76 = arith.constant 0 : i32
      %dma_wait3A_77 = arith.constant 0 : i32
      %dma_wait3A_78 = tpu.memref_slice %arg2[%dma_wait3A_76, %dma_wait3A_77] : memref<320000x128xf32, #tpu.memory_space<hbm>> -> memref<64x128xf32, #tpu.memory_space<hbm>>
      tpu.wait_dma2 semaphore(%arg17 : memref<!tpu.dma_semaphore, #tpu.memory_space<semaphore_mem>>) src(%dma_wait3A_78 : memref<64x128xf32, #tpu.memory_space<hbm>>) dst(%arg9 : memref<64x128xf32, #tpu.memory_space<vmem>>)
      %dma_start3A_79 = arith.constant 0 : i32
      %dma_start3A_80 = arith.constant 0 : i32
      %dma_start3A_81 = tpu.memref_slice %arg5[%dma_start3A_79, %dma_start3A_80] : memref<10000x128xf32, #tpu.memory_space<vmem_shared>> -> memref<10000x128xf32, #tpu.memory_space<vmem_shared>>
      tpu.enqueue_indirect_dma source(%arg9 : memref<64x128xf32, #tpu.memory_space<vmem>>) target(%dma_start3A_81 : memref<10000x128xf32, #tpu.memory_space<vmem_shared>>) offsets(%arg6 : memref<64xi32, #tpu.memory_space<vmem>>) semaphore(%arg20 : memref<!tpu.dma_semaphore, #tpu.memory_space<semaphore_mem>>) {add = true}
      %ge3A = arith.constant 1 : i32
      %ge3A_82 = arith.cmpi sge, %add3A_68, %ge3A : i32
      %convert_element_type3A = arith.extui %ge3A_82 : i1 to i32
      %cond3A = arith.constant 0 : i32
      %cond3A_83 = arith.cmpi ne, %convert_element_type3A, %cond3A : i32
      scf.if %cond3A_83 {
        %dma_wait3A_148 = arith.constant 0 : i32
        %dma_wait3A_149 = arith.constant 0 : i32
        %dma_wait3A_150 = tpu.memref_slice %arg5[%dma_wait3A_148, %dma_wait3A_149] : memref<10000x128xf32, #tpu.memory_space<vmem_shared>> -> memref<64x128xf32, #tpu.memory_space<vmem_shared>>
        %dma_wait3A_151 = arith.constant 0 : i32
        %dma_wait3A_152 = arith.constant 0 : i32
        %dma_wait3A_153 = tpu.memref_slice %arg5[%dma_wait3A_151, %dma_wait3A_152] : memref<10000x128xf32, #tpu.memory_space<vmem_shared>> -> memref<64x128xf32, #tpu.memory_space<vmem_shared>>
        tpu.wait_dma2 semaphore(%arg22 : memref<!tpu.dma_semaphore, #tpu.memory_space<semaphore_mem>>) src(%arg11 : memref<64x128xf32, #tpu.memory_space<vmem>>) dst(%dma_wait3A_153 : memref<64x128xf32, #tpu.memory_space<vmem_shared>>)
      } else {
      }
      %add3A_84 = arith.constant 2 : i32
      %add3A_85 = arith.addi %add3A_68, %add3A_84 : i32
      %lt3A = arith.constant 156 : i32
      %lt3A_86 = arith.cmpi slt, %add3A_85, %lt3A : i32
      %convert_element_type3A_87 = arith.extui %lt3A_86 : i1 to i32
      %cond3A_88 = arith.constant 0 : i32
      %cond3A_89 = arith.cmpi ne, %convert_element_type3A_87, %cond3A_88 : i32
      scf.if %cond3A_89 {
        %add3A_148 = arith.constant 2 : i32
        %add3A_149 = arith.addi %add3A_68, %add3A_148 : i32
        %mul3A_150 = arith.constant 64 : i32
        %mul3A_151 = arith.muli %add3A_149, %mul3A_150 : i32
        %add3A_152 = arith.addi %mul3A_9, %mul3A_151 : i32
        %dma_start3A_153 = tpu.memref_slice %arg3[%add3A_152] : memref<160000xi32, #tpu.memory_space<hbm>> -> memref<64xi32, #tpu.memory_space<hbm>>
        %dma_start3A_154 = tpu.memref_slice %arg3[%add3A_152] : memref<160000xi32, #tpu.memory_space<hbm>> -> memref<64xi32, #tpu.memory_space<hbm>>
        tpu.enqueue_dma source(%dma_start3A_154 : memref<64xi32, #tpu.memory_space<hbm>>) target(%arg8 : memref<64xi32, #tpu.memory_space<vmem>>) target_semaphore(%arg16 : memref<!tpu.dma_semaphore, #tpu.memory_space<semaphore_mem>>)
        %mul3A_155 = arith.constant 160000 : i32
        %mul3A_156 = arith.muli %arg0, %mul3A_155 : i32
        %add3A_157 = arith.addi %mul3A_156, %mul3A_9 : i32
        %mul3A_158 = arith.constant 64 : i32
        %mul3A_159 = arith.muli %add3A_149, %mul3A_158 : i32
        %add3A_160 = arith.addi %add3A_157, %mul3A_159 : i32
        %dma_start3A_161 = arith.constant 0 : i32
        %dma_start3A_162 = tpu.memref_slice %arg2[%add3A_160, %dma_start3A_161] : memref<320000x128xf32, #tpu.memory_space<hbm>> -> memref<64x128xf32, #tpu.memory_space<hbm>>
        %dma_start3A_163 = arith.constant 0 : i32
        %dma_start3A_164 = tpu.memref_slice %arg2[%add3A_160, %dma_start3A_163] : memref<320000x128xf32, #tpu.memory_space<hbm>> -> memref<64x128xf32, #tpu.memory_space<hbm>>
        tpu.enqueue_dma source(%dma_start3A_164 : memref<64x128xf32, #tpu.memory_space<hbm>>) target(%arg11 : memref<64x128xf32, #tpu.memory_space<vmem>>) target_semaphore(%arg19 : memref<!tpu.dma_semaphore, #tpu.memory_space<semaphore_mem>>)
      } else {
      }
      %mul3A_90 = arith.constant 3 : i32
      %mul3A_91 = arith.muli %add3A_64, %mul3A_90 : i32
      %add3A_92 = arith.constant 1 : i32
      %add3A_93 = arith.addi %mul3A_91, %add3A_92 : i32
      %dma_wait3A_94 = arith.constant 0 : i32
      %dma_wait3A_95 = tpu.memref_slice %arg3[%dma_wait3A_94] : memref<160000xi32, #tpu.memory_space<hbm>> -> memref<64xi32, #tpu.memory_space<hbm>>
      %dma_wait3A_96 = arith.constant 0 : i32
      %dma_wait3A_97 = tpu.memref_slice %arg3[%dma_wait3A_96] : memref<160000xi32, #tpu.memory_space<hbm>> -> memref<64xi32, #tpu.memory_space<hbm>>
      tpu.wait_dma2 semaphore(%arg15 : memref<!tpu.dma_semaphore, #tpu.memory_space<semaphore_mem>>) src(%dma_wait3A_97 : memref<64xi32, #tpu.memory_space<hbm>>) dst(%arg7 : memref<64xi32, #tpu.memory_space<vmem>>)
      %dma_wait3A_98 = arith.constant 0 : i32
      %dma_wait3A_99 = arith.constant 0 : i32
      %dma_wait3A_100 = tpu.memref_slice %arg2[%dma_wait3A_98, %dma_wait3A_99] : memref<320000x128xf32, #tpu.memory_space<hbm>> -> memref<64x128xf32, #tpu.memory_space<hbm>>
      %dma_wait3A_101 = arith.constant 0 : i32
      %dma_wait3A_102 = arith.constant 0 : i32
      %dma_wait3A_103 = tpu.memref_slice %arg2[%dma_wait3A_101, %dma_wait3A_102] : memref<320000x128xf32, #tpu.memory_space<hbm>> -> memref<64x128xf32, #tpu.memory_space<hbm>>
      tpu.wait_dma2 semaphore(%arg18 : memref<!tpu.dma_semaphore, #tpu.memory_space<semaphore_mem>>) src(%dma_wait3A_103 : memref<64x128xf32, #tpu.memory_space<hbm>>) dst(%arg10 : memref<64x128xf32, #tpu.memory_space<vmem>>)
      %dma_start3A_104 = arith.constant 0 : i32
      %dma_start3A_105 = arith.constant 0 : i32
      %dma_start3A_106 = tpu.memref_slice %arg5[%dma_start3A_104, %dma_start3A_105] : memref<10000x128xf32, #tpu.memory_space<vmem_shared>> -> memref<10000x128xf32, #tpu.memory_space<vmem_shared>>
      tpu.enqueue_indirect_dma source(%arg10 : memref<64x128xf32, #tpu.memory_space<vmem>>) target(%dma_start3A_106 : memref<10000x128xf32, #tpu.memory_space<vmem_shared>>) offsets(%arg7 : memref<64xi32, #tpu.memory_space<vmem>>) semaphore(%arg21 : memref<!tpu.dma_semaphore, #tpu.memory_space<semaphore_mem>>) {add = true}
      %ge3A_107 = arith.constant 1 : i32
      %ge3A_108 = arith.cmpi sge, %add3A_93, %ge3A_107 : i32
      %convert_element_type3A_109 = arith.extui %ge3A_108 : i1 to i32
      %cond3A_110 = arith.constant 0 : i32
      %cond3A_111 = arith.cmpi ne, %convert_element_type3A_109, %cond3A_110 : i32
      scf.if %cond3A_111 {
        %dma_wait3A_148 = arith.constant 0 : i32
        %dma_wait3A_149 = arith.constant 0 : i32
        %dma_wait3A_150 = tpu.memref_slice %arg5[%dma_wait3A_148, %dma_wait3A_149] : memref<10000x128xf32, #tpu.memory_space<vmem_shared>> -> memref<64x128xf32, #tpu.memory_space<vmem_shared>>
        %dma_wait3A_151 = arith.constant 0 : i32
        %dma_wait3A_152 = arith.constant 0 : i32
        %dma_wait3A_153 = tpu.memref_slice %arg5[%dma_wait3A_151, %dma_wait3A_152] : memref<10000x128xf32, #tpu.memory_space<vmem_shared>> -> memref<64x128xf32, #tpu.memory_space<vmem_shared>>
        tpu.wait_dma2 semaphore(%arg20 : memref<!tpu.dma_semaphore, #tpu.memory_space<semaphore_mem>>) src(%arg9 : memref<64x128xf32, #tpu.memory_space<vmem>>) dst(%dma_wait3A_153 : memref<64x128xf32, #tpu.memory_space<vmem_shared>>)
      } else {
      }
      %add3A_112 = arith.constant 2 : i32
      %add3A_113 = arith.addi %add3A_93, %add3A_112 : i32
      %lt3A_114 = arith.constant 156 : i32
      %lt3A_115 = arith.cmpi slt, %add3A_113, %lt3A_114 : i32
      %convert_element_type3A_116 = arith.extui %lt3A_115 : i1 to i32
      %cond3A_117 = arith.constant 0 : i32
      %cond3A_118 = arith.cmpi ne, %convert_element_type3A_116, %cond3A_117 : i32
      scf.if %cond3A_118 {
        %add3A_148 = arith.constant 2 : i32
        %add3A_149 = arith.addi %add3A_93, %add3A_148 : i32
        %mul3A_150 = arith.constant 64 : i32
        %mul3A_151 = arith.muli %add3A_149, %mul3A_150 : i32
        %add3A_152 = arith.addi %mul3A_9, %mul3A_151 : i32
        %dma_start3A_153 = tpu.memref_slice %arg3[%add3A_152] : memref<160000xi32, #tpu.memory_space<hbm>> -> memref<64xi32, #tpu.memory_space<hbm>>
        %dma_start3A_154 = tpu.memref_slice %arg3[%add3A_152] : memref<160000xi32, #tpu.memory_space<hbm>> -> memref<64xi32, #tpu.memory_space<hbm>>
        tpu.enqueue_dma source(%dma_start3A_154 : memref<64xi32, #tpu.memory_space<hbm>>) target(%arg6 : memref<64xi32, #tpu.memory_space<vmem>>) target_semaphore(%arg14 : memref<!tpu.dma_semaphore, #tpu.memory_space<semaphore_mem>>)
        %mul3A_155 = arith.constant 160000 : i32
        %mul3A_156 = arith.muli %arg0, %mul3A_155 : i32
        %add3A_157 = arith.addi %mul3A_156, %mul3A_9 : i32
        %mul3A_158 = arith.constant 64 : i32
        %mul3A_159 = arith.muli %add3A_149, %mul3A_158 : i32
        %add3A_160 = arith.addi %add3A_157, %mul3A_159 : i32
        %dma_start3A_161 = arith.constant 0 : i32
        %dma_start3A_162 = tpu.memref_slice %arg2[%add3A_160, %dma_start3A_161] : memref<320000x128xf32, #tpu.memory_space<hbm>> -> memref<64x128xf32, #tpu.memory_space<hbm>>
        %dma_start3A_163 = arith.constant 0 : i32
        %dma_start3A_164 = tpu.memref_slice %arg2[%add3A_160, %dma_start3A_163] : memref<320000x128xf32, #tpu.memory_space<hbm>> -> memref<64x128xf32, #tpu.memory_space<hbm>>
        tpu.enqueue_dma source(%dma_start3A_164 : memref<64x128xf32, #tpu.memory_space<hbm>>) target(%arg9 : memref<64x128xf32, #tpu.memory_space<vmem>>) target_semaphore(%arg17 : memref<!tpu.dma_semaphore, #tpu.memory_space<semaphore_mem>>)
      } else {
      }
      %mul3A_119 = arith.constant 3 : i32
      %mul3A_120 = arith.muli %add3A_64, %mul3A_119 : i32
      %add3A_121 = arith.constant 2 : i32
      %add3A_122 = arith.addi %mul3A_120, %add3A_121 : i32
      %dma_wait3A_123 = arith.constant 0 : i32
      %dma_wait3A_124 = tpu.memref_slice %arg3[%dma_wait3A_123] : memref<160000xi32, #tpu.memory_space<hbm>> -> memref<64xi32, #tpu.memory_space<hbm>>
      %dma_wait3A_125 = arith.constant 0 : i32
      %dma_wait3A_126 = tpu.memref_slice %arg3[%dma_wait3A_125] : memref<160000xi32, #tpu.memory_space<hbm>> -> memref<64xi32, #tpu.memory_space<hbm>>
      tpu.wait_dma2 semaphore(%arg16 : memref<!tpu.dma_semaphore, #tpu.memory_space<semaphore_mem>>) src(%dma_wait3A_126 : memref<64xi32, #tpu.memory_space<hbm>>) dst(%arg8 : memref<64xi32, #tpu.memory_space<vmem>>)
      %dma_wait3A_127 = arith.constant 0 : i32
      %dma_wait3A_128 = arith.constant 0 : i32
      %dma_wait3A_129 = tpu.memref_slice %arg2[%dma_wait3A_127, %dma_wait3A_128] : memref<320000x128xf32, #tpu.memory_space<hbm>> -> memref<64x128xf32, #tpu.memory_space<hbm>>
      %dma_wait3A_130 = arith.constant 0 : i32
      %dma_wait3A_131 = arith.constant 0 : i32
      %dma_wait3A_132 = tpu.memref_slice %arg2[%dma_wait3A_130, %dma_wait3A_131] : memref<320000x128xf32, #tpu.memory_space<hbm>> -> memref<64x128xf32, #tpu.memory_space<hbm>>
      tpu.wait_dma2 semaphore(%arg19 : memref<!tpu.dma_semaphore, #tpu.memory_space<semaphore_mem>>) src(%dma_wait3A_132 : memref<64x128xf32, #tpu.memory_space<hbm>>) dst(%arg11 : memref<64x128xf32, #tpu.memory_space<vmem>>)
      %dma_start3A_133 = arith.constant 0 : i32
      %dma_start3A_134 = arith.constant 0 : i32
      %dma_start3A_135 = tpu.memref_slice %arg5[%dma_start3A_133, %dma_start3A_134] : memref<10000x128xf32, #tpu.memory_space<vmem_shared>> -> memref<10000x128xf32, #tpu.memory_space<vmem_shared>>
      tpu.enqueue_indirect_dma source(%arg11 : memref<64x128xf32, #tpu.memory_space<vmem>>) target(%dma_start3A_135 : memref<10000x128xf32, #tpu.memory_space<vmem_shared>>) offsets(%arg8 : memref<64xi32, #tpu.memory_space<vmem>>) semaphore(%arg22 : memref<!tpu.dma_semaphore, #tpu.memory_space<semaphore_mem>>) {add = true}
      %ge3A_136 = arith.constant 1 : i32
      %ge3A_137 = arith.cmpi sge, %add3A_122, %ge3A_136 : i32
      %convert_element_type3A_138 = arith.extui %ge3A_137 : i1 to i32
      %cond3A_139 = arith.constant 0 : i32
      %cond3A_140 = arith.cmpi ne, %convert_element_type3A_138, %cond3A_139 : i32
      scf.if %cond3A_140 {
        %dma_wait3A_148 = arith.constant 0 : i32
        %dma_wait3A_149 = arith.constant 0 : i32
        %dma_wait3A_150 = tpu.memref_slice %arg5[%dma_wait3A_148, %dma_wait3A_149] : memref<10000x128xf32, #tpu.memory_space<vmem_shared>> -> memref<64x128xf32, #tpu.memory_space<vmem_shared>>
        %dma_wait3A_151 = arith.constant 0 : i32
        %dma_wait3A_152 = arith.constant 0 : i32
        %dma_wait3A_153 = tpu.memref_slice %arg5[%dma_wait3A_151, %dma_wait3A_152] : memref<10000x128xf32, #tpu.memory_space<vmem_shared>> -> memref<64x128xf32, #tpu.memory_space<vmem_shared>>
        tpu.wait_dma2 semaphore(%arg21 : memref<!tpu.dma_semaphore, #tpu.memory_space<semaphore_mem>>) src(%arg10 : memref<64x128xf32, #tpu.memory_space<vmem>>) dst(%dma_wait3A_153 : memref<64x128xf32, #tpu.memory_space<vmem_shared>>)
      } else {
      }
      %add3A_141 = arith.constant 2 : i32
      %add3A_142 = arith.addi %add3A_122, %add3A_141 : i32
      %lt3A_143 = arith.constant 156 : i32
      %lt3A_144 = arith.cmpi slt, %add3A_142, %lt3A_143 : i32
      %convert_element_type3A_145 = arith.extui %lt3A_144 : i1 to i32
      %cond3A_146 = arith.constant 0 : i32
      %cond3A_147 = arith.cmpi ne, %convert_element_type3A_145, %cond3A_146 : i32
      scf.if %cond3A_147 {
        %add3A_148 = arith.constant 2 : i32
        %add3A_149 = arith.addi %add3A_122, %add3A_148 : i32
        %mul3A_150 = arith.constant 64 : i32
        %mul3A_151 = arith.muli %add3A_149, %mul3A_150 : i32
        %add3A_152 = arith.addi %mul3A_9, %mul3A_151 : i32
        %dma_start3A_153 = tpu.memref_slice %arg3[%add3A_152] : memref<160000xi32, #tpu.memory_space<hbm>> -> memref<64xi32, #tpu.memory_space<hbm>>
        %dma_start3A_154 = tpu.memref_slice %arg3[%add3A_152] : memref<160000xi32, #tpu.memory_space<hbm>> -> memref<64xi32, #tpu.memory_space<hbm>>
        tpu.enqueue_dma source(%dma_start3A_154 : memref<64xi32, #tpu.memory_space<hbm>>) target(%arg7 : memref<64xi32, #tpu.memory_space<vmem>>) target_semaphore(%arg15 : memref<!tpu.dma_semaphore, #tpu.memory_space<semaphore_mem>>)
        %mul3A_155 = arith.constant 160000 : i32
        %mul3A_156 = arith.muli %arg0, %mul3A_155 : i32
        %add3A_157 = arith.addi %mul3A_156, %mul3A_9 : i32
        %mul3A_158 = arith.constant 64 : i32
        %mul3A_159 = arith.muli %add3A_149, %mul3A_158 : i32
        %add3A_160 = arith.addi %add3A_157, %mul3A_159 : i32
        %dma_start3A_161 = arith.constant 0 : i32
        %dma_start3A_162 = tpu.memref_slice %arg2[%add3A_160, %dma_start3A_161] : memref<320000x128xf32, #tpu.memory_space<hbm>> -> memref<64x128xf32, #tpu.memory_space<hbm>>
        %dma_start3A_163 = arith.constant 0 : i32
        %dma_start3A_164 = tpu.memref_slice %arg2[%add3A_160, %dma_start3A_163] : memref<320000x128xf32, #tpu.memory_space<hbm>> -> memref<64x128xf32, #tpu.memory_space<hbm>>
        tpu.enqueue_dma source(%dma_start3A_164 : memref<64x128xf32, #tpu.memory_space<hbm>>) target(%arg10 : memref<64x128xf32, #tpu.memory_space<vmem>>) target_semaphore(%arg18 : memref<!tpu.dma_semaphore, #tpu.memory_space<semaphore_mem>>)
      } else {
      }
    }
    %scan3A_38 = arith.constant 52 : i32
    %dma_wait3A = arith.constant 0 : i32
    %dma_wait3A_39 = arith.constant 0 : i32
    %dma_wait3A_40 = tpu.memref_slice %arg5[%dma_wait3A, %dma_wait3A_39] : memref<10000x128xf32, #tpu.memory_space<vmem_shared>> -> memref<64x128xf32, #tpu.memory_space<vmem_shared>>
    %dma_wait3A_41 = arith.constant 0 : i32
    %dma_wait3A_42 = arith.constant 0 : i32
    %dma_wait3A_43 = tpu.memref_slice %arg5[%dma_wait3A_41, %dma_wait3A_42] : memref<10000x128xf32, #tpu.memory_space<vmem_shared>> -> memref<64x128xf32, #tpu.memory_space<vmem_shared>>
    tpu.wait_dma2 semaphore(%arg22 : memref<!tpu.dma_semaphore, #tpu.memory_space<semaphore_mem>>) src(%arg11 : memref<64x128xf32, #tpu.memory_space<vmem>>) dst(%dma_wait3A_43 : memref<64x128xf32, #tpu.memory_space<vmem_shared>>)
    %add3A_44 = arith.constant 9984 : i32
    %add3A_45 = arith.addi %mul3A_9, %add3A_44 : i32
    "tpu.region"() ({
      %run_scoped3A = tpu.sem_alloc : memref<!tpu.dma_semaphore, #tpu.memory_space<semaphore_mem>>
      %dma_start3A_60 = tpu.memref_slice %arg3[%add3A_45] : memref<160000xi32, #tpu.memory_space<hbm>> -> memref<16xi32, #tpu.memory_space<hbm>>
      %dma_start3A_61 = tpu.memref_slice %arg3[%add3A_45] : memref<160000xi32, #tpu.memory_space<hbm>> -> memref<16xi32, #tpu.memory_space<hbm>>
      tpu.enqueue_dma source(%dma_start3A_61 : memref<16xi32, #tpu.memory_space<hbm>>) target(%arg12 : memref<16xi32, #tpu.memory_space<vmem>>) target_semaphore(%run_scoped3A : memref<!tpu.dma_semaphore, #tpu.memory_space<semaphore_mem>>)
      %dma_wait3A_62 = tpu.memref_slice %arg3[%add3A_45] : memref<160000xi32, #tpu.memory_space<hbm>> -> memref<16xi32, #tpu.memory_space<hbm>>
      %dma_wait3A_63 = tpu.memref_slice %arg3[%add3A_45] : memref<160000xi32, #tpu.memory_space<hbm>> -> memref<16xi32, #tpu.memory_space<hbm>>
      tpu.wait_dma2 semaphore(%run_scoped3A : memref<!tpu.dma_semaphore, #tpu.memory_space<semaphore_mem>>) src(%dma_wait3A_63 : memref<16xi32, #tpu.memory_space<hbm>>) dst(%arg12 : memref<16xi32, #tpu.memory_space<vmem>>)
      tpu.yield
    }) : () -> ()
    %mul3A_46 = arith.constant 160000 : i32
    %mul3A_47 = arith.muli %arg0, %mul3A_46 : i32
    %add3A_48 = arith.addi %mul3A_47, %add3A_45 : i32
    "tpu.region"() ({
      %run_scoped3A = tpu.sem_alloc : memref<!tpu.dma_semaphore, #tpu.memory_space<semaphore_mem>>
      %dma_start3A_60 = arith.constant 0 : i32
      %dma_start3A_61 = tpu.memref_slice %arg2[%add3A_48, %dma_start3A_60] : memref<320000x128xf32, #tpu.memory_space<hbm>> -> memref<16x128xf32, #tpu.memory_space<hbm>>
      %dma_start3A_62 = arith.constant 0 : i32
      %dma_start3A_63 = tpu.memref_slice %arg2[%add3A_48, %dma_start3A_62] : memref<320000x128xf32, #tpu.memory_space<hbm>> -> memref<16x128xf32, #tpu.memory_space<hbm>>
      tpu.enqueue_dma source(%dma_start3A_63 : memref<16x128xf32, #tpu.memory_space<hbm>>) target(%arg13 : memref<16x128xf32, #tpu.memory_space<vmem>>) target_semaphore(%run_scoped3A : memref<!tpu.dma_semaphore, #tpu.memory_space<semaphore_mem>>)
      %dma_wait3A_64 = arith.constant 0 : i32
      %dma_wait3A_65 = tpu.memref_slice %arg2[%add3A_48, %dma_wait3A_64] : memref<320000x128xf32, #tpu.memory_space<hbm>> -> memref<16x128xf32, #tpu.memory_space<hbm>>
      %dma_wait3A_66 = arith.constant 0 : i32
      %dma_wait3A_67 = tpu.memref_slice %arg2[%add3A_48, %dma_wait3A_66] : memref<320000x128xf32, #tpu.memory_space<hbm>> -> memref<16x128xf32, #tpu.memory_space<hbm>>
      tpu.wait_dma2 semaphore(%run_scoped3A : memref<!tpu.dma_semaphore, #tpu.memory_space<semaphore_mem>>) src(%dma_wait3A_67 : memref<16x128xf32, #tpu.memory_space<hbm>>) dst(%arg13 : memref<16x128xf32, #tpu.memory_space<vmem>>)
      tpu.yield
    }) : () -> ()
    "tpu.region"() ({
      %run_scoped3A = tpu.sem_alloc : memref<!tpu.dma_semaphore, #tpu.memory_space<semaphore_mem>>
      %dma_start3A_60 = arith.constant 0 : i32
      %dma_start3A_61 = arith.constant 0 : i32
      %dma_start3A_62 = tpu.memref_slice %arg5[%dma_start3A_60, %dma_start3A_61] : memref<10000x128xf32, #tpu.memory_space<vmem_shared>> -> memref<10000x128xf32, #tpu.memory_space<vmem_shared>>
      tpu.enqueue_indirect_dma source(%arg13 : memref<16x128xf32, #tpu.memory_space<vmem>>) target(%dma_start3A_62 : memref<10000x128xf32, #tpu.memory_space<vmem_shared>>) offsets(%arg12 : memref<16xi32, #tpu.memory_space<vmem>>) semaphore(%run_scoped3A : memref<!tpu.dma_semaphore, #tpu.memory_space<semaphore_mem>>) {add = true}
      %dma_wait3A_63 = arith.constant 0 : i32
      %dma_wait3A_64 = arith.constant 0 : i32
      %dma_wait3A_65 = tpu.memref_slice %arg5[%dma_wait3A_63, %dma_wait3A_64] : memref<10000x128xf32, #tpu.memory_space<vmem_shared>> -> memref<10000x128xf32, #tpu.memory_space<vmem_shared>>
      tpu.wait_indirect_dma semaphore(%run_scoped3A : memref<!tpu.dma_semaphore, #tpu.memory_space<semaphore_mem>>) src(%arg13 : memref<16x128xf32, #tpu.memory_space<vmem>>) dst(%dma_wait3A_65 : memref<10000x128xf32, #tpu.memory_space<vmem_shared>>)
      tpu.yield
    }) : () -> ()
    %barrier3A_49 = arith.constant 0 : index
    tpu.barrier barrier_id(%barrier3A_49)
    %scan3A_50 = arith.constant 0 : i32
    %scan3A_51 = arith.constant 16 : i32
    %scan3A_52 = arith.addi %scan3A_50, %scan3A_51 : i32
    %scan3A_53 = arith.constant 1 : i32
    scf.for %scan3A_60 = %scan3A_50 to %scan3A_52 step %scan3A_53  : i32 {
      %mul3A_61 = arith.constant 1 : i32
      %mul3A_62 = arith.muli %scan3A_60, %mul3A_61 : i32
      %add3A_63 = arith.constant 0 : i32
      %add3A_64 = arith.addi %add3A_63, %mul3A_62 : i32
      %mul3A_65 = arith.constant 16 : i32
      %mul3A_66 = arith.muli %add3A_64, %mul3A_65 : i32
      %add3A_67 = arith.addi %arg1, %mul3A_66 : i32
      %lt3A = arith.constant 250 : i32
      %lt3A_68 = arith.cmpi slt, %add3A_67, %lt3A : i32
      %convert_element_type3A = arith.extui %lt3A_68 : i1 to i32
      %cond3A = arith.constant 0 : i32
      %cond3A_69 = arith.cmpi ne, %convert_element_type3A, %cond3A : i32
      scf.if %cond3A_69 {
        %mul3A_70 = arith.constant 40 : i32
        %mul3A_71 = arith.muli %add3A_67, %mul3A_70 : i32
        %mul3A_72 = arith.constant 10000 : i32
        %mul3A_73 = arith.muli %arg0, %mul3A_72 : i32
        %mul3A_74 = arith.constant 40 : i32
        %mul3A_75 = arith.muli %add3A_67, %mul3A_74 : i32
        %add3A_76 = arith.addi %mul3A_73, %mul3A_75 : i32
        %dma_start3A_77 = arith.constant 0 : i32
        %dma_start3A_78 = tpu.memref_slice %arg4[%add3A_76, %dma_start3A_77] : memref<20000x128xf32, #tpu.memory_space<hbm>> -> memref<40x128xf32, #tpu.memory_space<hbm>>
        %dma_start3A_79 = arith.constant 0 : i32
        %dma_start3A_80 = tpu.memref_slice %arg5[%mul3A_71, %dma_start3A_79] : memref<10000x128xf32, #tpu.memory_space<vmem_shared>> -> memref<40x128xf32, #tpu.memory_space<vmem_shared>>
        tpu.enqueue_dma source(%dma_start3A_80 : memref<40x128xf32, #tpu.memory_space<vmem_shared>>) target(%dma_start3A_78 : memref<40x128xf32, #tpu.memory_space<hbm>>) target_semaphore(%arg23 : memref<!tpu.dma_semaphore, #tpu.memory_space<semaphore_mem>>)
      } else {
      }
    }
    %scan3A_54 = arith.constant 16 : i32
    %scan3A_55 = arith.constant 0 : i32
    %scan3A_56 = arith.constant 16 : i32
    %scan3A_57 = arith.addi %scan3A_55, %scan3A_56 : i32
    %scan3A_58 = arith.constant 1 : i32
    scf.for %scan3A_60 = %scan3A_55 to %scan3A_57 step %scan3A_58  : i32 {
      %mul3A_61 = arith.constant 1 : i32
      %mul3A_62 = arith.muli %scan3A_60, %mul3A_61 : i32
      %add3A_63 = arith.constant 0 : i32
      %add3A_64 = arith.addi %add3A_63, %mul3A_62 : i32
      %mul3A_65 = arith.constant 16 : i32
      %mul3A_66 = arith.muli %add3A_64, %mul3A_65 : i32
      %add3A_67 = arith.addi %arg1, %mul3A_66 : i32
      %lt3A = arith.constant 250 : i32
      %lt3A_68 = arith.cmpi slt, %add3A_67, %lt3A : i32
      %convert_element_type3A = arith.extui %lt3A_68 : i1 to i32
      %cond3A = arith.constant 0 : i32
      %cond3A_69 = arith.cmpi ne, %convert_element_type3A, %cond3A : i32
      scf.if %cond3A_69 {
        %dma_wait3A_70 = arith.constant 0 : i32
        %dma_wait3A_71 = arith.constant 0 : i32
        %dma_wait3A_72 = tpu.memref_slice %arg4[%dma_wait3A_70, %dma_wait3A_71] : memref<20000x128xf32, #tpu.memory_space<hbm>> -> memref<40x128xf32, #tpu.memory_space<hbm>>
        %dma_wait3A_73 = arith.constant 0 : i32
        %dma_wait3A_74 = arith.constant 0 : i32
        %dma_wait3A_75 = tpu.memref_slice %arg5[%dma_wait3A_73, %dma_wait3A_74] : memref<10000x128xf32, #tpu.memory_space<vmem_shared>> -> memref<40x128xf32, #tpu.memory_space<vmem_shared>>
        tpu.wait_dma2 semaphore(%arg23 : memref<!tpu.dma_semaphore, #tpu.memory_space<semaphore_mem>>) src(%dma_wait3A_75 : memref<40x128xf32, #tpu.memory_space<vmem_shared>>) dst(%dma_wait3A_72 : memref<40x128xf32, #tpu.memory_space<hbm>>)
      } else {
      }
    }
    %scan3A_59 = arith.constant 16 : i32
    return
  }
}

#map = affine_map<(d0, d1) -> (0, 0)>
#map1 = affine_map<(d0, d1) -> (0)>
module attributes {stable_mosaic.version = 14 : i64} {
  func.func @sc_gather_scatter(%arg0: i32, %arg1: i32, %arg2: memref<320000x128xf32, #tpu.memory_space<hbm>>, %arg3: memref<20000x128xf32, #tpu.memory_space<hbm>>, %arg4: memref<160000xi32, #tpu.memory_space<hbm>>, %arg5: memref<160000xi32, #tpu.memory_space<hbm>>, %arg6: memref<20000x128xf32, #tpu.memory_space<hbm>>, %arg7: memref<10000x128xf32, #tpu.memory_space<vmem_shared>>, %arg8: memref<64xi32, #tpu.memory_space<vmem>>, %arg9: memref<64xi32, #tpu.memory_space<vmem>>, %arg10: memref<64xi32, #tpu.memory_space<vmem>>, %arg11: memref<64xi32, #tpu.memory_space<vmem>>, %arg12: memref<64xi32, #tpu.memory_space<vmem>>, %arg13: memref<64xi32, #tpu.memory_space<vmem>>, %arg14: memref<64xi32, #tpu.memory_space<vmem>>, %arg15: memref<64xi32, #tpu.memory_space<vmem>>, %arg16: memref<64xi32, #tpu.memory_space<vmem>>, %arg17: memref<64x128xf32, #tpu.memory_space<vmem>>, %arg18: memref<64x128xf32, #tpu.memory_space<vmem>>, %arg19: memref<64x128xf32, #tpu.memory_space<vmem>>, %arg20: memref<64x128xf32, #tpu.memory_space<vmem>>, %arg21: memref<64x128xf32, #tpu.memory_space<vmem>>, %arg22: memref<64x128xf32, #tpu.memory_space<vmem>>, %arg23: memref<16xi32, #tpu.memory_space<vmem>>, %arg24: memref<16xi32, #tpu.memory_space<vmem>>, %arg25: memref<!tpu.dma_semaphore, #tpu.memory_space<semaphore_mem>>, %arg26: memref<!tpu.dma_semaphore, #tpu.memory_space<semaphore_mem>>, %arg27: memref<!tpu.dma_semaphore, #tpu.memory_space<semaphore_mem>>, %arg28: memref<!tpu.dma_semaphore, #tpu.memory_space<semaphore_mem>>, %arg29: memref<!tpu.dma_semaphore, #tpu.memory_space<semaphore_mem>>, %arg30: memref<!tpu.dma_semaphore, #tpu.memory_space<semaphore_mem>>, %arg31: memref<!tpu.dma_semaphore, #tpu.memory_space<semaphore_mem>>, %arg32: memref<!tpu.dma_semaphore, #tpu.memory_space<semaphore_mem>>, %arg33: memref<!tpu.dma_semaphore, #tpu.memory_space<semaphore_mem>>, %arg34: memref<!tpu.dma_semaphore, #tpu.memory_space<semaphore_mem>>, %arg35: memref<!tpu.dma_semaphore, #tpu.memory_space<semaphore_mem>>, %arg36: memref<!tpu.dma_semaphore, #tpu.memory_space<semaphore_mem>>, %arg37: memref<!tpu.dma_semaphore, #tpu.memory_space<semaphore_mem>>, %arg38: memref<!tpu.dma_semaphore, #tpu.memory_space<semaphore_mem>>, %arg39: memref<!tpu.dma_semaphore, #tpu.memory_space<semaphore_mem>>, %arg40: memref<!tpu.dma_semaphore, #tpu.memory_space<semaphore_mem>>) attributes {dimension_semantics = [#tpu.dimension_semantics<core_parallel>, #tpu.dimension_semantics<subcore_parallel>], iteration_bounds = array<i64: 2, 16>, scalar_prefetch = 0 : i64, scratch_operands = 34 : i64, tpu.core_type = #tpu.core_type<sc_vector_subcore>, window_params = [{transform_indices = #map}, {transform_indices = #map}, {transform_indices = #map1}, {transform_indices = #map1}, {transform_indices = #map}]} {
    %scan3A = arith.constant 0 : i32
    %scan3A_0 = arith.constant 64 : i32
    %scan3A_1 = arith.addi %scan3A, %scan3A_0 : i32
    %scan3A_2 = arith.constant 1 : i32
    scf.for %scan3A_138 = %scan3A to %scan3A_1 step %scan3A_2  : i32 {
      %mul3A_139 = arith.constant 1 : i32
      %mul3A_140 = arith.muli %scan3A_138, %mul3A_139 : i32
      %add3A_141 = arith.constant 0 : i32
      %add3A_142 = arith.addi %add3A_141, %mul3A_140 : i32
      %broadcast_in_dim3A = arith.constant 0.000000e+00 : f32
      %broadcast_in_dim3A_143 = vector.broadcast %broadcast_in_dim3A : f32 to vector<16xf32>
      %swap3A_144 = arith.index_cast %add3A_142 : i32 to index
      %swap3A_145 = arith.constant 0 : index
      %swap3A_146 = tpu.vector_load %arg20[%swap3A_144, %swap3A_145] {strides = array<i32>} : memref<64x128xf32, #tpu.memory_space<vmem>>, vector<1x16xf32>,
      %swap3A_147 = vector.shape_cast %swap3A_146 : vector<1x16xf32> to vector<16xf32>
      %swap3A_148 = vector.shape_cast %broadcast_in_dim3A_143 : vector<16xf32> to vector<1x16xf32>
      tpu.vector_store %arg20[%swap3A_144, %swap3A_145], %swap3A_148 {strides = array<i32>} : memref<64x128xf32, #tpu.memory_space<vmem>>, vector<1x16xf32>,
      %broadcast_in_dim3A_149 = arith.constant 0.000000e+00 : f32
      %broadcast_in_dim3A_150 = vector.broadcast %broadcast_in_dim3A_149 : f32 to vector<16xf32>
      %swap3A_151 = arith.index_cast %add3A_142 : i32 to index
      %swap3A_152 = arith.constant 16 : index
      %swap3A_153 = tpu.vector_load %arg20[%swap3A_151, %swap3A_152] {strides = array<i32>} : memref<64x128xf32, #tpu.memory_space<vmem>>, vector<1x16xf32>,
      %swap3A_154 = vector.shape_cast %swap3A_153 : vector<1x16xf32> to vector<16xf32>
      %swap3A_155 = vector.shape_cast %broadcast_in_dim3A_150 : vector<16xf32> to vector<1x16xf32>
      tpu.vector_store %arg20[%swap3A_151, %swap3A_152], %swap3A_155 {strides = array<i32>} : memref<64x128xf32, #tpu.memory_space<vmem>>, vector<1x16xf32>,
      %broadcast_in_dim3A_156 = arith.constant 0.000000e+00 : f32
      %broadcast_in_dim3A_157 = vector.broadcast %broadcast_in_dim3A_156 : f32 to vector<16xf32>
      %swap3A_158 = arith.index_cast %add3A_142 : i32 to index
      %swap3A_159 = arith.constant 32 : index
      %swap3A_160 = tpu.vector_load %arg20[%swap3A_158, %swap3A_159] {strides = array<i32>} : memref<64x128xf32, #tpu.memory_space<vmem>>, vector<1x16xf32>,
      %swap3A_161 = vector.shape_cast %swap3A_160 : vector<1x16xf32> to vector<16xf32>
      %swap3A_162 = vector.shape_cast %broadcast_in_dim3A_157 : vector<16xf32> to vector<1x16xf32>
      tpu.vector_store %arg20[%swap3A_158, %swap3A_159], %swap3A_162 {strides = array<i32>} : memref<64x128xf32, #tpu.memory_space<vmem>>, vector<1x16xf32>,
      %broadcast_in_dim3A_163 = arith.constant 0.000000e+00 : f32
      %broadcast_in_dim3A_164 = vector.broadcast %broadcast_in_dim3A_163 : f32 to vector<16xf32>
      %swap3A_165 = arith.index_cast %add3A_142 : i32 to index
      %swap3A_166 = arith.constant 48 : index
      %swap3A_167 = tpu.vector_load %arg20[%swap3A_165, %swap3A_166] {strides = array<i32>} : memref<64x128xf32, #tpu.memory_space<vmem>>, vector<1x16xf32>,
      %swap3A_168 = vector.shape_cast %swap3A_167 : vector<1x16xf32> to vector<16xf32>
      %swap3A_169 = vector.shape_cast %broadcast_in_dim3A_164 : vector<16xf32> to vector<1x16xf32>
      tpu.vector_store %arg20[%swap3A_165, %swap3A_166], %swap3A_169 {strides = array<i32>} : memref<64x128xf32, #tpu.memory_space<vmem>>, vector<1x16xf32>,
      %broadcast_in_dim3A_170 = arith.constant 0.000000e+00 : f32
      %broadcast_in_dim3A_171 = vector.broadcast %broadcast_in_dim3A_170 : f32 to vector<16xf32>
      %swap3A_172 = arith.index_cast %add3A_142 : i32 to index
      %swap3A_173 = arith.constant 64 : index
      %swap3A_174 = tpu.vector_load %arg20[%swap3A_172, %swap3A_173] {strides = array<i32>} : memref<64x128xf32, #tpu.memory_space<vmem>>, vector<1x16xf32>,
      %swap3A_175 = vector.shape_cast %swap3A_174 : vector<1x16xf32> to vector<16xf32>
      %swap3A_176 = vector.shape_cast %broadcast_in_dim3A_171 : vector<16xf32> to vector<1x16xf32>
      tpu.vector_store %arg20[%swap3A_172, %swap3A_173], %swap3A_176 {strides = array<i32>} : memref<64x128xf32, #tpu.memory_space<vmem>>, vector<1x16xf32>,
      %broadcast_in_dim3A_177 = arith.constant 0.000000e+00 : f32
      %broadcast_in_dim3A_178 = vector.broadcast %broadcast_in_dim3A_177 : f32 to vector<16xf32>
      %swap3A_179 = arith.index_cast %add3A_142 : i32 to index
      %swap3A_180 = arith.constant 80 : index
      %swap3A_181 = tpu.vector_load %arg20[%swap3A_179, %swap3A_180] {strides = array<i32>} : memref<64x128xf32, #tpu.memory_space<vmem>>, vector<1x16xf32>,
      %swap3A_182 = vector.shape_cast %swap3A_181 : vector<1x16xf32> to vector<16xf32>
      %swap3A_183 = vector.shape_cast %broadcast_in_dim3A_178 : vector<16xf32> to vector<1x16xf32>
      tpu.vector_store %arg20[%swap3A_179, %swap3A_180], %swap3A_183 {strides = array<i32>} : memref<64x128xf32, #tpu.memory_space<vmem>>, vector<1x16xf32>,
      %broadcast_in_dim3A_184 = arith.constant 0.000000e+00 : f32
      %broadcast_in_dim3A_185 = vector.broadcast %broadcast_in_dim3A_184 : f32 to vector<16xf32>
      %swap3A_186 = arith.index_cast %add3A_142 : i32 to index
      %swap3A_187 = arith.constant 96 : index
      %swap3A_188 = tpu.vector_load %arg20[%swap3A_186, %swap3A_187] {strides = array<i32>} : memref<64x128xf32, #tpu.memory_space<vmem>>, vector<1x16xf32>,
      %swap3A_189 = vector.shape_cast %swap3A_188 : vector<1x16xf32> to vector<16xf32>
      %swap3A_190 = vector.shape_cast %broadcast_in_dim3A_185 : vector<16xf32> to vector<1x16xf32>
      tpu.vector_store %arg20[%swap3A_186, %swap3A_187], %swap3A_190 {strides = array<i32>} : memref<64x128xf32, #tpu.memory_space<vmem>>, vector<1x16xf32>,
      %broadcast_in_dim3A_191 = arith.constant 0.000000e+00 : f32
      %broadcast_in_dim3A_192 = vector.broadcast %broadcast_in_dim3A_191 : f32 to vector<16xf32>
      %swap3A_193 = arith.index_cast %add3A_142 : i32 to index
      %swap3A_194 = arith.constant 112 : index
      %swap3A_195 = tpu.vector_load %arg20[%swap3A_193, %swap3A_194] {strides = array<i32>} : memref<64x128xf32, #tpu.memory_space<vmem>>, vector<1x16xf32>,
      %swap3A_196 = vector.shape_cast %swap3A_195 : vector<1x16xf32> to vector<16xf32>
      %swap3A_197 = vector.shape_cast %broadcast_in_dim3A_192 : vector<16xf32> to vector<1x16xf32>
      tpu.vector_store %arg20[%swap3A_193, %swap3A_194], %swap3A_197 {strides = array<i32>} : memref<64x128xf32, #tpu.memory_space<vmem>>, vector<1x16xf32>,
    }
    %scan3A_3 = arith.constant 64 : i32
    %scan3A_4 = arith.constant 0 : i32
    %scan3A_5 = arith.constant 16 : i32
    %scan3A_6 = arith.addi %scan3A_4, %scan3A_5 : i32
    %scan3A_7 = arith.constant 1 : i32
    scf.for %scan3A_138 = %scan3A_4 to %scan3A_6 step %scan3A_7  : i32 {
      %mul3A_139 = arith.constant 1 : i32
      %mul3A_140 = arith.muli %scan3A_138, %mul3A_139 : i32
      %add3A_141 = arith.constant 0 : i32
      %add3A_142 = arith.addi %add3A_141, %mul3A_140 : i32
      %mul3A_143 = arith.constant 16 : i32
      %mul3A_144 = arith.muli %add3A_142, %mul3A_143 : i32
      %add3A_145 = arith.addi %arg1, %mul3A_144 : i32
      %lt3A = arith.constant 250 : i32
      %lt3A_146 = arith.cmpi slt, %add3A_145, %lt3A : i32
      %convert_element_type3A = arith.extui %lt3A_146 : i1 to i32
      %cond3A = arith.constant 0 : i32
      %cond3A_147 = arith.cmpi ne, %convert_element_type3A, %cond3A : i32
      scf.if %cond3A_147 {
        %mul3A_148 = arith.constant 40 : i32
        %mul3A_149 = arith.muli %add3A_145, %mul3A_148 : i32
        "tpu.region"() ({
          %run_scoped3A = tpu.sem_alloc : memref<!tpu.dma_semaphore, #tpu.memory_space<semaphore_mem>>
          %dma_start3A_150 = arith.constant 0 : i32
          %dma_start3A_151 = arith.constant 0 : i32
          %dma_start3A_152 = tpu.memref_slice %arg20[%dma_start3A_150, %dma_start3A_151] : memref<64x128xf32, #tpu.memory_space<vmem>> -> memref<40x128xf32, #tpu.memory_space<vmem>>
          %dma_start3A_153 = arith.constant 0 : i32
          %dma_start3A_154 = tpu.memref_slice %arg7[%mul3A_149, %dma_start3A_153] : memref<10000x128xf32, #tpu.memory_space<vmem_shared>> -> memref<40x128xf32, #tpu.memory_space<vmem_shared>>
          %dma_start3A_155 = arith.constant 0 : i32
          %dma_start3A_156 = tpu.memref_slice %arg7[%mul3A_149, %dma_start3A_155] : memref<10000x128xf32, #tpu.memory_space<vmem_shared>> -> memref<40x128xf32, #tpu.memory_space<vmem_shared>>
          %dma_start3A_157 = arith.constant 0 : i32
          %dma_start3A_158 = arith.constant 0 : i32
          %dma_start3A_159 = tpu.memref_slice %arg20[%dma_start3A_157, %dma_start3A_158] : memref<64x128xf32, #tpu.memory_space<vmem>> -> memref<40x128xf32, #tpu.memory_space<vmem>>
          tpu.enqueue_dma source(%dma_start3A_159 : memref<40x128xf32, #tpu.memory_space<vmem>>) target(%dma_start3A_156 : memref<40x128xf32, #tpu.memory_space<vmem_shared>>) target_semaphore(%run_scoped3A : memref<!tpu.dma_semaphore, #tpu.memory_space<semaphore_mem>>)
          %dma_wait3A_160 = arith.constant 0 : i32
          %dma_wait3A_161 = arith.constant 0 : i32
          %dma_wait3A_162 = tpu.memref_slice %arg20[%dma_wait3A_160, %dma_wait3A_161] : memref<64x128xf32, #tpu.memory_space<vmem>> -> memref<40x128xf32, #tpu.memory_space<vmem>>
          %dma_wait3A_163 = arith.constant 0 : i32
          %dma_wait3A_164 = tpu.memref_slice %arg7[%mul3A_149, %dma_wait3A_163] : memref<10000x128xf32, #tpu.memory_space<vmem_shared>> -> memref<40x128xf32, #tpu.memory_space<vmem_shared>>
          %dma_wait3A_165 = arith.constant 0 : i32
          %dma_wait3A_166 = tpu.memref_slice %arg7[%mul3A_149, %dma_wait3A_165] : memref<10000x128xf32, #tpu.memory_space<vmem_shared>> -> memref<40x128xf32, #tpu.memory_space<vmem_shared>>
          %dma_wait3A_167 = arith.constant 0 : i32
          %dma_wait3A_168 = arith.constant 0 : i32
          %dma_wait3A_169 = tpu.memref_slice %arg20[%dma_wait3A_167, %dma_wait3A_168] : memref<64x128xf32, #tpu.memory_space<vmem>> -> memref<40x128xf32, #tpu.memory_space<vmem>>
          tpu.wait_dma2 semaphore(%run_scoped3A : memref<!tpu.dma_semaphore, #tpu.memory_space<semaphore_mem>>) src(%dma_wait3A_169 : memref<40x128xf32, #tpu.memory_space<vmem>>) dst(%dma_wait3A_166 : memref<40x128xf32, #tpu.memory_space<vmem_shared>>)
          tpu.yield
        }) : () -> ()
      } else {
      }
    }
    %scan3A_8 = arith.constant 16 : i32
    %barrier3A = arith.constant 0 : index
    tpu.barrier barrier_id(%barrier3A)
    %mul3A = arith.constant 10000 : i32
    %mul3A_9 = arith.muli %arg1, %mul3A : i32
    %add3A = arith.constant 0 : i32
    %add3A_10 = arith.addi %mul3A_9, %add3A : i32
    %dma_start3A = tpu.memref_slice %arg4[%add3A_10] : memref<160000xi32, #tpu.memory_space<hbm>> -> memref<64xi32, #tpu.memory_space<hbm>>
    %dma_start3A_11 = tpu.memref_slice %arg4[%add3A_10] : memref<160000xi32, #tpu.memory_space<hbm>> -> memref<64xi32, #tpu.memory_space<hbm>>
    tpu.enqueue_dma source(%dma_start3A_11 : memref<64xi32, #tpu.memory_space<hbm>>) target(%arg8 : memref<64xi32, #tpu.memory_space<vmem>>) target_semaphore(%arg25 : memref<!tpu.dma_semaphore, #tpu.memory_space<semaphore_mem>>)
    %add3A_12 = arith.constant 0 : i32
    %add3A_13 = arith.addi %mul3A_9, %add3A_12 : i32
    %dma_start3A_14 = tpu.memref_slice %arg5[%add3A_13] : memref<160000xi32, #tpu.memory_space<hbm>> -> memref<64xi32, #tpu.memory_space<hbm>>
    %dma_start3A_15 = tpu.memref_slice %arg5[%add3A_13] : memref<160000xi32, #tpu.memory_space<hbm>> -> memref<64xi32, #tpu.memory_space<hbm>>
    tpu.enqueue_dma source(%dma_start3A_15 : memref<64xi32, #tpu.memory_space<hbm>>) target(%arg11 : memref<64xi32, #tpu.memory_space<vmem>>) target_semaphore(%arg28 : memref<!tpu.dma_semaphore, #tpu.memory_space<semaphore_mem>>)
    %mul3A_16 = arith.constant 160000 : i32
    %mul3A_17 = arith.muli %arg0, %mul3A_16 : i32
    %add3A_18 = arith.addi %mul3A_17, %mul3A_9 : i32
    %add3A_19 = arith.constant 0 : i32
    %add3A_20 = arith.addi %add3A_18, %add3A_19 : i32
    %dma_start3A_21 = arith.constant 0 : i32
    %dma_start3A_22 = tpu.memref_slice %arg2[%add3A_20, %dma_start3A_21] : memref<320000x128xf32, #tpu.memory_space<hbm>> -> memref<64x128xf32, #tpu.memory_space<hbm>>
    %dma_start3A_23 = arith.constant 0 : i32
    %dma_start3A_24 = tpu.memref_slice %arg2[%add3A_20, %dma_start3A_23] : memref<320000x128xf32, #tpu.memory_space<hbm>> -> memref<64x128xf32, #tpu.memory_space<hbm>>
    tpu.enqueue_dma source(%dma_start3A_24 : memref<64x128xf32, #tpu.memory_space<hbm>>) target(%arg17 : memref<64x128xf32, #tpu.memory_space<vmem>>) target_semaphore(%arg31 : memref<!tpu.dma_semaphore, #tpu.memory_space<semaphore_mem>>)
    %add3A_25 = arith.constant 64 : i32
    %add3A_26 = arith.addi %mul3A_9, %add3A_25 : i32
    %dma_start3A_27 = tpu.memref_slice %arg4[%add3A_26] : memref<160000xi32, #tpu.memory_space<hbm>> -> memref<64xi32, #tpu.memory_space<hbm>>
    %dma_start3A_28 = tpu.memref_slice %arg4[%add3A_26] : memref<160000xi32, #tpu.memory_space<hbm>> -> memref<64xi32, #tpu.memory_space<hbm>>
    tpu.enqueue_dma source(%dma_start3A_28 : memref<64xi32, #tpu.memory_space<hbm>>) target(%arg9 : memref<64xi32, #tpu.memory_space<vmem>>) target_semaphore(%arg26 : memref<!tpu.dma_semaphore, #tpu.memory_space<semaphore_mem>>)
    %add3A_29 = arith.constant 64 : i32
    %add3A_30 = arith.addi %mul3A_9, %add3A_29 : i32
    %dma_start3A_31 = tpu.memref_slice %arg5[%add3A_30] : memref<160000xi32, #tpu.memory_space<hbm>> -> memref<64xi32, #tpu.memory_space<hbm>>
    %dma_start3A_32 = tpu.memref_slice %arg5[%add3A_30] : memref<160000xi32, #tpu.memory_space<hbm>> -> memref<64xi32, #tpu.memory_space<hbm>>
    tpu.enqueue_dma source(%dma_start3A_32 : memref<64xi32, #tpu.memory_space<hbm>>) target(%arg12 : memref<64xi32, #tpu.memory_space<vmem>>) target_semaphore(%arg29 : memref<!tpu.dma_semaphore, #tpu.memory_space<semaphore_mem>>)
    %mul3A_33 = arith.constant 160000 : i32
    %mul3A_34 = arith.muli %arg0, %mul3A_33 : i32
    %add3A_35 = arith.addi %mul3A_34, %mul3A_9 : i32
    %add3A_36 = arith.constant 64 : i32
    %add3A_37 = arith.addi %add3A_35, %add3A_36 : i32
    %dma_start3A_38 = arith.constant 0 : i32
    %dma_start3A_39 = tpu.memref_slice %arg2[%add3A_37, %dma_start3A_38] : memref<320000x128xf32, #tpu.memory_space<hbm>> -> memref<64x128xf32, #tpu.memory_space<hbm>>
    %dma_start3A_40 = arith.constant 0 : i32
    %dma_start3A_41 = tpu.memref_slice %arg2[%add3A_37, %dma_start3A_40] : memref<320000x128xf32, #tpu.memory_space<hbm>> -> memref<64x128xf32, #tpu.memory_space<hbm>>
    tpu.enqueue_dma source(%dma_start3A_41 : memref<64x128xf32, #tpu.memory_space<hbm>>) target(%arg18 : memref<64x128xf32, #tpu.memory_space<vmem>>) target_semaphore(%arg32 : memref<!tpu.dma_semaphore, #tpu.memory_space<semaphore_mem>>)
    %dma_wait3A = arith.constant 0 : i32
    %dma_wait3A_42 = tpu.memref_slice %arg4[%dma_wait3A] : memref<160000xi32, #tpu.memory_space<hbm>> -> memref<64xi32, #tpu.memory_space<hbm>>
    %dma_wait3A_43 = arith.constant 0 : i32
    %dma_wait3A_44 = tpu.memref_slice %arg4[%dma_wait3A_43] : memref<160000xi32, #tpu.memory_space<hbm>> -> memref<64xi32, #tpu.memory_space<hbm>>
    tpu.wait_dma2 semaphore(%arg25 : memref<!tpu.dma_semaphore, #tpu.memory_space<semaphore_mem>>) src(%dma_wait3A_44 : memref<64xi32, #tpu.memory_space<hbm>>) dst(%arg8 : memref<64xi32, #tpu.memory_space<vmem>>)
    %get3A = arith.constant 0 : index
    %get3A_45 = tpu.vector_load %arg8[%get3A] {strides = array<i32>} : memref<64xi32, #tpu.memory_space<vmem>>, vector<16xi32>,
    %get3A_46 = vector.shape_cast %get3A_45 : vector<16xi32> to vector<16xi32>
    %mul3A_47 = arith.constant 2 : i32
    %mul3A_48 = vector.broadcast %mul3A_47 : i32 to vector<16xi32>
    %mul3A_49 = arith.muli %get3A_46, %mul3A_48 : vector<16xi32>
    %add3A_50 = vector.broadcast %arg0 : i32 to vector<16xi32>
    %add3A_51 = arith.addi %mul3A_49, %add3A_50 : vector<16xi32>
    %swap3A = arith.constant 0 : index
    %swap3A_52 = tpu.vector_load %arg14[%swap3A] {strides = array<i32>} : memref<64xi32, #tpu.memory_space<vmem>>, vector<16xi32>,
    %swap3A_53 = vector.shape_cast %swap3A_52 : vector<16xi32> to vector<16xi32>
    %swap3A_54 = vector.shape_cast %add3A_51 : vector<16xi32> to vector<16xi32>
    tpu.vector_store %arg14[%swap3A], %swap3A_54 {strides = array<i32>} : memref<64xi32, #tpu.memory_space<vmem>>, vector<16xi32>,
    %get3A_55 = arith.constant 16 : index
    %get3A_56 = tpu.vector_load %arg8[%get3A_55] {strides = array<i32>} : memref<64xi32, #tpu.memory_space<vmem>>, vector<16xi32>,
    %get3A_57 = vector.shape_cast %get3A_56 : vector<16xi32> to vector<16xi32>
    %mul3A_58 = arith.constant 2 : i32
    %mul3A_59 = vector.broadcast %mul3A_58 : i32 to vector<16xi32>
    %mul3A_60 = arith.muli %get3A_57, %mul3A_59 : vector<16xi32>
    %add3A_61 = vector.broadcast %arg0 : i32 to vector<16xi32>
    %add3A_62 = arith.addi %mul3A_60, %add3A_61 : vector<16xi32>
    %swap3A_63 = arith.constant 16 : index
    %swap3A_64 = tpu.vector_load %arg14[%swap3A_63] {strides = array<i32>} : memref<64xi32, #tpu.memory_space<vmem>>, vector<16xi32>,
    %swap3A_65 = vector.shape_cast %swap3A_64 : vector<16xi32> to vector<16xi32>
    %swap3A_66 = vector.shape_cast %add3A_62 : vector<16xi32> to vector<16xi32>
    tpu.vector_store %arg14[%swap3A_63], %swap3A_66 {strides = array<i32>} : memref<64xi32, #tpu.memory_space<vmem>>, vector<16xi32>,
    %get3A_67 = arith.constant 32 : index
    %get3A_68 = tpu.vector_load %arg8[%get3A_67] {strides = array<i32>} : memref<64xi32, #tpu.memory_space<vmem>>, vector<16xi32>,
    %get3A_69 = vector.shape_cast %get3A_68 : vector<16xi32> to vector<16xi32>
    %mul3A_70 = arith.constant 2 : i32
    %mul3A_71 = vector.broadcast %mul3A_70 : i32 to vector<16xi32>
    %mul3A_72 = arith.muli %get3A_69, %mul3A_71 : vector<16xi32>
    %add3A_73 = vector.broadcast %arg0 : i32 to vector<16xi32>
    %add3A_74 = arith.addi %mul3A_72, %add3A_73 : vector<16xi32>
    %swap3A_75 = arith.constant 32 : index
    %swap3A_76 = tpu.vector_load %arg14[%swap3A_75] {strides = array<i32>} : memref<64xi32, #tpu.memory_space<vmem>>, vector<16xi32>,
    %swap3A_77 = vector.shape_cast %swap3A_76 : vector<16xi32> to vector<16xi32>
    %swap3A_78 = vector.shape_cast %add3A_74 : vector<16xi32> to vector<16xi32>
    tpu.vector_store %arg14[%swap3A_75], %swap3A_78 {strides = array<i32>} : memref<64xi32, #tpu.memory_space<vmem>>, vector<16xi32>,
    %get3A_79 = arith.constant 48 : index
    %get3A_80 = tpu.vector_load %arg8[%get3A_79] {strides = array<i32>} : memref<64xi32, #tpu.memory_space<vmem>>, vector<16xi32>,
    %get3A_81 = vector.shape_cast %get3A_80 : vector<16xi32> to vector<16xi32>
    %mul3A_82 = arith.constant 2 : i32
    %mul3A_83 = vector.broadcast %mul3A_82 : i32 to vector<16xi32>
    %mul3A_84 = arith.muli %get3A_81, %mul3A_83 : vector<16xi32>
    %add3A_85 = vector.broadcast %arg0 : i32 to vector<16xi32>
    %add3A_86 = arith.addi %mul3A_84, %add3A_85 : vector<16xi32>
    %swap3A_87 = arith.constant 48 : index
    %swap3A_88 = tpu.vector_load %arg14[%swap3A_87] {strides = array<i32>} : memref<64xi32, #tpu.memory_space<vmem>>, vector<16xi32>,
    %swap3A_89 = vector.shape_cast %swap3A_88 : vector<16xi32> to vector<16xi32>
    %swap3A_90 = vector.shape_cast %add3A_86 : vector<16xi32> to vector<16xi32>
    tpu.vector_store %arg14[%swap3A_87], %swap3A_90 {strides = array<i32>} : memref<64xi32, #tpu.memory_space<vmem>>, vector<16xi32>,
    %dma_start3A_91 = arith.constant 0 : i32
    %dma_start3A_92 = arith.constant 0 : i32
    %dma_start3A_93 = tpu.memref_slice %arg3[%dma_start3A_91, %dma_start3A_92] : memref<20000x128xf32, #tpu.memory_space<hbm>> -> memref<20000x128xf32, #tpu.memory_space<hbm>>
    tpu.enqueue_indirect_dma source(%dma_start3A_93 : memref<20000x128xf32, #tpu.memory_space<hbm>>) target(%arg20 : memref<64x128xf32, #tpu.memory_space<vmem>>) offsets(%arg14 : memref<64xi32, #tpu.memory_space<vmem>>) semaphore(%arg34 : memref<!tpu.dma_semaphore, #tpu.memory_space<semaphore_mem>>)
    %scan3A_94 = arith.constant 0 : i32
    %scan3A_95 = arith.constant 52 : i32
    %scan3A_96 = arith.addi %scan3A_94, %scan3A_95 : i32
    %scan3A_97 = arith.constant 1 : i32
    scf.for %scan3A_138 = %scan3A_94 to %scan3A_96 step %scan3A_97  : i32 {
      %mul3A_139 = arith.constant 1 : i32
      %mul3A_140 = arith.muli %scan3A_138, %mul3A_139 : i32
      %add3A_141 = arith.constant 0 : i32
      %add3A_142 = arith.addi %add3A_141, %mul3A_140 : i32
      %mul3A_143 = arith.constant 3 : i32
      %mul3A_144 = arith.muli %add3A_142, %mul3A_143 : i32
      %add3A_145 = arith.constant 0 : i32
      %add3A_146 = arith.addi %mul3A_144, %add3A_145 : i32
      %add3A_147 = arith.constant 1 : i32
      %add3A_148 = arith.addi %add3A_146, %add3A_147 : i32
      %lt3A = arith.constant 156 : i32
      %lt3A_149 = arith.cmpi slt, %add3A_148, %lt3A : i32
      %convert_element_type3A = arith.extui %lt3A_149 : i1 to i32
      %cond3A = arith.constant 0 : i32
      %cond3A_150 = arith.cmpi ne, %convert_element_type3A, %cond3A : i32
      scf.if %cond3A_150 {
        %dma_wait3A_280 = arith.constant 0 : i32
        %dma_wait3A_281 = tpu.memref_slice %arg4[%dma_wait3A_280] : memref<160000xi32, #tpu.memory_space<hbm>> -> memref<64xi32, #tpu.memory_space<hbm>>
        %dma_wait3A_282 = arith.constant 0 : i32
        %dma_wait3A_283 = tpu.memref_slice %arg4[%dma_wait3A_282] : memref<160000xi32, #tpu.memory_space<hbm>> -> memref<64xi32, #tpu.memory_space<hbm>>
        tpu.wait_dma2 semaphore(%arg26 : memref<!tpu.dma_semaphore, #tpu.memory_space<semaphore_mem>>) src(%dma_wait3A_283 : memref<64xi32, #tpu.memory_space<hbm>>) dst(%arg9 : memref<64xi32, #tpu.memory_space<vmem>>)
        %get3A_284 = arith.constant 0 : index
        %get3A_285 = tpu.vector_load %arg9[%get3A_284] {strides = array<i32>} : memref<64xi32, #tpu.memory_space<vmem>>, vector<16xi32>,
        %get3A_286 = vector.shape_cast %get3A_285 : vector<16xi32> to vector<16xi32>
        %mul3A_287 = arith.constant 2 : i32
        %mul3A_288 = vector.broadcast %mul3A_287 : i32 to vector<16xi32>
        %mul3A_289 = arith.muli %get3A_286, %mul3A_288 : vector<16xi32>
        %add3A_290 = vector.broadcast %arg0 : i32 to vector<16xi32>
        %add3A_291 = arith.addi %mul3A_289, %add3A_290 : vector<16xi32>
        %swap3A_292 = arith.constant 0 : index
        %swap3A_293 = tpu.vector_load %arg15[%swap3A_292] {strides = array<i32>} : memref<64xi32, #tpu.memory_space<vmem>>, vector<16xi32>,
        %swap3A_294 = vector.shape_cast %swap3A_293 : vector<16xi32> to vector<16xi32>
        %swap3A_295 = vector.shape_cast %add3A_291 : vector<16xi32> to vector<16xi32>
        tpu.vector_store %arg15[%swap3A_292], %swap3A_295 {strides = array<i32>} : memref<64xi32, #tpu.memory_space<vmem>>, vector<16xi32>,
        %get3A_296 = arith.constant 16 : index
        %get3A_297 = tpu.vector_load %arg9[%get3A_296] {strides = array<i32>} : memref<64xi32, #tpu.memory_space<vmem>>, vector<16xi32>,
        %get3A_298 = vector.shape_cast %get3A_297 : vector<16xi32> to vector<16xi32>
        %mul3A_299 = arith.constant 2 : i32
        %mul3A_300 = vector.broadcast %mul3A_299 : i32 to vector<16xi32>
        %mul3A_301 = arith.muli %get3A_298, %mul3A_300 : vector<16xi32>
        %add3A_302 = vector.broadcast %arg0 : i32 to vector<16xi32>
        %add3A_303 = arith.addi %mul3A_301, %add3A_302 : vector<16xi32>
        %swap3A_304 = arith.constant 16 : index
        %swap3A_305 = tpu.vector_load %arg15[%swap3A_304] {strides = array<i32>} : memref<64xi32, #tpu.memory_space<vmem>>, vector<16xi32>,
        %swap3A_306 = vector.shape_cast %swap3A_305 : vector<16xi32> to vector<16xi32>
        %swap3A_307 = vector.shape_cast %add3A_303 : vector<16xi32> to vector<16xi32>
        tpu.vector_store %arg15[%swap3A_304], %swap3A_307 {strides = array<i32>} : memref<64xi32, #tpu.memory_space<vmem>>, vector<16xi32>,
        %get3A_308 = arith.constant 32 : index
        %get3A_309 = tpu.vector_load %arg9[%get3A_308] {strides = array<i32>} : memref<64xi32, #tpu.memory_space<vmem>>, vector<16xi32>,
        %get3A_310 = vector.shape_cast %get3A_309 : vector<16xi32> to vector<16xi32>
        %mul3A_311 = arith.constant 2 : i32
        %mul3A_312 = vector.broadcast %mul3A_311 : i32 to vector<16xi32>
        %mul3A_313 = arith.muli %get3A_310, %mul3A_312 : vector<16xi32>
        %add3A_314 = vector.broadcast %arg0 : i32 to vector<16xi32>
        %add3A_315 = arith.addi %mul3A_313, %add3A_314 : vector<16xi32>
        %swap3A_316 = arith.constant 32 : index
        %swap3A_317 = tpu.vector_load %arg15[%swap3A_316] {strides = array<i32>} : memref<64xi32, #tpu.memory_space<vmem>>, vector<16xi32>,
        %swap3A_318 = vector.shape_cast %swap3A_317 : vector<16xi32> to vector<16xi32>
        %swap3A_319 = vector.shape_cast %add3A_315 : vector<16xi32> to vector<16xi32>
        tpu.vector_store %arg15[%swap3A_316], %swap3A_319 {strides = array<i32>} : memref<64xi32, #tpu.memory_space<vmem>>, vector<16xi32>,
        %get3A_320 = arith.constant 48 : index
        %get3A_321 = tpu.vector_load %arg9[%get3A_320] {strides = array<i32>} : memref<64xi32, #tpu.memory_space<vmem>>, vector<16xi32>,
        %get3A_322 = vector.shape_cast %get3A_321 : vector<16xi32> to vector<16xi32>
        %mul3A_323 = arith.constant 2 : i32
        %mul3A_324 = vector.broadcast %mul3A_323 : i32 to vector<16xi32>
        %mul3A_325 = arith.muli %get3A_322, %mul3A_324 : vector<16xi32>
        %add3A_326 = vector.broadcast %arg0 : i32 to vector<16xi32>
        %add3A_327 = arith.addi %mul3A_325, %add3A_326 : vector<16xi32>
        %swap3A_328 = arith.constant 48 : index
        %swap3A_329 = tpu.vector_load %arg15[%swap3A_328] {strides = array<i32>} : memref<64xi32, #tpu.memory_space<vmem>>, vector<16xi32>,
        %swap3A_330 = vector.shape_cast %swap3A_329 : vector<16xi32> to vector<16xi32>
        %swap3A_331 = vector.shape_cast %add3A_327 : vector<16xi32> to vector<16xi32>
        tpu.vector_store %arg15[%swap3A_328], %swap3A_331 {strides = array<i32>} : memref<64xi32, #tpu.memory_space<vmem>>, vector<16xi32>,
        %dma_start3A_332 = arith.constant 0 : i32
        %dma_start3A_333 = arith.constant 0 : i32
        %dma_start3A_334 = tpu.memref_slice %arg3[%dma_start3A_332, %dma_start3A_333] : memref<20000x128xf32, #tpu.memory_space<hbm>> -> memref<20000x128xf32, #tpu.memory_space<hbm>>
        tpu.enqueue_indirect_dma source(%dma_start3A_334 : memref<20000x128xf32, #tpu.memory_space<hbm>>) target(%arg21 : memref<64x128xf32, #tpu.memory_space<vmem>>) offsets(%arg15 : memref<64xi32, #tpu.memory_space<vmem>>) semaphore(%arg35 : memref<!tpu.dma_semaphore, #tpu.memory_space<semaphore_mem>>)
      } else {
      }
      %dma_wait3A_151 = arith.constant 0 : i32
      %dma_wait3A_152 = arith.constant 0 : i32
      %dma_wait3A_153 = tpu.memref_slice %arg3[%dma_wait3A_151, %dma_wait3A_152] : memref<20000x128xf32, #tpu.memory_space<hbm>> -> memref<64x128xf32, #tpu.memory_space<hbm>>
      %dma_wait3A_154 = arith.constant 0 : i32
      %dma_wait3A_155 = arith.constant 0 : i32
      %dma_wait3A_156 = tpu.memref_slice %arg3[%dma_wait3A_154, %dma_wait3A_155] : memref<20000x128xf32, #tpu.memory_space<hbm>> -> memref<64x128xf32, #tpu.memory_space<hbm>>
      tpu.wait_dma2 semaphore(%arg34 : memref<!tpu.dma_semaphore, #tpu.memory_space<semaphore_mem>>) src(%dma_wait3A_156 : memref<64x128xf32, #tpu.memory_space<hbm>>) dst(%arg20 : memref<64x128xf32, #tpu.memory_space<vmem>>)
      %dma_wait3A_157 = arith.constant 0 : i32
      %dma_wait3A_158 = arith.constant 0 : i32
      %dma_wait3A_159 = tpu.memref_slice %arg2[%dma_wait3A_157, %dma_wait3A_158] : memref<320000x128xf32, #tpu.memory_space<hbm>> -> memref<64x128xf32, #tpu.memory_space<hbm>>
      %dma_wait3A_160 = arith.constant 0 : i32
      %dma_wait3A_161 = arith.constant 0 : i32
      %dma_wait3A_162 = tpu.memref_slice %arg2[%dma_wait3A_160, %dma_wait3A_161] : memref<320000x128xf32, #tpu.memory_space<hbm>> -> memref<64x128xf32, #tpu.memory_space<hbm>>
      tpu.wait_dma2 semaphore(%arg31 : memref<!tpu.dma_semaphore, #tpu.memory_space<semaphore_mem>>) src(%dma_wait3A_162 : memref<64x128xf32, #tpu.memory_space<hbm>>) dst(%arg17 : memref<64x128xf32, #tpu.memory_space<vmem>>)
      %scan3A_163 = arith.constant 0 : i32
      %scan3A_164 = arith.constant 64 : i32
      %scan3A_165 = arith.addi %scan3A_163, %scan3A_164 : i32
      %scan3A_166 = arith.constant 1 : i32
      scf.for %scan3A_280 = %scan3A_163 to %scan3A_165 step %scan3A_166  : i32 {
        %mul3A_281 = arith.constant 1 : i32
        %mul3A_282 = arith.muli %scan3A_280, %mul3A_281 : i32
        %add3A_283 = arith.constant 0 : i32
        %add3A_284 = arith.addi %add3A_283, %mul3A_282 : i32
        %get3A_285 = arith.index_cast %add3A_284 : i32 to index
        %get3A_286 = arith.constant 0 : index
        %get3A_287 = tpu.vector_load %arg20[%get3A_285, %get3A_286] {strides = array<i32>} : memref<64x128xf32, #tpu.memory_space<vmem>>, vector<1x16xf32>,
        %get3A_288 = vector.shape_cast %get3A_287 : vector<1x16xf32> to vector<16xf32>
        %get3A_289 = arith.index_cast %add3A_284 : i32 to index
        %get3A_290 = arith.constant 0 : index
        %get3A_291 = tpu.vector_load %arg17[%get3A_289, %get3A_290] {strides = array<i32>} : memref<64x128xf32, #tpu.memory_space<vmem>>, vector<1x16xf32>,
        %get3A_292 = vector.shape_cast %get3A_291 : vector<1x16xf32> to vector<16xf32>
        %add3A_293 = arith.addf %get3A_288, %get3A_292 : vector<16xf32>
        %max3A = arith.constant 0.000000e+00 : f32
        %max3A_294 = vector.broadcast %max3A : f32 to vector<16xf32>
        %max3A_295 = arith.maximumf %add3A_293, %max3A_294 : vector<16xf32>
        %swap3A_296 = arith.index_cast %add3A_284 : i32 to index
        %swap3A_297 = arith.constant 0 : index
        %swap3A_298 = tpu.vector_load %arg20[%swap3A_296, %swap3A_297] {strides = array<i32>} : memref<64x128xf32, #tpu.memory_space<vmem>>, vector<1x16xf32>,
        %swap3A_299 = vector.shape_cast %swap3A_298 : vector<1x16xf32> to vector<16xf32>
        %swap3A_300 = vector.shape_cast %max3A_295 : vector<16xf32> to vector<1x16xf32>
        tpu.vector_store %arg20[%swap3A_296, %swap3A_297], %swap3A_300 {strides = array<i32>} : memref<64x128xf32, #tpu.memory_space<vmem>>, vector<1x16xf32>,
        %get3A_301 = arith.index_cast %add3A_284 : i32 to index
        %get3A_302 = arith.constant 16 : index
        %get3A_303 = tpu.vector_load %arg20[%get3A_301, %get3A_302] {strides = array<i32>} : memref<64x128xf32, #tpu.memory_space<vmem>>, vector<1x16xf32>,
        %get3A_304 = vector.shape_cast %get3A_303 : vector<1x16xf32> to vector<16xf32>
        %get3A_305 = arith.index_cast %add3A_284 : i32 to index
        %get3A_306 = arith.constant 16 : index
        %get3A_307 = tpu.vector_load %arg17[%get3A_305, %get3A_306] {strides = array<i32>} : memref<64x128xf32, #tpu.memory_space<vmem>>, vector<1x16xf32>,
        %get3A_308 = vector.shape_cast %get3A_307 : vector<1x16xf32> to vector<16xf32>
        %add3A_309 = arith.addf %get3A_304, %get3A_308 : vector<16xf32>
        %max3A_310 = arith.constant 0.000000e+00 : f32
        %max3A_311 = vector.broadcast %max3A_310 : f32 to vector<16xf32>
        %max3A_312 = arith.maximumf %add3A_309, %max3A_311 : vector<16xf32>
        %swap3A_313 = arith.index_cast %add3A_284 : i32 to index
        %swap3A_314 = arith.constant 16 : index
        %swap3A_315 = tpu.vector_load %arg20[%swap3A_313, %swap3A_314] {strides = array<i32>} : memref<64x128xf32, #tpu.memory_space<vmem>>, vector<1x16xf32>,
        %swap3A_316 = vector.shape_cast %swap3A_315 : vector<1x16xf32> to vector<16xf32>
        %swap3A_317 = vector.shape_cast %max3A_312 : vector<16xf32> to vector<1x16xf32>
        tpu.vector_store %arg20[%swap3A_313, %swap3A_314], %swap3A_317 {strides = array<i32>} : memref<64x128xf32, #tpu.memory_space<vmem>>, vector<1x16xf32>,
        %get3A_318 = arith.index_cast %add3A_284 : i32 to index
        %get3A_319 = arith.constant 32 : index
        %get3A_320 = tpu.vector_load %arg20[%get3A_318, %get3A_319] {strides = array<i32>} : memref<64x128xf32, #tpu.memory_space<vmem>>, vector<1x16xf32>,
        %get3A_321 = vector.shape_cast %get3A_320 : vector<1x16xf32> to vector<16xf32>
        %get3A_322 = arith.index_cast %add3A_284 : i32 to index
        %get3A_323 = arith.constant 32 : index
        %get3A_324 = tpu.vector_load %arg17[%get3A_322, %get3A_323] {strides = array<i32>} : memref<64x128xf32, #tpu.memory_space<vmem>>, vector<1x16xf32>,
        %get3A_325 = vector.shape_cast %get3A_324 : vector<1x16xf32> to vector<16xf32>
        %add3A_326 = arith.addf %get3A_321, %get3A_325 : vector<16xf32>
        %max3A_327 = arith.constant 0.000000e+00 : f32
        %max3A_328 = vector.broadcast %max3A_327 : f32 to vector<16xf32>
        %max3A_329 = arith.maximumf %add3A_326, %max3A_328 : vector<16xf32>
        %swap3A_330 = arith.index_cast %add3A_284 : i32 to index
        %swap3A_331 = arith.constant 32 : index
        %swap3A_332 = tpu.vector_load %arg20[%swap3A_330, %swap3A_331] {strides = array<i32>} : memref<64x128xf32, #tpu.memory_space<vmem>>, vector<1x16xf32>,
        %swap3A_333 = vector.shape_cast %swap3A_332 : vector<1x16xf32> to vector<16xf32>
        %swap3A_334 = vector.shape_cast %max3A_329 : vector<16xf32> to vector<1x16xf32>
        tpu.vector_store %arg20[%swap3A_330, %swap3A_331], %swap3A_334 {strides = array<i32>} : memref<64x128xf32, #tpu.memory_space<vmem>>, vector<1x16xf32>,
        %get3A_335 = arith.index_cast %add3A_284 : i32 to index
        %get3A_336 = arith.constant 48 : index
        %get3A_337 = tpu.vector_load %arg20[%get3A_335, %get3A_336] {strides = array<i32>} : memref<64x128xf32, #tpu.memory_space<vmem>>, vector<1x16xf32>,
        %get3A_338 = vector.shape_cast %get3A_337 : vector<1x16xf32> to vector<16xf32>
        %get3A_339 = arith.index_cast %add3A_284 : i32 to index
        %get3A_340 = arith.constant 48 : index
        %get3A_341 = tpu.vector_load %arg17[%get3A_339, %get3A_340] {strides = array<i32>} : memref<64x128xf32, #tpu.memory_space<vmem>>, vector<1x16xf32>,
        %get3A_342 = vector.shape_cast %get3A_341 : vector<1x16xf32> to vector<16xf32>
        %add3A_343 = arith.addf %get3A_338, %get3A_342 : vector<16xf32>
        %max3A_344 = arith.constant 0.000000e+00 : f32
        %max3A_345 = vector.broadcast %max3A_344 : f32 to vector<16xf32>
        %max3A_346 = arith.maximumf %add3A_343, %max3A_345 : vector<16xf32>
        %swap3A_347 = arith.index_cast %add3A_284 : i32 to index
        %swap3A_348 = arith.constant 48 : index
        %swap3A_349 = tpu.vector_load %arg20[%swap3A_347, %swap3A_348] {strides = array<i32>} : memref<64x128xf32, #tpu.memory_space<vmem>>, vector<1x16xf32>,
        %swap3A_350 = vector.shape_cast %swap3A_349 : vector<1x16xf32> to vector<16xf32>
        %swap3A_351 = vector.shape_cast %max3A_346 : vector<16xf32> to vector<1x16xf32>
        tpu.vector_store %arg20[%swap3A_347, %swap3A_348], %swap3A_351 {strides = array<i32>} : memref<64x128xf32, #tpu.memory_space<vmem>>, vector<1x16xf32>,
        %get3A_352 = arith.index_cast %add3A_284 : i32 to index
        %get3A_353 = arith.constant 64 : index
        %get3A_354 = tpu.vector_load %arg20[%get3A_352, %get3A_353] {strides = array<i32>} : memref<64x128xf32, #tpu.memory_space<vmem>>, vector<1x16xf32>,
        %get3A_355 = vector.shape_cast %get3A_354 : vector<1x16xf32> to vector<16xf32>
        %get3A_356 = arith.index_cast %add3A_284 : i32 to index
        %get3A_357 = arith.constant 64 : index
        %get3A_358 = tpu.vector_load %arg17[%get3A_356, %get3A_357] {strides = array<i32>} : memref<64x128xf32, #tpu.memory_space<vmem>>, vector<1x16xf32>,
        %get3A_359 = vector.shape_cast %get3A_358 : vector<1x16xf32> to vector<16xf32>
        %add3A_360 = arith.addf %get3A_355, %get3A_359 : vector<16xf32>
        %max3A_361 = arith.constant 0.000000e+00 : f32
        %max3A_362 = vector.broadcast %max3A_361 : f32 to vector<16xf32>
        %max3A_363 = arith.maximumf %add3A_360, %max3A_362 : vector<16xf32>
        %swap3A_364 = arith.index_cast %add3A_284 : i32 to index
        %swap3A_365 = arith.constant 64 : index
        %swap3A_366 = tpu.vector_load %arg20[%swap3A_364, %swap3A_365] {strides = array<i32>} : memref<64x128xf32, #tpu.memory_space<vmem>>, vector<1x16xf32>,
        %swap3A_367 = vector.shape_cast %swap3A_366 : vector<1x16xf32> to vector<16xf32>
        %swap3A_368 = vector.shape_cast %max3A_363 : vector<16xf32> to vector<1x16xf32>
        tpu.vector_store %arg20[%swap3A_364, %swap3A_365], %swap3A_368 {strides = array<i32>} : memref<64x128xf32, #tpu.memory_space<vmem>>, vector<1x16xf32>,
        %get3A_369 = arith.index_cast %add3A_284 : i32 to index
        %get3A_370 = arith.constant 80 : index
        %get3A_371 = tpu.vector_load %arg20[%get3A_369, %get3A_370] {strides = array<i32>} : memref<64x128xf32, #tpu.memory_space<vmem>>, vector<1x16xf32>,
        %get3A_372 = vector.shape_cast %get3A_371 : vector<1x16xf32> to vector<16xf32>
        %get3A_373 = arith.index_cast %add3A_284 : i32 to index
        %get3A_374 = arith.constant 80 : index
        %get3A_375 = tpu.vector_load %arg17[%get3A_373, %get3A_374] {strides = array<i32>} : memref<64x128xf32, #tpu.memory_space<vmem>>, vector<1x16xf32>,
        %get3A_376 = vector.shape_cast %get3A_375 : vector<1x16xf32> to vector<16xf32>
        %add3A_377 = arith.addf %get3A_372, %get3A_376 : vector<16xf32>
        %max3A_378 = arith.constant 0.000000e+00 : f32
        %max3A_379 = vector.broadcast %max3A_378 : f32 to vector<16xf32>
        %max3A_380 = arith.maximumf %add3A_377, %max3A_379 : vector<16xf32>
        %swap3A_381 = arith.index_cast %add3A_284 : i32 to index
        %swap3A_382 = arith.constant 80 : index
        %swap3A_383 = tpu.vector_load %arg20[%swap3A_381, %swap3A_382] {strides = array<i32>} : memref<64x128xf32, #tpu.memory_space<vmem>>, vector<1x16xf32>,
        %swap3A_384 = vector.shape_cast %swap3A_383 : vector<1x16xf32> to vector<16xf32>
        %swap3A_385 = vector.shape_cast %max3A_380 : vector<16xf32> to vector<1x16xf32>
        tpu.vector_store %arg20[%swap3A_381, %swap3A_382], %swap3A_385 {strides = array<i32>} : memref<64x128xf32, #tpu.memory_space<vmem>>, vector<1x16xf32>,
        %get3A_386 = arith.index_cast %add3A_284 : i32 to index
        %get3A_387 = arith.constant 96 : index
        %get3A_388 = tpu.vector_load %arg20[%get3A_386, %get3A_387] {strides = array<i32>} : memref<64x128xf32, #tpu.memory_space<vmem>>, vector<1x16xf32>,
        %get3A_389 = vector.shape_cast %get3A_388 : vector<1x16xf32> to vector<16xf32>
        %get3A_390 = arith.index_cast %add3A_284 : i32 to index
        %get3A_391 = arith.constant 96 : index
        %get3A_392 = tpu.vector_load %arg17[%get3A_390, %get3A_391] {strides = array<i32>} : memref<64x128xf32, #tpu.memory_space<vmem>>, vector<1x16xf32>,
        %get3A_393 = vector.shape_cast %get3A_392 : vector<1x16xf32> to vector<16xf32>
        %add3A_394 = arith.addf %get3A_389, %get3A_393 : vector<16xf32>
        %max3A_395 = arith.constant 0.000000e+00 : f32
        %max3A_396 = vector.broadcast %max3A_395 : f32 to vector<16xf32>
        %max3A_397 = arith.maximumf %add3A_394, %max3A_396 : vector<16xf32>
        %swap3A_398 = arith.index_cast %add3A_284 : i32 to index
        %swap3A_399 = arith.constant 96 : index
        %swap3A_400 = tpu.vector_load %arg20[%swap3A_398, %swap3A_399] {strides = array<i32>} : memref<64x128xf32, #tpu.memory_space<vmem>>, vector<1x16xf32>,
        %swap3A_401 = vector.shape_cast %swap3A_400 : vector<1x16xf32> to vector<16xf32>
        %swap3A_402 = vector.shape_cast %max3A_397 : vector<16xf32> to vector<1x16xf32>
        tpu.vector_store %arg20[%swap3A_398, %swap3A_399], %swap3A_402 {strides = array<i32>} : memref<64x128xf32, #tpu.memory_space<vmem>>, vector<1x16xf32>,
        %get3A_403 = arith.index_cast %add3A_284 : i32 to index
        %get3A_404 = arith.constant 112 : index
        %get3A_405 = tpu.vector_load %arg20[%get3A_403, %get3A_404] {strides = array<i32>} : memref<64x128xf32, #tpu.memory_space<vmem>>, vector<1x16xf32>,
        %get3A_406 = vector.shape_cast %get3A_405 : vector<1x16xf32> to vector<16xf32>
        %get3A_407 = arith.index_cast %add3A_284 : i32 to index
        %get3A_408 = arith.constant 112 : index
        %get3A_409 = tpu.vector_load %arg17[%get3A_407, %get3A_408] {strides = array<i32>} : memref<64x128xf32, #tpu.memory_space<vmem>>, vector<1x16xf32>,
        %get3A_410 = vector.shape_cast %get3A_409 : vector<1x16xf32> to vector<16xf32>
        %add3A_411 = arith.addf %get3A_406, %get3A_410 : vector<16xf32>
        %max3A_412 = arith.constant 0.000000e+00 : f32
        %max3A_413 = vector.broadcast %max3A_412 : f32 to vector<16xf32>
        %max3A_414 = arith.maximumf %add3A_411, %max3A_413 : vector<16xf32>
        %swap3A_415 = arith.index_cast %add3A_284 : i32 to index
        %swap3A_416 = arith.constant 112 : index
        %swap3A_417 = tpu.vector_load %arg20[%swap3A_415, %swap3A_416] {strides = array<i32>} : memref<64x128xf32, #tpu.memory_space<vmem>>, vector<1x16xf32>,
        %swap3A_418 = vector.shape_cast %swap3A_417 : vector<1x16xf32> to vector<16xf32>
        %swap3A_419 = vector.shape_cast %max3A_414 : vector<16xf32> to vector<1x16xf32>
        tpu.vector_store %arg20[%swap3A_415, %swap3A_416], %swap3A_419 {strides = array<i32>} : memref<64x128xf32, #tpu.memory_space<vmem>>, vector<1x16xf32>,
      }
      %scan3A_167 = arith.constant 64 : i32
      %dma_wait3A_168 = arith.constant 0 : i32
      %dma_wait3A_169 = tpu.memref_slice %arg5[%dma_wait3A_168] : memref<160000xi32, #tpu.memory_space<hbm>> -> memref<64xi32, #tpu.memory_space<hbm>>
      %dma_wait3A_170 = arith.constant 0 : i32
      %dma_wait3A_171 = tpu.memref_slice %arg5[%dma_wait3A_170] : memref<160000xi32, #tpu.memory_space<hbm>> -> memref<64xi32, #tpu.memory_space<hbm>>
      tpu.wait_dma2 semaphore(%arg28 : memref<!tpu.dma_semaphore, #tpu.memory_space<semaphore_mem>>) src(%dma_wait3A_171 : memref<64xi32, #tpu.memory_space<hbm>>) dst(%arg11 : memref<64xi32, #tpu.memory_space<vmem>>)
      %dma_start3A_172 = arith.constant 0 : i32
      %dma_start3A_173 = arith.constant 0 : i32
      %dma_start3A_174 = tpu.memref_slice %arg7[%dma_start3A_172, %dma_start3A_173] : memref<10000x128xf32, #tpu.memory_space<vmem_shared>> -> memref<10000x128xf32, #tpu.memory_space<vmem_shared>>
      tpu.enqueue_indirect_dma source(%arg20 : memref<64x128xf32, #tpu.memory_space<vmem>>) target(%dma_start3A_174 : memref<10000x128xf32, #tpu.memory_space<vmem_shared>>) offsets(%arg11 : memref<64xi32, #tpu.memory_space<vmem>>) semaphore(%arg37 : memref<!tpu.dma_semaphore, #tpu.memory_space<semaphore_mem>>) {add = true}
      %ge3A = arith.constant 1 : i32
      %ge3A_175 = arith.cmpi sge, %add3A_146, %ge3A : i32
      %convert_element_type3A_176 = arith.extui %ge3A_175 : i1 to i32
      %cond3A_177 = arith.constant 0 : i32
      %cond3A_178 = arith.cmpi ne, %convert_element_type3A_176, %cond3A_177 : i32
      scf.if %cond3A_178 {
        %dma_wait3A_280 = arith.constant 0 : i32
        %dma_wait3A_281 = arith.constant 0 : i32
        %dma_wait3A_282 = tpu.memref_slice %arg7[%dma_wait3A_280, %dma_wait3A_281] : memref<10000x128xf32, #tpu.memory_space<vmem_shared>> -> memref<64x128xf32, #tpu.memory_space<vmem_shared>>
        %dma_wait3A_283 = arith.constant 0 : i32
        %dma_wait3A_284 = arith.constant 0 : i32
        %dma_wait3A_285 = tpu.memref_slice %arg7[%dma_wait3A_283, %dma_wait3A_284] : memref<10000x128xf32, #tpu.memory_space<vmem_shared>> -> memref<64x128xf32, #tpu.memory_space<vmem_shared>>
        tpu.wait_dma2 semaphore(%arg39 : memref<!tpu.dma_semaphore, #tpu.memory_space<semaphore_mem>>) src(%arg22 : memref<64x128xf32, #tpu.memory_space<vmem>>) dst(%dma_wait3A_285 : memref<64x128xf32, #tpu.memory_space<vmem_shared>>)
      } else {
      }
      %add3A_179 = arith.constant 2 : i32
      %add3A_180 = arith.addi %add3A_146, %add3A_179 : i32
      %lt3A_181 = arith.constant 156 : i32
      %lt3A_182 = arith.cmpi slt, %add3A_180, %lt3A_181 : i32
      %convert_element_type3A_183 = arith.extui %lt3A_182 : i1 to i32
      %cond3A_184 = arith.constant 0 : i32
      %cond3A_185 = arith.cmpi ne, %convert_element_type3A_183, %cond3A_184 : i32
      scf.if %cond3A_185 {
        %add3A_280 = arith.constant 2 : i32
        %add3A_281 = arith.addi %add3A_146, %add3A_280 : i32
        %mul3A_282 = arith.constant 64 : i32
        %mul3A_283 = arith.muli %add3A_281, %mul3A_282 : i32
        %add3A_284 = arith.addi %mul3A_9, %mul3A_283 : i32
        %dma_start3A_285 = tpu.memref_slice %arg4[%add3A_284] : memref<160000xi32, #tpu.memory_space<hbm>> -> memref<64xi32, #tpu.memory_space<hbm>>
        %dma_start3A_286 = tpu.memref_slice %arg4[%add3A_284] : memref<160000xi32, #tpu.memory_space<hbm>> -> memref<64xi32, #tpu.memory_space<hbm>>
        tpu.enqueue_dma source(%dma_start3A_286 : memref<64xi32, #tpu.memory_space<hbm>>) target(%arg10 : memref<64xi32, #tpu.memory_space<vmem>>) target_semaphore(%arg27 : memref<!tpu.dma_semaphore, #tpu.memory_space<semaphore_mem>>)
        %mul3A_287 = arith.constant 64 : i32
        %mul3A_288 = arith.muli %add3A_281, %mul3A_287 : i32
        %add3A_289 = arith.addi %mul3A_9, %mul3A_288 : i32
        %dma_start3A_290 = tpu.memref_slice %arg5[%add3A_289] : memref<160000xi32, #tpu.memory_space<hbm>> -> memref<64xi32, #tpu.memory_space<hbm>>
        %dma_start3A_291 = tpu.memref_slice %arg5[%add3A_289] : memref<160000xi32, #tpu.memory_space<hbm>> -> memref<64xi32, #tpu.memory_space<hbm>>
        tpu.enqueue_dma source(%dma_start3A_291 : memref<64xi32, #tpu.memory_space<hbm>>) target(%arg13 : memref<64xi32, #tpu.memory_space<vmem>>) target_semaphore(%arg30 : memref<!tpu.dma_semaphore, #tpu.memory_space<semaphore_mem>>)
        %mul3A_292 = arith.constant 160000 : i32
        %mul3A_293 = arith.muli %arg0, %mul3A_292 : i32
        %add3A_294 = arith.addi %mul3A_293, %mul3A_9 : i32
        %mul3A_295 = arith.constant 64 : i32
        %mul3A_296 = arith.muli %add3A_281, %mul3A_295 : i32
        %add3A_297 = arith.addi %add3A_294, %mul3A_296 : i32
        %dma_start3A_298 = arith.constant 0 : i32
        %dma_start3A_299 = tpu.memref_slice %arg2[%add3A_297, %dma_start3A_298] : memref<320000x128xf32, #tpu.memory_space<hbm>> -> memref<64x128xf32, #tpu.memory_space<hbm>>
        %dma_start3A_300 = arith.constant 0 : i32
        %dma_start3A_301 = tpu.memref_slice %arg2[%add3A_297, %dma_start3A_300] : memref<320000x128xf32, #tpu.memory_space<hbm>> -> memref<64x128xf32, #tpu.memory_space<hbm>>
        tpu.enqueue_dma source(%dma_start3A_301 : memref<64x128xf32, #tpu.memory_space<hbm>>) target(%arg19 : memref<64x128xf32, #tpu.memory_space<vmem>>) target_semaphore(%arg33 : memref<!tpu.dma_semaphore, #tpu.memory_space<semaphore_mem>>)
      } else {
      }
      %mul3A_186 = arith.constant 3 : i32
      %mul3A_187 = arith.muli %add3A_142, %mul3A_186 : i32
      %add3A_188 = arith.constant 1 : i32
      %add3A_189 = arith.addi %mul3A_187, %add3A_188 : i32
      %add3A_190 = arith.constant 1 : i32
      %add3A_191 = arith.addi %add3A_189, %add3A_190 : i32
      %lt3A_192 = arith.constant 156 : i32
      %lt3A_193 = arith.cmpi slt, %add3A_191, %lt3A_192 : i32
      %convert_element_type3A_194 = arith.extui %lt3A_193 : i1 to i32
      %cond3A_195 = arith.constant 0 : i32
      %cond3A_196 = arith.cmpi ne, %convert_element_type3A_194, %cond3A_195 : i32
      scf.if %cond3A_196 {
        %dma_wait3A_280 = arith.constant 0 : i32
        %dma_wait3A_281 = tpu.memref_slice %arg4[%dma_wait3A_280] : memref<160000xi32, #tpu.memory_space<hbm>> -> memref<64xi32, #tpu.memory_space<hbm>>
        %dma_wait3A_282 = arith.constant 0 : i32
        %dma_wait3A_283 = tpu.memref_slice %arg4[%dma_wait3A_282] : memref<160000xi32, #tpu.memory_space<hbm>> -> memref<64xi32, #tpu.memory_space<hbm>>
        tpu.wait_dma2 semaphore(%arg27 : memref<!tpu.dma_semaphore, #tpu.memory_space<semaphore_mem>>) src(%dma_wait3A_283 : memref<64xi32, #tpu.memory_space<hbm>>) dst(%arg10 : memref<64xi32, #tpu.memory_space<vmem>>)
        %get3A_284 = arith.constant 0 : index
        %get3A_285 = tpu.vector_load %arg10[%get3A_284] {strides = array<i32>} : memref<64xi32, #tpu.memory_space<vmem>>, vector<16xi32>,
        %get3A_286 = vector.shape_cast %get3A_285 : vector<16xi32> to vector<16xi32>
        %mul3A_287 = arith.constant 2 : i32
        %mul3A_288 = vector.broadcast %mul3A_287 : i32 to vector<16xi32>
        %mul3A_289 = arith.muli %get3A_286, %mul3A_288 : vector<16xi32>
        %add3A_290 = vector.broadcast %arg0 : i32 to vector<16xi32>
        %add3A_291 = arith.addi %mul3A_289, %add3A_290 : vector<16xi32>
        %swap3A_292 = arith.constant 0 : index
        %swap3A_293 = tpu.vector_load %arg16[%swap3A_292] {strides = array<i32>} : memref<64xi32, #tpu.memory_space<vmem>>, vector<16xi32>,
        %swap3A_294 = vector.shape_cast %swap3A_293 : vector<16xi32> to vector<16xi32>
        %swap3A_295 = vector.shape_cast %add3A_291 : vector<16xi32> to vector<16xi32>
        tpu.vector_store %arg16[%swap3A_292], %swap3A_295 {strides = array<i32>} : memref<64xi32, #tpu.memory_space<vmem>>, vector<16xi32>,
        %get3A_296 = arith.constant 16 : index
        %get3A_297 = tpu.vector_load %arg10[%get3A_296] {strides = array<i32>} : memref<64xi32, #tpu.memory_space<vmem>>, vector<16xi32>,
        %get3A_298 = vector.shape_cast %get3A_297 : vector<16xi32> to vector<16xi32>
        %mul3A_299 = arith.constant 2 : i32
        %mul3A_300 = vector.broadcast %mul3A_299 : i32 to vector<16xi32>
        %mul3A_301 = arith.muli %get3A_298, %mul3A_300 : vector<16xi32>
        %add3A_302 = vector.broadcast %arg0 : i32 to vector<16xi32>
        %add3A_303 = arith.addi %mul3A_301, %add3A_302 : vector<16xi32>
        %swap3A_304 = arith.constant 16 : index
        %swap3A_305 = tpu.vector_load %arg16[%swap3A_304] {strides = array<i32>} : memref<64xi32, #tpu.memory_space<vmem>>, vector<16xi32>,
        %swap3A_306 = vector.shape_cast %swap3A_305 : vector<16xi32> to vector<16xi32>
        %swap3A_307 = vector.shape_cast %add3A_303 : vector<16xi32> to vector<16xi32>
        tpu.vector_store %arg16[%swap3A_304], %swap3A_307 {strides = array<i32>} : memref<64xi32, #tpu.memory_space<vmem>>, vector<16xi32>,
        %get3A_308 = arith.constant 32 : index
        %get3A_309 = tpu.vector_load %arg10[%get3A_308] {strides = array<i32>} : memref<64xi32, #tpu.memory_space<vmem>>, vector<16xi32>,
        %get3A_310 = vector.shape_cast %get3A_309 : vector<16xi32> to vector<16xi32>
        %mul3A_311 = arith.constant 2 : i32
        %mul3A_312 = vector.broadcast %mul3A_311 : i32 to vector<16xi32>
        %mul3A_313 = arith.muli %get3A_310, %mul3A_312 : vector<16xi32>
        %add3A_314 = vector.broadcast %arg0 : i32 to vector<16xi32>
        %add3A_315 = arith.addi %mul3A_313, %add3A_314 : vector<16xi32>
        %swap3A_316 = arith.constant 32 : index
        %swap3A_317 = tpu.vector_load %arg16[%swap3A_316] {strides = array<i32>} : memref<64xi32, #tpu.memory_space<vmem>>, vector<16xi32>,
        %swap3A_318 = vector.shape_cast %swap3A_317 : vector<16xi32> to vector<16xi32>
        %swap3A_319 = vector.shape_cast %add3A_315 : vector<16xi32> to vector<16xi32>
        tpu.vector_store %arg16[%swap3A_316], %swap3A_319 {strides = array<i32>} : memref<64xi32, #tpu.memory_space<vmem>>, vector<16xi32>,
        %get3A_320 = arith.constant 48 : index
        %get3A_321 = tpu.vector_load %arg10[%get3A_320] {strides = array<i32>} : memref<64xi32, #tpu.memory_space<vmem>>, vector<16xi32>,
        %get3A_322 = vector.shape_cast %get3A_321 : vector<16xi32> to vector<16xi32>
        %mul3A_323 = arith.constant 2 : i32
        %mul3A_324 = vector.broadcast %mul3A_323 : i32 to vector<16xi32>
        %mul3A_325 = arith.muli %get3A_322, %mul3A_324 : vector<16xi32>
        %add3A_326 = vector.broadcast %arg0 : i32 to vector<16xi32>
        %add3A_327 = arith.addi %mul3A_325, %add3A_326 : vector<16xi32>
        %swap3A_328 = arith.constant 48 : index
        %swap3A_329 = tpu.vector_load %arg16[%swap3A_328] {strides = array<i32>} : memref<64xi32, #tpu.memory_space<vmem>>, vector<16xi32>,
        %swap3A_330 = vector.shape_cast %swap3A_329 : vector<16xi32> to vector<16xi32>
        %swap3A_331 = vector.shape_cast %add3A_327 : vector<16xi32> to vector<16xi32>
        tpu.vector_store %arg16[%swap3A_328], %swap3A_331 {strides = array<i32>} : memref<64xi32, #tpu.memory_space<vmem>>, vector<16xi32>,
        %dma_start3A_332 = arith.constant 0 : i32
        %dma_start3A_333 = arith.constant 0 : i32
        %dma_start3A_334 = tpu.memref_slice %arg3[%dma_start3A_332, %dma_start3A_333] : memref<20000x128xf32, #tpu.memory_space<hbm>> -> memref<20000x128xf32, #tpu.memory_space<hbm>>
        tpu.enqueue_indirect_dma source(%dma_start3A_334 : memref<20000x128xf32, #tpu.memory_space<hbm>>) target(%arg22 : memref<64x128xf32, #tpu.memory_space<vmem>>) offsets(%arg16 : memref<64xi32, #tpu.memory_space<vmem>>) semaphore(%arg36 : memref<!tpu.dma_semaphore, #tpu.memory_space<semaphore_mem>>)
      } else {
      }
      %dma_wait3A_197 = arith.constant 0 : i32
      %dma_wait3A_198 = arith.constant 0 : i32
      %dma_wait3A_199 = tpu.memref_slice %arg3[%dma_wait3A_197, %dma_wait3A_198] : memref<20000x128xf32, #tpu.memory_space<hbm>> -> memref<64x128xf32, #tpu.memory_space<hbm>>
      %dma_wait3A_200 = arith.constant 0 : i32
      %dma_wait3A_201 = arith.constant 0 : i32
      %dma_wait3A_202 = tpu.memref_slice %arg3[%dma_wait3A_200, %dma_wait3A_201] : memref<20000x128xf32, #tpu.memory_space<hbm>> -> memref<64x128xf32, #tpu.memory_space<hbm>>
      tpu.wait_dma2 semaphore(%arg35 : memref<!tpu.dma_semaphore, #tpu.memory_space<semaphore_mem>>) src(%dma_wait3A_202 : memref<64x128xf32, #tpu.memory_space<hbm>>) dst(%arg21 : memref<64x128xf32, #tpu.memory_space<vmem>>)
      %dma_wait3A_203 = arith.constant 0 : i32
      %dma_wait3A_204 = arith.constant 0 : i32
      %dma_wait3A_205 = tpu.memref_slice %arg2[%dma_wait3A_203, %dma_wait3A_204] : memref<320000x128xf32, #tpu.memory_space<hbm>> -> memref<64x128xf32, #tpu.memory_space<hbm>>
      %dma_wait3A_206 = arith.constant 0 : i32
      %dma_wait3A_207 = arith.constant 0 : i32
      %dma_wait3A_208 = tpu.memref_slice %arg2[%dma_wait3A_206, %dma_wait3A_207] : memref<320000x128xf32, #tpu.memory_space<hbm>> -> memref<64x128xf32, #tpu.memory_space<hbm>>
      tpu.wait_dma2 semaphore(%arg32 : memref<!tpu.dma_semaphore, #tpu.memory_space<semaphore_mem>>) src(%dma_wait3A_208 : memref<64x128xf32, #tpu.memory_space<hbm>>) dst(%arg18 : memref<64x128xf32, #tpu.memory_space<vmem>>)
      %scan3A_209 = arith.constant 0 : i32
      %scan3A_210 = arith.constant 64 : i32
      %scan3A_211 = arith.addi %scan3A_209, %scan3A_210 : i32
      %scan3A_212 = arith.constant 1 : i32
      scf.for %scan3A_280 = %scan3A_209 to %scan3A_211 step %scan3A_212  : i32 {
        %mul3A_281 = arith.constant 1 : i32
        %mul3A_282 = arith.muli %scan3A_280, %mul3A_281 : i32
        %add3A_283 = arith.constant 0 : i32
        %add3A_284 = arith.addi %add3A_283, %mul3A_282 : i32
        %get3A_285 = arith.index_cast %add3A_284 : i32 to index
        %get3A_286 = arith.constant 0 : index
        %get3A_287 = tpu.vector_load %arg21[%get3A_285, %get3A_286] {strides = array<i32>} : memref<64x128xf32, #tpu.memory_space<vmem>>, vector<1x16xf32>,
        %get3A_288 = vector.shape_cast %get3A_287 : vector<1x16xf32> to vector<16xf32>
        %get3A_289 = arith.index_cast %add3A_284 : i32 to index
        %get3A_290 = arith.constant 0 : index
        %get3A_291 = tpu.vector_load %arg18[%get3A_289, %get3A_290] {strides = array<i32>} : memref<64x128xf32, #tpu.memory_space<vmem>>, vector<1x16xf32>,
        %get3A_292 = vector.shape_cast %get3A_291 : vector<1x16xf32> to vector<16xf32>
        %add3A_293 = arith.addf %get3A_288, %get3A_292 : vector<16xf32>
        %max3A = arith.constant 0.000000e+00 : f32
        %max3A_294 = vector.broadcast %max3A : f32 to vector<16xf32>
        %max3A_295 = arith.maximumf %add3A_293, %max3A_294 : vector<16xf32>
        %swap3A_296 = arith.index_cast %add3A_284 : i32 to index
        %swap3A_297 = arith.constant 0 : index
        %swap3A_298 = tpu.vector_load %arg21[%swap3A_296, %swap3A_297] {strides = array<i32>} : memref<64x128xf32, #tpu.memory_space<vmem>>, vector<1x16xf32>,
        %swap3A_299 = vector.shape_cast %swap3A_298 : vector<1x16xf32> to vector<16xf32>
        %swap3A_300 = vector.shape_cast %max3A_295 : vector<16xf32> to vector<1x16xf32>
        tpu.vector_store %arg21[%swap3A_296, %swap3A_297], %swap3A_300 {strides = array<i32>} : memref<64x128xf32, #tpu.memory_space<vmem>>, vector<1x16xf32>,
        %get3A_301 = arith.index_cast %add3A_284 : i32 to index
        %get3A_302 = arith.constant 16 : index
        %get3A_303 = tpu.vector_load %arg21[%get3A_301, %get3A_302] {strides = array<i32>} : memref<64x128xf32, #tpu.memory_space<vmem>>, vector<1x16xf32>,
        %get3A_304 = vector.shape_cast %get3A_303 : vector<1x16xf32> to vector<16xf32>
        %get3A_305 = arith.index_cast %add3A_284 : i32 to index
        %get3A_306 = arith.constant 16 : index
        %get3A_307 = tpu.vector_load %arg18[%get3A_305, %get3A_306] {strides = array<i32>} : memref<64x128xf32, #tpu.memory_space<vmem>>, vector<1x16xf32>,
        %get3A_308 = vector.shape_cast %get3A_307 : vector<1x16xf32> to vector<16xf32>
        %add3A_309 = arith.addf %get3A_304, %get3A_308 : vector<16xf32>
        %max3A_310 = arith.constant 0.000000e+00 : f32
        %max3A_311 = vector.broadcast %max3A_310 : f32 to vector<16xf32>
        %max3A_312 = arith.maximumf %add3A_309, %max3A_311 : vector<16xf32>
        %swap3A_313 = arith.index_cast %add3A_284 : i32 to index
        %swap3A_314 = arith.constant 16 : index
        %swap3A_315 = tpu.vector_load %arg21[%swap3A_313, %swap3A_314] {strides = array<i32>} : memref<64x128xf32, #tpu.memory_space<vmem>>, vector<1x16xf32>,
        %swap3A_316 = vector.shape_cast %swap3A_315 : vector<1x16xf32> to vector<16xf32>
        %swap3A_317 = vector.shape_cast %max3A_312 : vector<16xf32> to vector<1x16xf32>
        tpu.vector_store %arg21[%swap3A_313, %swap3A_314], %swap3A_317 {strides = array<i32>} : memref<64x128xf32, #tpu.memory_space<vmem>>, vector<1x16xf32>,
        %get3A_318 = arith.index_cast %add3A_284 : i32 to index
        %get3A_319 = arith.constant 32 : index
        %get3A_320 = tpu.vector_load %arg21[%get3A_318, %get3A_319] {strides = array<i32>} : memref<64x128xf32, #tpu.memory_space<vmem>>, vector<1x16xf32>,
        %get3A_321 = vector.shape_cast %get3A_320 : vector<1x16xf32> to vector<16xf32>
        %get3A_322 = arith.index_cast %add3A_284 : i32 to index
        %get3A_323 = arith.constant 32 : index
        %get3A_324 = tpu.vector_load %arg18[%get3A_322, %get3A_323] {strides = array<i32>} : memref<64x128xf32, #tpu.memory_space<vmem>>, vector<1x16xf32>,
        %get3A_325 = vector.shape_cast %get3A_324 : vector<1x16xf32> to vector<16xf32>
        %add3A_326 = arith.addf %get3A_321, %get3A_325 : vector<16xf32>
        %max3A_327 = arith.constant 0.000000e+00 : f32
        %max3A_328 = vector.broadcast %max3A_327 : f32 to vector<16xf32>
        %max3A_329 = arith.maximumf %add3A_326, %max3A_328 : vector<16xf32>
        %swap3A_330 = arith.index_cast %add3A_284 : i32 to index
        %swap3A_331 = arith.constant 32 : index
        %swap3A_332 = tpu.vector_load %arg21[%swap3A_330, %swap3A_331] {strides = array<i32>} : memref<64x128xf32, #tpu.memory_space<vmem>>, vector<1x16xf32>,
        %swap3A_333 = vector.shape_cast %swap3A_332 : vector<1x16xf32> to vector<16xf32>
        %swap3A_334 = vector.shape_cast %max3A_329 : vector<16xf32> to vector<1x16xf32>
        tpu.vector_store %arg21[%swap3A_330, %swap3A_331], %swap3A_334 {strides = array<i32>} : memref<64x128xf32, #tpu.memory_space<vmem>>, vector<1x16xf32>,
        %get3A_335 = arith.index_cast %add3A_284 : i32 to index
        %get3A_336 = arith.constant 48 : index
        %get3A_337 = tpu.vector_load %arg21[%get3A_335, %get3A_336] {strides = array<i32>} : memref<64x128xf32, #tpu.memory_space<vmem>>, vector<1x16xf32>,
        %get3A_338 = vector.shape_cast %get3A_337 : vector<1x16xf32> to vector<16xf32>
        %get3A_339 = arith.index_cast %add3A_284 : i32 to index
        %get3A_340 = arith.constant 48 : index
        %get3A_341 = tpu.vector_load %arg18[%get3A_339, %get3A_340] {strides = array<i32>} : memref<64x128xf32, #tpu.memory_space<vmem>>, vector<1x16xf32>,
        %get3A_342 = vector.shape_cast %get3A_341 : vector<1x16xf32> to vector<16xf32>
        %add3A_343 = arith.addf %get3A_338, %get3A_342 : vector<16xf32>
        %max3A_344 = arith.constant 0.000000e+00 : f32
        %max3A_345 = vector.broadcast %max3A_344 : f32 to vector<16xf32>
        %max3A_346 = arith.maximumf %add3A_343, %max3A_345 : vector<16xf32>
        %swap3A_347 = arith.index_cast %add3A_284 : i32 to index
        %swap3A_348 = arith.constant 48 : index
        %swap3A_349 = tpu.vector_load %arg21[%swap3A_347, %swap3A_348] {strides = array<i32>} : memref<64x128xf32, #tpu.memory_space<vmem>>, vector<1x16xf32>,
        %swap3A_350 = vector.shape_cast %swap3A_349 : vector<1x16xf32> to vector<16xf32>
        %swap3A_351 = vector.shape_cast %max3A_346 : vector<16xf32> to vector<1x16xf32>
        tpu.vector_store %arg21[%swap3A_347, %swap3A_348], %swap3A_351 {strides = array<i32>} : memref<64x128xf32, #tpu.memory_space<vmem>>, vector<1x16xf32>,
        %get3A_352 = arith.index_cast %add3A_284 : i32 to index
        %get3A_353 = arith.constant 64 : index
        %get3A_354 = tpu.vector_load %arg21[%get3A_352, %get3A_353] {strides = array<i32>} : memref<64x128xf32, #tpu.memory_space<vmem>>, vector<1x16xf32>,
        %get3A_355 = vector.shape_cast %get3A_354 : vector<1x16xf32> to vector<16xf32>
        %get3A_356 = arith.index_cast %add3A_284 : i32 to index
        %get3A_357 = arith.constant 64 : index
        %get3A_358 = tpu.vector_load %arg18[%get3A_356, %get3A_357] {strides = array<i32>} : memref<64x128xf32, #tpu.memory_space<vmem>>, vector<1x16xf32>,
        %get3A_359 = vector.shape_cast %get3A_358 : vector<1x16xf32> to vector<16xf32>
        %add3A_360 = arith.addf %get3A_355, %get3A_359 : vector<16xf32>
        %max3A_361 = arith.constant 0.000000e+00 : f32
        %max3A_362 = vector.broadcast %max3A_361 : f32 to vector<16xf32>
        %max3A_363 = arith.maximumf %add3A_360, %max3A_362 : vector<16xf32>
        %swap3A_364 = arith.index_cast %add3A_284 : i32 to index
        %swap3A_365 = arith.constant 64 : index
        %swap3A_366 = tpu.vector_load %arg21[%swap3A_364, %swap3A_365] {strides = array<i32>} : memref<64x128xf32, #tpu.memory_space<vmem>>, vector<1x16xf32>,
        %swap3A_367 = vector.shape_cast %swap3A_366 : vector<1x16xf32> to vector<16xf32>
        %swap3A_368 = vector.shape_cast %max3A_363 : vector<16xf32> to vector<1x16xf32>
        tpu.vector_store %arg21[%swap3A_364, %swap3A_365], %swap3A_368 {strides = array<i32>} : memref<64x128xf32, #tpu.memory_space<vmem>>, vector<1x16xf32>,
        %get3A_369 = arith.index_cast %add3A_284 : i32 to index
        %get3A_370 = arith.constant 80 : index
        %get3A_371 = tpu.vector_load %arg21[%get3A_369, %get3A_370] {strides = array<i32>} : memref<64x128xf32, #tpu.memory_space<vmem>>, vector<1x16xf32>,
        %get3A_372 = vector.shape_cast %get3A_371 : vector<1x16xf32> to vector<16xf32>
        %get3A_373 = arith.index_cast %add3A_284 : i32 to index
        %get3A_374 = arith.constant 80 : index
        %get3A_375 = tpu.vector_load %arg18[%get3A_373, %get3A_374] {strides = array<i32>} : memref<64x128xf32, #tpu.memory_space<vmem>>, vector<1x16xf32>,
        %get3A_376 = vector.shape_cast %get3A_375 : vector<1x16xf32> to vector<16xf32>
        %add3A_377 = arith.addf %get3A_372, %get3A_376 : vector<16xf32>
        %max3A_378 = arith.constant 0.000000e+00 : f32
        %max3A_379 = vector.broadcast %max3A_378 : f32 to vector<16xf32>
        %max3A_380 = arith.maximumf %add3A_377, %max3A_379 : vector<16xf32>
        %swap3A_381 = arith.index_cast %add3A_284 : i32 to index
        %swap3A_382 = arith.constant 80 : index
        %swap3A_383 = tpu.vector_load %arg21[%swap3A_381, %swap3A_382] {strides = array<i32>} : memref<64x128xf32, #tpu.memory_space<vmem>>, vector<1x16xf32>,
        %swap3A_384 = vector.shape_cast %swap3A_383 : vector<1x16xf32> to vector<16xf32>
        %swap3A_385 = vector.shape_cast %max3A_380 : vector<16xf32> to vector<1x16xf32>
        tpu.vector_store %arg21[%swap3A_381, %swap3A_382], %swap3A_385 {strides = array<i32>} : memref<64x128xf32, #tpu.memory_space<vmem>>, vector<1x16xf32>,
        %get3A_386 = arith.index_cast %add3A_284 : i32 to index
        %get3A_387 = arith.constant 96 : index
        %get3A_388 = tpu.vector_load %arg21[%get3A_386, %get3A_387] {strides = array<i32>} : memref<64x128xf32, #tpu.memory_space<vmem>>, vector<1x16xf32>,
        %get3A_389 = vector.shape_cast %get3A_388 : vector<1x16xf32> to vector<16xf32>
        %get3A_390 = arith.index_cast %add3A_284 : i32 to index
        %get3A_391 = arith.constant 96 : index
        %get3A_392 = tpu.vector_load %arg18[%get3A_390, %get3A_391] {strides = array<i32>} : memref<64x128xf32, #tpu.memory_space<vmem>>, vector<1x16xf32>,
        %get3A_393 = vector.shape_cast %get3A_392 : vector<1x16xf32> to vector<16xf32>
        %add3A_394 = arith.addf %get3A_389, %get3A_393 : vector<16xf32>
        %max3A_395 = arith.constant 0.000000e+00 : f32
        %max3A_396 = vector.broadcast %max3A_395 : f32 to vector<16xf32>
        %max3A_397 = arith.maximumf %add3A_394, %max3A_396 : vector<16xf32>
        %swap3A_398 = arith.index_cast %add3A_284 : i32 to index
        %swap3A_399 = arith.constant 96 : index
        %swap3A_400 = tpu.vector_load %arg21[%swap3A_398, %swap3A_399] {strides = array<i32>} : memref<64x128xf32, #tpu.memory_space<vmem>>, vector<1x16xf32>,
        %swap3A_401 = vector.shape_cast %swap3A_400 : vector<1x16xf32> to vector<16xf32>
        %swap3A_402 = vector.shape_cast %max3A_397 : vector<16xf32> to vector<1x16xf32>
        tpu.vector_store %arg21[%swap3A_398, %swap3A_399], %swap3A_402 {strides = array<i32>} : memref<64x128xf32, #tpu.memory_space<vmem>>, vector<1x16xf32>,
        %get3A_403 = arith.index_cast %add3A_284 : i32 to index
        %get3A_404 = arith.constant 112 : index
        %get3A_405 = tpu.vector_load %arg21[%get3A_403, %get3A_404] {strides = array<i32>} : memref<64x128xf32, #tpu.memory_space<vmem>>, vector<1x16xf32>,
        %get3A_406 = vector.shape_cast %get3A_405 : vector<1x16xf32> to vector<16xf32>
        %get3A_407 = arith.index_cast %add3A_284 : i32 to index
        %get3A_408 = arith.constant 112 : index
        %get3A_409 = tpu.vector_load %arg18[%get3A_407, %get3A_408] {strides = array<i32>} : memref<64x128xf32, #tpu.memory_space<vmem>>, vector<1x16xf32>,
        %get3A_410 = vector.shape_cast %get3A_409 : vector<1x16xf32> to vector<16xf32>
        %add3A_411 = arith.addf %get3A_406, %get3A_410 : vector<16xf32>
        %max3A_412 = arith.constant 0.000000e+00 : f32
        %max3A_413 = vector.broadcast %max3A_412 : f32 to vector<16xf32>
        %max3A_414 = arith.maximumf %add3A_411, %max3A_413 : vector<16xf32>
        %swap3A_415 = arith.index_cast %add3A_284 : i32 to index
        %swap3A_416 = arith.constant 112 : index
        %swap3A_417 = tpu.vector_load %arg21[%swap3A_415, %swap3A_416] {strides = array<i32>} : memref<64x128xf32, #tpu.memory_space<vmem>>, vector<1x16xf32>,
        %swap3A_418 = vector.shape_cast %swap3A_417 : vector<1x16xf32> to vector<16xf32>
        %swap3A_419 = vector.shape_cast %max3A_414 : vector<16xf32> to vector<1x16xf32>
        tpu.vector_store %arg21[%swap3A_415, %swap3A_416], %swap3A_419 {strides = array<i32>} : memref<64x128xf32, #tpu.memory_space<vmem>>, vector<1x16xf32>,
      }
      %scan3A_213 = arith.constant 64 : i32
      %dma_wait3A_214 = arith.constant 0 : i32
      %dma_wait3A_215 = tpu.memref_slice %arg5[%dma_wait3A_214] : memref<160000xi32, #tpu.memory_space<hbm>> -> memref<64xi32, #tpu.memory_space<hbm>>
      %dma_wait3A_216 = arith.constant 0 : i32
      %dma_wait3A_217 = tpu.memref_slice %arg5[%dma_wait3A_216] : memref<160000xi32, #tpu.memory_space<hbm>> -> memref<64xi32, #tpu.memory_space<hbm>>
      tpu.wait_dma2 semaphore(%arg29 : memref<!tpu.dma_semaphore, #tpu.memory_space<semaphore_mem>>) src(%dma_wait3A_217 : memref<64xi32, #tpu.memory_space<hbm>>) dst(%arg12 : memref<64xi32, #tpu.memory_space<vmem>>)
      %dma_start3A_218 = arith.constant 0 : i32
      %dma_start3A_219 = arith.constant 0 : i32
      %dma_start3A_220 = tpu.memref_slice %arg7[%dma_start3A_218, %dma_start3A_219] : memref<10000x128xf32, #tpu.memory_space<vmem_shared>> -> memref<10000x128xf32, #tpu.memory_space<vmem_shared>>
      tpu.enqueue_indirect_dma source(%arg21 : memref<64x128xf32, #tpu.memory_space<vmem>>) target(%dma_start3A_220 : memref<10000x128xf32, #tpu.memory_space<vmem_shared>>) offsets(%arg12 : memref<64xi32, #tpu.memory_space<vmem>>) semaphore(%arg38 : memref<!tpu.dma_semaphore, #tpu.memory_space<semaphore_mem>>) {add = true}
      %ge3A_221 = arith.constant 1 : i32
      %ge3A_222 = arith.cmpi sge, %add3A_189, %ge3A_221 : i32
      %convert_element_type3A_223 = arith.extui %ge3A_222 : i1 to i32
      %cond3A_224 = arith.constant 0 : i32
      %cond3A_225 = arith.cmpi ne, %convert_element_type3A_223, %cond3A_224 : i32
      scf.if %cond3A_225 {
        %dma_wait3A_280 = arith.constant 0 : i32
        %dma_wait3A_281 = arith.constant 0 : i32
        %dma_wait3A_282 = tpu.memref_slice %arg7[%dma_wait3A_280, %dma_wait3A_281] : memref<10000x128xf32, #tpu.memory_space<vmem_shared>> -> memref<64x128xf32, #tpu.memory_space<vmem_shared>>
        %dma_wait3A_283 = arith.constant 0 : i32
        %dma_wait3A_284 = arith.constant 0 : i32
        %dma_wait3A_285 = tpu.memref_slice %arg7[%dma_wait3A_283, %dma_wait3A_284] : memref<10000x128xf32, #tpu.memory_space<vmem_shared>> -> memref<64x128xf32, #tpu.memory_space<vmem_shared>>
        tpu.wait_dma2 semaphore(%arg37 : memref<!tpu.dma_semaphore, #tpu.memory_space<semaphore_mem>>) src(%arg20 : memref<64x128xf32, #tpu.memory_space<vmem>>) dst(%dma_wait3A_285 : memref<64x128xf32, #tpu.memory_space<vmem_shared>>)
      } else {
      }
      %add3A_226 = arith.constant 2 : i32
      %add3A_227 = arith.addi %add3A_189, %add3A_226 : i32
      %lt3A_228 = arith.constant 156 : i32
      %lt3A_229 = arith.cmpi slt, %add3A_227, %lt3A_228 : i32
      %convert_element_type3A_230 = arith.extui %lt3A_229 : i1 to i32
      %cond3A_231 = arith.constant 0 : i32
      %cond3A_232 = arith.cmpi ne, %convert_element_type3A_230, %cond3A_231 : i32
      scf.if %cond3A_232 {
        %add3A_280 = arith.constant 2 : i32
        %add3A_281 = arith.addi %add3A_189, %add3A_280 : i32
        %mul3A_282 = arith.constant 64 : i32
        %mul3A_283 = arith.muli %add3A_281, %mul3A_282 : i32
        %add3A_284 = arith.addi %mul3A_9, %mul3A_283 : i32
        %dma_start3A_285 = tpu.memref_slice %arg4[%add3A_284] : memref<160000xi32, #tpu.memory_space<hbm>> -> memref<64xi32, #tpu.memory_space<hbm>>
        %dma_start3A_286 = tpu.memref_slice %arg4[%add3A_284] : memref<160000xi32, #tpu.memory_space<hbm>> -> memref<64xi32, #tpu.memory_space<hbm>>
        tpu.enqueue_dma source(%dma_start3A_286 : memref<64xi32, #tpu.memory_space<hbm>>) target(%arg8 : memref<64xi32, #tpu.memory_space<vmem>>) target_semaphore(%arg25 : memref<!tpu.dma_semaphore, #tpu.memory_space<semaphore_mem>>)
        %mul3A_287 = arith.constant 64 : i32
        %mul3A_288 = arith.muli %add3A_281, %mul3A_287 : i32
        %add3A_289 = arith.addi %mul3A_9, %mul3A_288 : i32
        %dma_start3A_290 = tpu.memref_slice %arg5[%add3A_289] : memref<160000xi32, #tpu.memory_space<hbm>> -> memref<64xi32, #tpu.memory_space<hbm>>
        %dma_start3A_291 = tpu.memref_slice %arg5[%add3A_289] : memref<160000xi32, #tpu.memory_space<hbm>> -> memref<64xi32, #tpu.memory_space<hbm>>
        tpu.enqueue_dma source(%dma_start3A_291 : memref<64xi32, #tpu.memory_space<hbm>>) target(%arg11 : memref<64xi32, #tpu.memory_space<vmem>>) target_semaphore(%arg28 : memref<!tpu.dma_semaphore, #tpu.memory_space<semaphore_mem>>)
        %mul3A_292 = arith.constant 160000 : i32
        %mul3A_293 = arith.muli %arg0, %mul3A_292 : i32
        %add3A_294 = arith.addi %mul3A_293, %mul3A_9 : i32
        %mul3A_295 = arith.constant 64 : i32
        %mul3A_296 = arith.muli %add3A_281, %mul3A_295 : i32
        %add3A_297 = arith.addi %add3A_294, %mul3A_296 : i32
        %dma_start3A_298 = arith.constant 0 : i32
        %dma_start3A_299 = tpu.memref_slice %arg2[%add3A_297, %dma_start3A_298] : memref<320000x128xf32, #tpu.memory_space<hbm>> -> memref<64x128xf32, #tpu.memory_space<hbm>>
        %dma_start3A_300 = arith.constant 0 : i32
        %dma_start3A_301 = tpu.memref_slice %arg2[%add3A_297, %dma_start3A_300] : memref<320000x128xf32, #tpu.memory_space<hbm>> -> memref<64x128xf32, #tpu.memory_space<hbm>>
        tpu.enqueue_dma source(%dma_start3A_301 : memref<64x128xf32, #tpu.memory_space<hbm>>) target(%arg17 : memref<64x128xf32, #tpu.memory_space<vmem>>) target_semaphore(%arg31 : memref<!tpu.dma_semaphore, #tpu.memory_space<semaphore_mem>>)
      } else {
      }
      %mul3A_233 = arith.constant 3 : i32
      %mul3A_234 = arith.muli %add3A_142, %mul3A_233 : i32
      %add3A_235 = arith.constant 2 : i32
      %add3A_236 = arith.addi %mul3A_234, %add3A_235 : i32
      %add3A_237 = arith.constant 1 : i32
      %add3A_238 = arith.addi %add3A_236, %add3A_237 : i32
      %lt3A_239 = arith.constant 156 : i32
      %lt3A_240 = arith.cmpi slt, %add3A_238, %lt3A_239 : i32
      %convert_element_type3A_241 = arith.extui %lt3A_240 : i1 to i32
      %cond3A_242 = arith.constant 0 : i32
      %cond3A_243 = arith.cmpi ne, %convert_element_type3A_241, %cond3A_242 : i32
      scf.if %cond3A_243 {
        %dma_wait3A_280 = arith.constant 0 : i32
        %dma_wait3A_281 = tpu.memref_slice %arg4[%dma_wait3A_280] : memref<160000xi32, #tpu.memory_space<hbm>> -> memref<64xi32, #tpu.memory_space<hbm>>
        %dma_wait3A_282 = arith.constant 0 : i32
        %dma_wait3A_283 = tpu.memref_slice %arg4[%dma_wait3A_282] : memref<160000xi32, #tpu.memory_space<hbm>> -> memref<64xi32, #tpu.memory_space<hbm>>
        tpu.wait_dma2 semaphore(%arg25 : memref<!tpu.dma_semaphore, #tpu.memory_space<semaphore_mem>>) src(%dma_wait3A_283 : memref<64xi32, #tpu.memory_space<hbm>>) dst(%arg8 : memref<64xi32, #tpu.memory_space<vmem>>)
        %get3A_284 = arith.constant 0 : index
        %get3A_285 = tpu.vector_load %arg8[%get3A_284] {strides = array<i32>} : memref<64xi32, #tpu.memory_space<vmem>>, vector<16xi32>,
        %get3A_286 = vector.shape_cast %get3A_285 : vector<16xi32> to vector<16xi32>
        %mul3A_287 = arith.constant 2 : i32
        %mul3A_288 = vector.broadcast %mul3A_287 : i32 to vector<16xi32>
        %mul3A_289 = arith.muli %get3A_286, %mul3A_288 : vector<16xi32>
        %add3A_290 = vector.broadcast %arg0 : i32 to vector<16xi32>
        %add3A_291 = arith.addi %mul3A_289, %add3A_290 : vector<16xi32>
        %swap3A_292 = arith.constant 0 : index
        %swap3A_293 = tpu.vector_load %arg14[%swap3A_292] {strides = array<i32>} : memref<64xi32, #tpu.memory_space<vmem>>, vector<16xi32>,
        %swap3A_294 = vector.shape_cast %swap3A_293 : vector<16xi32> to vector<16xi32>
        %swap3A_295 = vector.shape_cast %add3A_291 : vector<16xi32> to vector<16xi32>
        tpu.vector_store %arg14[%swap3A_292], %swap3A_295 {strides = array<i32>} : memref<64xi32, #tpu.memory_space<vmem>>, vector<16xi32>,
        %get3A_296 = arith.constant 16 : index
        %get3A_297 = tpu.vector_load %arg8[%get3A_296] {strides = array<i32>} : memref<64xi32, #tpu.memory_space<vmem>>, vector<16xi32>,
        %get3A_298 = vector.shape_cast %get3A_297 : vector<16xi32> to vector<16xi32>
        %mul3A_299 = arith.constant 2 : i32
        %mul3A_300 = vector.broadcast %mul3A_299 : i32 to vector<16xi32>
        %mul3A_301 = arith.muli %get3A_298, %mul3A_300 : vector<16xi32>
        %add3A_302 = vector.broadcast %arg0 : i32 to vector<16xi32>
        %add3A_303 = arith.addi %mul3A_301, %add3A_302 : vector<16xi32>
        %swap3A_304 = arith.constant 16 : index
        %swap3A_305 = tpu.vector_load %arg14[%swap3A_304] {strides = array<i32>} : memref<64xi32, #tpu.memory_space<vmem>>, vector<16xi32>,
        %swap3A_306 = vector.shape_cast %swap3A_305 : vector<16xi32> to vector<16xi32>
        %swap3A_307 = vector.shape_cast %add3A_303 : vector<16xi32> to vector<16xi32>
        tpu.vector_store %arg14[%swap3A_304], %swap3A_307 {strides = array<i32>} : memref<64xi32, #tpu.memory_space<vmem>>, vector<16xi32>,
        %get3A_308 = arith.constant 32 : index
        %get3A_309 = tpu.vector_load %arg8[%get3A_308] {strides = array<i32>} : memref<64xi32, #tpu.memory_space<vmem>>, vector<16xi32>,
        %get3A_310 = vector.shape_cast %get3A_309 : vector<16xi32> to vector<16xi32>
        %mul3A_311 = arith.constant 2 : i32
        %mul3A_312 = vector.broadcast %mul3A_311 : i32 to vector<16xi32>
        %mul3A_313 = arith.muli %get3A_310, %mul3A_312 : vector<16xi32>
        %add3A_314 = vector.broadcast %arg0 : i32 to vector<16xi32>
        %add3A_315 = arith.addi %mul3A_313, %add3A_314 : vector<16xi32>
        %swap3A_316 = arith.constant 32 : index
        %swap3A_317 = tpu.vector_load %arg14[%swap3A_316] {strides = array<i32>} : memref<64xi32, #tpu.memory_space<vmem>>, vector<16xi32>,
        %swap3A_318 = vector.shape_cast %swap3A_317 : vector<16xi32> to vector<16xi32>
        %swap3A_319 = vector.shape_cast %add3A_315 : vector<16xi32> to vector<16xi32>
        tpu.vector_store %arg14[%swap3A_316], %swap3A_319 {strides = array<i32>} : memref<64xi32, #tpu.memory_space<vmem>>, vector<16xi32>,
        %get3A_320 = arith.constant 48 : index
        %get3A_321 = tpu.vector_load %arg8[%get3A_320] {strides = array<i32>} : memref<64xi32, #tpu.memory_space<vmem>>, vector<16xi32>,
        %get3A_322 = vector.shape_cast %get3A_321 : vector<16xi32> to vector<16xi32>
        %mul3A_323 = arith.constant 2 : i32
        %mul3A_324 = vector.broadcast %mul3A_323 : i32 to vector<16xi32>
        %mul3A_325 = arith.muli %get3A_322, %mul3A_324 : vector<16xi32>
        %add3A_326 = vector.broadcast %arg0 : i32 to vector<16xi32>
        %add3A_327 = arith.addi %mul3A_325, %add3A_326 : vector<16xi32>
        %swap3A_328 = arith.constant 48 : index
        %swap3A_329 = tpu.vector_load %arg14[%swap3A_328] {strides = array<i32>} : memref<64xi32, #tpu.memory_space<vmem>>, vector<16xi32>,
        %swap3A_330 = vector.shape_cast %swap3A_329 : vector<16xi32> to vector<16xi32>
        %swap3A_331 = vector.shape_cast %add3A_327 : vector<16xi32> to vector<16xi32>
        tpu.vector_store %arg14[%swap3A_328], %swap3A_331 {strides = array<i32>} : memref<64xi32, #tpu.memory_space<vmem>>, vector<16xi32>,
        %dma_start3A_332 = arith.constant 0 : i32
        %dma_start3A_333 = arith.constant 0 : i32
        %dma_start3A_334 = tpu.memref_slice %arg3[%dma_start3A_332, %dma_start3A_333] : memref<20000x128xf32, #tpu.memory_space<hbm>> -> memref<20000x128xf32, #tpu.memory_space<hbm>>
        tpu.enqueue_indirect_dma source(%dma_start3A_334 : memref<20000x128xf32, #tpu.memory_space<hbm>>) target(%arg20 : memref<64x128xf32, #tpu.memory_space<vmem>>) offsets(%arg14 : memref<64xi32, #tpu.memory_space<vmem>>) semaphore(%arg34 : memref<!tpu.dma_semaphore, #tpu.memory_space<semaphore_mem>>)
      } else {
      }
      %dma_wait3A_244 = arith.constant 0 : i32
      %dma_wait3A_245 = arith.constant 0 : i32
      %dma_wait3A_246 = tpu.memref_slice %arg3[%dma_wait3A_244, %dma_wait3A_245] : memref<20000x128xf32, #tpu.memory_space<hbm>> -> memref<64x128xf32, #tpu.memory_space<hbm>>
      %dma_wait3A_247 = arith.constant 0 : i32
      %dma_wait3A_248 = arith.constant 0 : i32
      %dma_wait3A_249 = tpu.memref_slice %arg3[%dma_wait3A_247, %dma_wait3A_248] : memref<20000x128xf32, #tpu.memory_space<hbm>> -> memref<64x128xf32, #tpu.memory_space<hbm>>
      tpu.wait_dma2 semaphore(%arg36 : memref<!tpu.dma_semaphore, #tpu.memory_space<semaphore_mem>>) src(%dma_wait3A_249 : memref<64x128xf32, #tpu.memory_space<hbm>>) dst(%arg22 : memref<64x128xf32, #tpu.memory_space<vmem>>)
      %dma_wait3A_250 = arith.constant 0 : i32
      %dma_wait3A_251 = arith.constant 0 : i32
      %dma_wait3A_252 = tpu.memref_slice %arg2[%dma_wait3A_250, %dma_wait3A_251] : memref<320000x128xf32, #tpu.memory_space<hbm>> -> memref<64x128xf32, #tpu.memory_space<hbm>>
      %dma_wait3A_253 = arith.constant 0 : i32
      %dma_wait3A_254 = arith.constant 0 : i32
      %dma_wait3A_255 = tpu.memref_slice %arg2[%dma_wait3A_253, %dma_wait3A_254] : memref<320000x128xf32, #tpu.memory_space<hbm>> -> memref<64x128xf32, #tpu.memory_space<hbm>>
      tpu.wait_dma2 semaphore(%arg33 : memref<!tpu.dma_semaphore, #tpu.memory_space<semaphore_mem>>) src(%dma_wait3A_255 : memref<64x128xf32, #tpu.memory_space<hbm>>) dst(%arg19 : memref<64x128xf32, #tpu.memory_space<vmem>>)
      %scan3A_256 = arith.constant 0 : i32
      %scan3A_257 = arith.constant 64 : i32
      %scan3A_258 = arith.addi %scan3A_256, %scan3A_257 : i32
      %scan3A_259 = arith.constant 1 : i32
      scf.for %scan3A_280 = %scan3A_256 to %scan3A_258 step %scan3A_259  : i32 {
        %mul3A_281 = arith.constant 1 : i32
        %mul3A_282 = arith.muli %scan3A_280, %mul3A_281 : i32
        %add3A_283 = arith.constant 0 : i32
        %add3A_284 = arith.addi %add3A_283, %mul3A_282 : i32
        %get3A_285 = arith.index_cast %add3A_284 : i32 to index
        %get3A_286 = arith.constant 0 : index
        %get3A_287 = tpu.vector_load %arg22[%get3A_285, %get3A_286] {strides = array<i32>} : memref<64x128xf32, #tpu.memory_space<vmem>>, vector<1x16xf32>,
        %get3A_288 = vector.shape_cast %get3A_287 : vector<1x16xf32> to vector<16xf32>
        %get3A_289 = arith.index_cast %add3A_284 : i32 to index
        %get3A_290 = arith.constant 0 : index
        %get3A_291 = tpu.vector_load %arg19[%get3A_289, %get3A_290] {strides = array<i32>} : memref<64x128xf32, #tpu.memory_space<vmem>>, vector<1x16xf32>,
        %get3A_292 = vector.shape_cast %get3A_291 : vector<1x16xf32> to vector<16xf32>
        %add3A_293 = arith.addf %get3A_288, %get3A_292 : vector<16xf32>
        %max3A = arith.constant 0.000000e+00 : f32
        %max3A_294 = vector.broadcast %max3A : f32 to vector<16xf32>
        %max3A_295 = arith.maximumf %add3A_293, %max3A_294 : vector<16xf32>
        %swap3A_296 = arith.index_cast %add3A_284 : i32 to index
        %swap3A_297 = arith.constant 0 : index
        %swap3A_298 = tpu.vector_load %arg22[%swap3A_296, %swap3A_297] {strides = array<i32>} : memref<64x128xf32, #tpu.memory_space<vmem>>, vector<1x16xf32>,
        %swap3A_299 = vector.shape_cast %swap3A_298 : vector<1x16xf32> to vector<16xf32>
        %swap3A_300 = vector.shape_cast %max3A_295 : vector<16xf32> to vector<1x16xf32>
        tpu.vector_store %arg22[%swap3A_296, %swap3A_297], %swap3A_300 {strides = array<i32>} : memref<64x128xf32, #tpu.memory_space<vmem>>, vector<1x16xf32>,
        %get3A_301 = arith.index_cast %add3A_284 : i32 to index
        %get3A_302 = arith.constant 16 : index
        %get3A_303 = tpu.vector_load %arg22[%get3A_301, %get3A_302] {strides = array<i32>} : memref<64x128xf32, #tpu.memory_space<vmem>>, vector<1x16xf32>,
        %get3A_304 = vector.shape_cast %get3A_303 : vector<1x16xf32> to vector<16xf32>
        %get3A_305 = arith.index_cast %add3A_284 : i32 to index
        %get3A_306 = arith.constant 16 : index
        %get3A_307 = tpu.vector_load %arg19[%get3A_305, %get3A_306] {strides = array<i32>} : memref<64x128xf32, #tpu.memory_space<vmem>>, vector<1x16xf32>,
        %get3A_308 = vector.shape_cast %get3A_307 : vector<1x16xf32> to vector<16xf32>
        %add3A_309 = arith.addf %get3A_304, %get3A_308 : vector<16xf32>
        %max3A_310 = arith.constant 0.000000e+00 : f32
        %max3A_311 = vector.broadcast %max3A_310 : f32 to vector<16xf32>
        %max3A_312 = arith.maximumf %add3A_309, %max3A_311 : vector<16xf32>
        %swap3A_313 = arith.index_cast %add3A_284 : i32 to index
        %swap3A_314 = arith.constant 16 : index
        %swap3A_315 = tpu.vector_load %arg22[%swap3A_313, %swap3A_314] {strides = array<i32>} : memref<64x128xf32, #tpu.memory_space<vmem>>, vector<1x16xf32>,
        %swap3A_316 = vector.shape_cast %swap3A_315 : vector<1x16xf32> to vector<16xf32>
        %swap3A_317 = vector.shape_cast %max3A_312 : vector<16xf32> to vector<1x16xf32>
        tpu.vector_store %arg22[%swap3A_313, %swap3A_314], %swap3A_317 {strides = array<i32>} : memref<64x128xf32, #tpu.memory_space<vmem>>, vector<1x16xf32>,
        %get3A_318 = arith.index_cast %add3A_284 : i32 to index
        %get3A_319 = arith.constant 32 : index
        %get3A_320 = tpu.vector_load %arg22[%get3A_318, %get3A_319] {strides = array<i32>} : memref<64x128xf32, #tpu.memory_space<vmem>>, vector<1x16xf32>,
        %get3A_321 = vector.shape_cast %get3A_320 : vector<1x16xf32> to vector<16xf32>
        %get3A_322 = arith.index_cast %add3A_284 : i32 to index
        %get3A_323 = arith.constant 32 : index
        %get3A_324 = tpu.vector_load %arg19[%get3A_322, %get3A_323] {strides = array<i32>} : memref<64x128xf32, #tpu.memory_space<vmem>>, vector<1x16xf32>,
        %get3A_325 = vector.shape_cast %get3A_324 : vector<1x16xf32> to vector<16xf32>
        %add3A_326 = arith.addf %get3A_321, %get3A_325 : vector<16xf32>
        %max3A_327 = arith.constant 0.000000e+00 : f32
        %max3A_328 = vector.broadcast %max3A_327 : f32 to vector<16xf32>
        %max3A_329 = arith.maximumf %add3A_326, %max3A_328 : vector<16xf32>
        %swap3A_330 = arith.index_cast %add3A_284 : i32 to index
        %swap3A_331 = arith.constant 32 : index
        %swap3A_332 = tpu.vector_load %arg22[%swap3A_330, %swap3A_331] {strides = array<i32>} : memref<64x128xf32, #tpu.memory_space<vmem>>, vector<1x16xf32>,
        %swap3A_333 = vector.shape_cast %swap3A_332 : vector<1x16xf32> to vector<16xf32>
        %swap3A_334 = vector.shape_cast %max3A_329 : vector<16xf32> to vector<1x16xf32>
        tpu.vector_store %arg22[%swap3A_330, %swap3A_331], %swap3A_334 {strides = array<i32>} : memref<64x128xf32, #tpu.memory_space<vmem>>, vector<1x16xf32>,
        %get3A_335 = arith.index_cast %add3A_284 : i32 to index
        %get3A_336 = arith.constant 48 : index
        %get3A_337 = tpu.vector_load %arg22[%get3A_335, %get3A_336] {strides = array<i32>} : memref<64x128xf32, #tpu.memory_space<vmem>>, vector<1x16xf32>,
        %get3A_338 = vector.shape_cast %get3A_337 : vector<1x16xf32> to vector<16xf32>
        %get3A_339 = arith.index_cast %add3A_284 : i32 to index
        %get3A_340 = arith.constant 48 : index
        %get3A_341 = tpu.vector_load %arg19[%get3A_339, %get3A_340] {strides = array<i32>} : memref<64x128xf32, #tpu.memory_space<vmem>>, vector<1x16xf32>,
        %get3A_342 = vector.shape_cast %get3A_341 : vector<1x16xf32> to vector<16xf32>
        %add3A_343 = arith.addf %get3A_338, %get3A_342 : vector<16xf32>
        %max3A_344 = arith.constant 0.000000e+00 : f32
        %max3A_345 = vector.broadcast %max3A_344 : f32 to vector<16xf32>
        %max3A_346 = arith.maximumf %add3A_343, %max3A_345 : vector<16xf32>
        %swap3A_347 = arith.index_cast %add3A_284 : i32 to index
        %swap3A_348 = arith.constant 48 : index
        %swap3A_349 = tpu.vector_load %arg22[%swap3A_347, %swap3A_348] {strides = array<i32>} : memref<64x128xf32, #tpu.memory_space<vmem>>, vector<1x16xf32>,
        %swap3A_350 = vector.shape_cast %swap3A_349 : vector<1x16xf32> to vector<16xf32>
        %swap3A_351 = vector.shape_cast %max3A_346 : vector<16xf32> to vector<1x16xf32>
        tpu.vector_store %arg22[%swap3A_347, %swap3A_348], %swap3A_351 {strides = array<i32>} : memref<64x128xf32, #tpu.memory_space<vmem>>, vector<1x16xf32>,
        %get3A_352 = arith.index_cast %add3A_284 : i32 to index
        %get3A_353 = arith.constant 64 : index
        %get3A_354 = tpu.vector_load %arg22[%get3A_352, %get3A_353] {strides = array<i32>} : memref<64x128xf32, #tpu.memory_space<vmem>>, vector<1x16xf32>,
        %get3A_355 = vector.shape_cast %get3A_354 : vector<1x16xf32> to vector<16xf32>
        %get3A_356 = arith.index_cast %add3A_284 : i32 to index
        %get3A_357 = arith.constant 64 : index
        %get3A_358 = tpu.vector_load %arg19[%get3A_356, %get3A_357] {strides = array<i32>} : memref<64x128xf32, #tpu.memory_space<vmem>>, vector<1x16xf32>,
        %get3A_359 = vector.shape_cast %get3A_358 : vector<1x16xf32> to vector<16xf32>
        %add3A_360 = arith.addf %get3A_355, %get3A_359 : vector<16xf32>
        %max3A_361 = arith.constant 0.000000e+00 : f32
        %max3A_362 = vector.broadcast %max3A_361 : f32 to vector<16xf32>
        %max3A_363 = arith.maximumf %add3A_360, %max3A_362 : vector<16xf32>
        %swap3A_364 = arith.index_cast %add3A_284 : i32 to index
        %swap3A_365 = arith.constant 64 : index
        %swap3A_366 = tpu.vector_load %arg22[%swap3A_364, %swap3A_365] {strides = array<i32>} : memref<64x128xf32, #tpu.memory_space<vmem>>, vector<1x16xf32>,
        %swap3A_367 = vector.shape_cast %swap3A_366 : vector<1x16xf32> to vector<16xf32>
        %swap3A_368 = vector.shape_cast %max3A_363 : vector<16xf32> to vector<1x16xf32>
        tpu.vector_store %arg22[%swap3A_364, %swap3A_365], %swap3A_368 {strides = array<i32>} : memref<64x128xf32, #tpu.memory_space<vmem>>, vector<1x16xf32>,
        %get3A_369 = arith.index_cast %add3A_284 : i32 to index
        %get3A_370 = arith.constant 80 : index
        %get3A_371 = tpu.vector_load %arg22[%get3A_369, %get3A_370] {strides = array<i32>} : memref<64x128xf32, #tpu.memory_space<vmem>>, vector<1x16xf32>,
        %get3A_372 = vector.shape_cast %get3A_371 : vector<1x16xf32> to vector<16xf32>
        %get3A_373 = arith.index_cast %add3A_284 : i32 to index
        %get3A_374 = arith.constant 80 : index
        %get3A_375 = tpu.vector_load %arg19[%get3A_373, %get3A_374] {strides = array<i32>} : memref<64x128xf32, #tpu.memory_space<vmem>>, vector<1x16xf32>,
        %get3A_376 = vector.shape_cast %get3A_375 : vector<1x16xf32> to vector<16xf32>
        %add3A_377 = arith.addf %get3A_372, %get3A_376 : vector<16xf32>
        %max3A_378 = arith.constant 0.000000e+00 : f32
        %max3A_379 = vector.broadcast %max3A_378 : f32 to vector<16xf32>
        %max3A_380 = arith.maximumf %add3A_377, %max3A_379 : vector<16xf32>
        %swap3A_381 = arith.index_cast %add3A_284 : i32 to index
        %swap3A_382 = arith.constant 80 : index
        %swap3A_383 = tpu.vector_load %arg22[%swap3A_381, %swap3A_382] {strides = array<i32>} : memref<64x128xf32, #tpu.memory_space<vmem>>, vector<1x16xf32>,
        %swap3A_384 = vector.shape_cast %swap3A_383 : vector<1x16xf32> to vector<16xf32>
        %swap3A_385 = vector.shape_cast %max3A_380 : vector<16xf32> to vector<1x16xf32>
        tpu.vector_store %arg22[%swap3A_381, %swap3A_382], %swap3A_385 {strides = array<i32>} : memref<64x128xf32, #tpu.memory_space<vmem>>, vector<1x16xf32>,
        %get3A_386 = arith.index_cast %add3A_284 : i32 to index
        %get3A_387 = arith.constant 96 : index
        %get3A_388 = tpu.vector_load %arg22[%get3A_386, %get3A_387] {strides = array<i32>} : memref<64x128xf32, #tpu.memory_space<vmem>>, vector<1x16xf32>,
        %get3A_389 = vector.shape_cast %get3A_388 : vector<1x16xf32> to vector<16xf32>
        %get3A_390 = arith.index_cast %add3A_284 : i32 to index
        %get3A_391 = arith.constant 96 : index
        %get3A_392 = tpu.vector_load %arg19[%get3A_390, %get3A_391] {strides = array<i32>} : memref<64x128xf32, #tpu.memory_space<vmem>>, vector<1x16xf32>,
        %get3A_393 = vector.shape_cast %get3A_392 : vector<1x16xf32> to vector<16xf32>
        %add3A_394 = arith.addf %get3A_389, %get3A_393 : vector<16xf32>
        %max3A_395 = arith.constant 0.000000e+00 : f32
        %max3A_396 = vector.broadcast %max3A_395 : f32 to vector<16xf32>
        %max3A_397 = arith.maximumf %add3A_394, %max3A_396 : vector<16xf32>
        %swap3A_398 = arith.index_cast %add3A_284 : i32 to index
        %swap3A_399 = arith.constant 96 : index
        %swap3A_400 = tpu.vector_load %arg22[%swap3A_398, %swap3A_399] {strides = array<i32>} : memref<64x128xf32, #tpu.memory_space<vmem>>, vector<1x16xf32>,
        %swap3A_401 = vector.shape_cast %swap3A_400 : vector<1x16xf32> to vector<16xf32>
        %swap3A_402 = vector.shape_cast %max3A_397 : vector<16xf32> to vector<1x16xf32>
        tpu.vector_store %arg22[%swap3A_398, %swap3A_399], %swap3A_402 {strides = array<i32>} : memref<64x128xf32, #tpu.memory_space<vmem>>, vector<1x16xf32>,
        %get3A_403 = arith.index_cast %add3A_284 : i32 to index
        %get3A_404 = arith.constant 112 : index
        %get3A_405 = tpu.vector_load %arg22[%get3A_403, %get3A_404] {strides = array<i32>} : memref<64x128xf32, #tpu.memory_space<vmem>>, vector<1x16xf32>,
        %get3A_406 = vector.shape_cast %get3A_405 : vector<1x16xf32> to vector<16xf32>
        %get3A_407 = arith.index_cast %add3A_284 : i32 to index
        %get3A_408 = arith.constant 112 : index
        %get3A_409 = tpu.vector_load %arg19[%get3A_407, %get3A_408] {strides = array<i32>} : memref<64x128xf32, #tpu.memory_space<vmem>>, vector<1x16xf32>,
        %get3A_410 = vector.shape_cast %get3A_409 : vector<1x16xf32> to vector<16xf32>
        %add3A_411 = arith.addf %get3A_406, %get3A_410 : vector<16xf32>
        %max3A_412 = arith.constant 0.000000e+00 : f32
        %max3A_413 = vector.broadcast %max3A_412 : f32 to vector<16xf32>
        %max3A_414 = arith.maximumf %add3A_411, %max3A_413 : vector<16xf32>
        %swap3A_415 = arith.index_cast %add3A_284 : i32 to index
        %swap3A_416 = arith.constant 112 : index
        %swap3A_417 = tpu.vector_load %arg22[%swap3A_415, %swap3A_416] {strides = array<i32>} : memref<64x128xf32, #tpu.memory_space<vmem>>, vector<1x16xf32>,
        %swap3A_418 = vector.shape_cast %swap3A_417 : vector<1x16xf32> to vector<16xf32>
        %swap3A_419 = vector.shape_cast %max3A_414 : vector<16xf32> to vector<1x16xf32>
        tpu.vector_store %arg22[%swap3A_415, %swap3A_416], %swap3A_419 {strides = array<i32>} : memref<64x128xf32, #tpu.memory_space<vmem>>, vector<1x16xf32>,
      }
      %scan3A_260 = arith.constant 64 : i32
      %dma_wait3A_261 = arith.constant 0 : i32
      %dma_wait3A_262 = tpu.memref_slice %arg5[%dma_wait3A_261] : memref<160000xi32, #tpu.memory_space<hbm>> -> memref<64xi32, #tpu.memory_space<hbm>>
      %dma_wait3A_263 = arith.constant 0 : i32
      %dma_wait3A_264 = tpu.memref_slice %arg5[%dma_wait3A_263] : memref<160000xi32, #tpu.memory_space<hbm>> -> memref<64xi32, #tpu.memory_space<hbm>>
      tpu.wait_dma2 semaphore(%arg30 : memref<!tpu.dma_semaphore, #tpu.memory_space<semaphore_mem>>) src(%dma_wait3A_264 : memref<64xi32, #tpu.memory_space<hbm>>) dst(%arg13 : memref<64xi32, #tpu.memory_space<vmem>>)
      %dma_start3A_265 = arith.constant 0 : i32
      %dma_start3A_266 = arith.constant 0 : i32
      %dma_start3A_267 = tpu.memref_slice %arg7[%dma_start3A_265, %dma_start3A_266] : memref<10000x128xf32, #tpu.memory_space<vmem_shared>> -> memref<10000x128xf32, #tpu.memory_space<vmem_shared>>
      tpu.enqueue_indirect_dma source(%arg22 : memref<64x128xf32, #tpu.memory_space<vmem>>) target(%dma_start3A_267 : memref<10000x128xf32, #tpu.memory_space<vmem_shared>>) offsets(%arg13 : memref<64xi32, #tpu.memory_space<vmem>>) semaphore(%arg39 : memref<!tpu.dma_semaphore, #tpu.memory_space<semaphore_mem>>) {add = true}
      %ge3A_268 = arith.constant 1 : i32
      %ge3A_269 = arith.cmpi sge, %add3A_236, %ge3A_268 : i32
      %convert_element_type3A_270 = arith.extui %ge3A_269 : i1 to i32
      %cond3A_271 = arith.constant 0 : i32
      %cond3A_272 = arith.cmpi ne, %convert_element_type3A_270, %cond3A_271 : i32
      scf.if %cond3A_272 {
        %dma_wait3A_280 = arith.constant 0 : i32
        %dma_wait3A_281 = arith.constant 0 : i32
        %dma_wait3A_282 = tpu.memref_slice %arg7[%dma_wait3A_280, %dma_wait3A_281] : memref<10000x128xf32, #tpu.memory_space<vmem_shared>> -> memref<64x128xf32, #tpu.memory_space<vmem_shared>>
        %dma_wait3A_283 = arith.constant 0 : i32
        %dma_wait3A_284 = arith.constant 0 : i32
        %dma_wait3A_285 = tpu.memref_slice %arg7[%dma_wait3A_283, %dma_wait3A_284] : memref<10000x128xf32, #tpu.memory_space<vmem_shared>> -> memref<64x128xf32, #tpu.memory_space<vmem_shared>>
        tpu.wait_dma2 semaphore(%arg38 : memref<!tpu.dma_semaphore, #tpu.memory_space<semaphore_mem>>) src(%arg21 : memref<64x128xf32, #tpu.memory_space<vmem>>) dst(%dma_wait3A_285 : memref<64x128xf32, #tpu.memory_space<vmem_shared>>)
      } else {
      }
      %add3A_273 = arith.constant 2 : i32
      %add3A_274 = arith.addi %add3A_236, %add3A_273 : i32
      %lt3A_275 = arith.constant 156 : i32
      %lt3A_276 = arith.cmpi slt, %add3A_274, %lt3A_275 : i32
      %convert_element_type3A_277 = arith.extui %lt3A_276 : i1 to i32
      %cond3A_278 = arith.constant 0 : i32
      %cond3A_279 = arith.cmpi ne, %convert_element_type3A_277, %cond3A_278 : i32
      scf.if %cond3A_279 {
        %add3A_280 = arith.constant 2 : i32
        %add3A_281 = arith.addi %add3A_236, %add3A_280 : i32
        %mul3A_282 = arith.constant 64 : i32
        %mul3A_283 = arith.muli %add3A_281, %mul3A_282 : i32
        %add3A_284 = arith.addi %mul3A_9, %mul3A_283 : i32
        %dma_start3A_285 = tpu.memref_slice %arg4[%add3A_284] : memref<160000xi32, #tpu.memory_space<hbm>> -> memref<64xi32, #tpu.memory_space<hbm>>
        %dma_start3A_286 = tpu.memref_slice %arg4[%add3A_284] : memref<160000xi32, #tpu.memory_space<hbm>> -> memref<64xi32, #tpu.memory_space<hbm>>
        tpu.enqueue_dma source(%dma_start3A_286 : memref<64xi32, #tpu.memory_space<hbm>>) target(%arg9 : memref<64xi32, #tpu.memory_space<vmem>>) target_semaphore(%arg26 : memref<!tpu.dma_semaphore, #tpu.memory_space<semaphore_mem>>)
        %mul3A_287 = arith.constant 64 : i32
        %mul3A_288 = arith.muli %add3A_281, %mul3A_287 : i32
        %add3A_289 = arith.addi %mul3A_9, %mul3A_288 : i32
        %dma_start3A_290 = tpu.memref_slice %arg5[%add3A_289] : memref<160000xi32, #tpu.memory_space<hbm>> -> memref<64xi32, #tpu.memory_space<hbm>>
        %dma_start3A_291 = tpu.memref_slice %arg5[%add3A_289] : memref<160000xi32, #tpu.memory_space<hbm>> -> memref<64xi32, #tpu.memory_space<hbm>>
        tpu.enqueue_dma source(%dma_start3A_291 : memref<64xi32, #tpu.memory_space<hbm>>) target(%arg12 : memref<64xi32, #tpu.memory_space<vmem>>) target_semaphore(%arg29 : memref<!tpu.dma_semaphore, #tpu.memory_space<semaphore_mem>>)
        %mul3A_292 = arith.constant 160000 : i32
        %mul3A_293 = arith.muli %arg0, %mul3A_292 : i32
        %add3A_294 = arith.addi %mul3A_293, %mul3A_9 : i32
        %mul3A_295 = arith.constant 64 : i32
        %mul3A_296 = arith.muli %add3A_281, %mul3A_295 : i32
        %add3A_297 = arith.addi %add3A_294, %mul3A_296 : i32
        %dma_start3A_298 = arith.constant 0 : i32
        %dma_start3A_299 = tpu.memref_slice %arg2[%add3A_297, %dma_start3A_298] : memref<320000x128xf32, #tpu.memory_space<hbm>> -> memref<64x128xf32, #tpu.memory_space<hbm>>
        %dma_start3A_300 = arith.constant 0 : i32
        %dma_start3A_301 = tpu.memref_slice %arg2[%add3A_297, %dma_start3A_300] : memref<320000x128xf32, #tpu.memory_space<hbm>> -> memref<64x128xf32, #tpu.memory_space<hbm>>
        tpu.enqueue_dma source(%dma_start3A_301 : memref<64x128xf32, #tpu.memory_space<hbm>>) target(%arg18 : memref<64x128xf32, #tpu.memory_space<vmem>>) target_semaphore(%arg32 : memref<!tpu.dma_semaphore, #tpu.memory_space<semaphore_mem>>)
      } else {
      }
    }
    %scan3A_98 = arith.constant 52 : i32
    %dma_wait3A_99 = arith.constant 0 : i32
    %dma_wait3A_100 = arith.constant 0 : i32
    %dma_wait3A_101 = tpu.memref_slice %arg7[%dma_wait3A_99, %dma_wait3A_100] : memref<10000x128xf32, #tpu.memory_space<vmem_shared>> -> memref<64x128xf32, #tpu.memory_space<vmem_shared>>
    %dma_wait3A_102 = arith.constant 0 : i32
    %dma_wait3A_103 = arith.constant 0 : i32
    %dma_wait3A_104 = tpu.memref_slice %arg7[%dma_wait3A_102, %dma_wait3A_103] : memref<10000x128xf32, #tpu.memory_space<vmem_shared>> -> memref<64x128xf32, #tpu.memory_space<vmem_shared>>
    tpu.wait_dma2 semaphore(%arg39 : memref<!tpu.dma_semaphore, #tpu.memory_space<semaphore_mem>>) src(%arg22 : memref<64x128xf32, #tpu.memory_space<vmem>>) dst(%dma_wait3A_104 : memref<64x128xf32, #tpu.memory_space<vmem_shared>>)
    %add3A_105 = arith.constant 9984 : i32
    %add3A_106 = arith.addi %mul3A_9, %add3A_105 : i32
    "tpu.region"() ({
      %run_scoped3A = tpu.sem_alloc : memref<!tpu.dma_semaphore, #tpu.memory_space<semaphore_mem>>
      %dma_start3A_138 = tpu.memref_slice %arg4[%add3A_106] : memref<160000xi32, #tpu.memory_space<hbm>> -> memref<16xi32, #tpu.memory_space<hbm>>
      %dma_start3A_139 = tpu.memref_slice %arg4[%add3A_106] : memref<160000xi32, #tpu.memory_space<hbm>> -> memref<16xi32, #tpu.memory_space<hbm>>
      tpu.enqueue_dma source(%dma_start3A_139 : memref<16xi32, #tpu.memory_space<hbm>>) target(%arg23 : memref<16xi32, #tpu.memory_space<vmem>>) target_semaphore(%run_scoped3A : memref<!tpu.dma_semaphore, #tpu.memory_space<semaphore_mem>>)
      %dma_wait3A_140 = tpu.memref_slice %arg4[%add3A_106] : memref<160000xi32, #tpu.memory_space<hbm>> -> memref<16xi32, #tpu.memory_space<hbm>>
      %dma_wait3A_141 = tpu.memref_slice %arg4[%add3A_106] : memref<160000xi32, #tpu.memory_space<hbm>> -> memref<16xi32, #tpu.memory_space<hbm>>
      tpu.wait_dma2 semaphore(%run_scoped3A : memref<!tpu.dma_semaphore, #tpu.memory_space<semaphore_mem>>) src(%dma_wait3A_141 : memref<16xi32, #tpu.memory_space<hbm>>) dst(%arg23 : memref<16xi32, #tpu.memory_space<vmem>>)
      tpu.yield
    }) : () -> ()
    %get3A_107 = arith.constant 0 : index
    %get3A_108 = tpu.vector_load %arg23[%get3A_107] {strides = array<i32>} : memref<16xi32, #tpu.memory_space<vmem>>, vector<16xi32>,
    %get3A_109 = vector.shape_cast %get3A_108 : vector<16xi32> to vector<16xi32>
    %mul3A_110 = arith.constant 2 : i32
    %mul3A_111 = vector.broadcast %mul3A_110 : i32 to vector<16xi32>
    %mul3A_112 = arith.muli %get3A_109, %mul3A_111 : vector<16xi32>
    %add3A_113 = vector.broadcast %arg0 : i32 to vector<16xi32>
    %add3A_114 = arith.addi %mul3A_112, %add3A_113 : vector<16xi32>
    %swap3A_115 = arith.constant 0 : index
    %swap3A_116 = tpu.vector_load %arg24[%swap3A_115] {strides = array<i32>} : memref<16xi32, #tpu.memory_space<vmem>>, vector<16xi32>,
    %swap3A_117 = vector.shape_cast %swap3A_116 : vector<16xi32> to vector<16xi32>
    %swap3A_118 = vector.shape_cast %add3A_114 : vector<16xi32> to vector<16xi32>
    tpu.vector_store %arg24[%swap3A_115], %swap3A_118 {strides = array<i32>} : memref<16xi32, #tpu.memory_space<vmem>>, vector<16xi32>,
    "tpu.region"() ({
      %run_scoped3A = tpu.sem_alloc : memref<!tpu.dma_semaphore, #tpu.memory_space<semaphore_mem>>
      %dma_start3A_138 = arith.constant 0 : i32
      %dma_start3A_139 = arith.constant 0 : i32
      %dma_start3A_140 = tpu.memref_slice %arg20[%dma_start3A_138, %dma_start3A_139] : memref<64x128xf32, #tpu.memory_space<vmem>> -> memref<16x128xf32, #tpu.memory_space<vmem>>
      %dma_start3A_141 = arith.constant 0 : i32
      %dma_start3A_142 = arith.constant 0 : i32
      %dma_start3A_143 = tpu.memref_slice %arg3[%dma_start3A_141, %dma_start3A_142] : memref<20000x128xf32, #tpu.memory_space<hbm>> -> memref<20000x128xf32, #tpu.memory_space<hbm>>
      tpu.enqueue_indirect_dma source(%dma_start3A_143 : memref<20000x128xf32, #tpu.memory_space<hbm>>) target(%dma_start3A_140 : memref<16x128xf32, #tpu.memory_space<vmem>>) offsets(%arg24 : memref<16xi32, #tpu.memory_space<vmem>>) semaphore(%run_scoped3A : memref<!tpu.dma_semaphore, #tpu.memory_space<semaphore_mem>>)
      %dma_wait3A_144 = arith.constant 0 : i32
      %dma_wait3A_145 = arith.constant 0 : i32
      %dma_wait3A_146 = tpu.memref_slice %arg20[%dma_wait3A_144, %dma_wait3A_145] : memref<64x128xf32, #tpu.memory_space<vmem>> -> memref<16x128xf32, #tpu.memory_space<vmem>>
      %dma_wait3A_147 = arith.constant 0 : i32
      %dma_wait3A_148 = arith.constant 0 : i32
      %dma_wait3A_149 = tpu.memref_slice %arg3[%dma_wait3A_147, %dma_wait3A_148] : memref<20000x128xf32, #tpu.memory_space<hbm>> -> memref<20000x128xf32, #tpu.memory_space<hbm>>
      tpu.wait_indirect_dma semaphore(%run_scoped3A : memref<!tpu.dma_semaphore, #tpu.memory_space<semaphore_mem>>) src(%dma_wait3A_149 : memref<20000x128xf32, #tpu.memory_space<hbm>>) dst(%dma_wait3A_146 : memref<16x128xf32, #tpu.memory_space<vmem>>)
      tpu.yield
    }) : () -> ()
    %mul3A_119 = arith.constant 160000 : i32
    %mul3A_120 = arith.muli %arg0, %mul3A_119 : i32
    %add3A_121 = arith.addi %mul3A_120, %add3A_106 : i32
    "tpu.region"() ({
      %run_scoped3A = tpu.sem_alloc : memref<!tpu.dma_semaphore, #tpu.memory_space<semaphore_mem>>
      %dma_start3A_138 = arith.constant 0 : i32
      %dma_start3A_139 = arith.constant 0 : i32
      %dma_start3A_140 = tpu.memref_slice %arg17[%dma_start3A_138, %dma_start3A_139] : memref<64x128xf32, #tpu.memory_space<vmem>> -> memref<16x128xf32, #tpu.memory_space<vmem>>
      %dma_start3A_141 = arith.constant 0 : i32
      %dma_start3A_142 = tpu.memref_slice %arg2[%add3A_121, %dma_start3A_141] : memref<320000x128xf32, #tpu.memory_space<hbm>> -> memref<16x128xf32, #tpu.memory_space<hbm>>
      %dma_start3A_143 = arith.constant 0 : i32
      %dma_start3A_144 = arith.constant 0 : i32
      %dma_start3A_145 = tpu.memref_slice %arg17[%dma_start3A_143, %dma_start3A_144] : memref<64x128xf32, #tpu.memory_space<vmem>> -> memref<16x128xf32, #tpu.memory_space<vmem>>
      %dma_start3A_146 = arith.constant 0 : i32
      %dma_start3A_147 = tpu.memref_slice %arg2[%add3A_121, %dma_start3A_146] : memref<320000x128xf32, #tpu.memory_space<hbm>> -> memref<16x128xf32, #tpu.memory_space<hbm>>
      tpu.enqueue_dma source(%dma_start3A_147 : memref<16x128xf32, #tpu.memory_space<hbm>>) target(%dma_start3A_145 : memref<16x128xf32, #tpu.memory_space<vmem>>) target_semaphore(%run_scoped3A : memref<!tpu.dma_semaphore, #tpu.memory_space<semaphore_mem>>)
      %dma_wait3A_148 = arith.constant 0 : i32
      %dma_wait3A_149 = arith.constant 0 : i32
      %dma_wait3A_150 = tpu.memref_slice %arg17[%dma_wait3A_148, %dma_wait3A_149] : memref<64x128xf32, #tpu.memory_space<vmem>> -> memref<16x128xf32, #tpu.memory_space<vmem>>
      %dma_wait3A_151 = arith.constant 0 : i32
      %dma_wait3A_152 = tpu.memref_slice %arg2[%add3A_121, %dma_wait3A_151] : memref<320000x128xf32, #tpu.memory_space<hbm>> -> memref<16x128xf32, #tpu.memory_space<hbm>>
      %dma_wait3A_153 = arith.constant 0 : i32
      %dma_wait3A_154 = arith.constant 0 : i32
      %dma_wait3A_155 = tpu.memref_slice %arg17[%dma_wait3A_153, %dma_wait3A_154] : memref<64x128xf32, #tpu.memory_space<vmem>> -> memref<16x128xf32, #tpu.memory_space<vmem>>
      %dma_wait3A_156 = arith.constant 0 : i32
      %dma_wait3A_157 = tpu.memref_slice %arg2[%add3A_121, %dma_wait3A_156] : memref<320000x128xf32, #tpu.memory_space<hbm>> -> memref<16x128xf32, #tpu.memory_space<hbm>>
      tpu.wait_dma2 semaphore(%run_scoped3A : memref<!tpu.dma_semaphore, #tpu.memory_space<semaphore_mem>>) src(%dma_wait3A_157 : memref<16x128xf32, #tpu.memory_space<hbm>>) dst(%dma_wait3A_155 : memref<16x128xf32, #tpu.memory_space<vmem>>)
      tpu.yield
    }) : () -> ()
    %scan3A_122 = arith.constant 0 : i32
    %scan3A_123 = arith.constant 16 : i32
    %scan3A_124 = arith.addi %scan3A_122, %scan3A_123 : i32
    %scan3A_125 = arith.constant 1 : i32
    scf.for %scan3A_138 = %scan3A_122 to %scan3A_124 step %scan3A_125  : i32 {
      %mul3A_139 = arith.constant 1 : i32
      %mul3A_140 = arith.muli %scan3A_138, %mul3A_139 : i32
      %add3A_141 = arith.constant 0 : i32
      %add3A_142 = arith.addi %add3A_141, %mul3A_140 : i32
      %get3A_143 = arith.index_cast %add3A_142 : i32 to index
      %get3A_144 = arith.constant 0 : index
      %get3A_145 = tpu.vector_load %arg20[%get3A_143, %get3A_144] {strides = array<i32>} : memref<64x128xf32, #tpu.memory_space<vmem>>, vector<1x16xf32>,
      %get3A_146 = vector.shape_cast %get3A_145 : vector<1x16xf32> to vector<16xf32>
      %get3A_147 = arith.index_cast %add3A_142 : i32 to index
      %get3A_148 = arith.constant 0 : index
      %get3A_149 = tpu.vector_load %arg17[%get3A_147, %get3A_148] {strides = array<i32>} : memref<64x128xf32, #tpu.memory_space<vmem>>, vector<1x16xf32>,
      %get3A_150 = vector.shape_cast %get3A_149 : vector<1x16xf32> to vector<16xf32>
      %add3A_151 = arith.addf %get3A_146, %get3A_150 : vector<16xf32>
      %max3A = arith.constant 0.000000e+00 : f32
      %max3A_152 = vector.broadcast %max3A : f32 to vector<16xf32>
      %max3A_153 = arith.maximumf %add3A_151, %max3A_152 : vector<16xf32>
      %swap3A_154 = arith.index_cast %add3A_142 : i32 to index
      %swap3A_155 = arith.constant 0 : index
      %swap3A_156 = tpu.vector_load %arg20[%swap3A_154, %swap3A_155] {strides = array<i32>} : memref<64x128xf32, #tpu.memory_space<vmem>>, vector<1x16xf32>,
      %swap3A_157 = vector.shape_cast %swap3A_156 : vector<1x16xf32> to vector<16xf32>
      %swap3A_158 = vector.shape_cast %max3A_153 : vector<16xf32> to vector<1x16xf32>
      tpu.vector_store %arg20[%swap3A_154, %swap3A_155], %swap3A_158 {strides = array<i32>} : memref<64x128xf32, #tpu.memory_space<vmem>>, vector<1x16xf32>,
      %get3A_159 = arith.index_cast %add3A_142 : i32 to index
      %get3A_160 = arith.constant 16 : index
      %get3A_161 = tpu.vector_load %arg20[%get3A_159, %get3A_160] {strides = array<i32>} : memref<64x128xf32, #tpu.memory_space<vmem>>, vector<1x16xf32>,
      %get3A_162 = vector.shape_cast %get3A_161 : vector<1x16xf32> to vector<16xf32>
      %get3A_163 = arith.index_cast %add3A_142 : i32 to index
      %get3A_164 = arith.constant 16 : index
      %get3A_165 = tpu.vector_load %arg17[%get3A_163, %get3A_164] {strides = array<i32>} : memref<64x128xf32, #tpu.memory_space<vmem>>, vector<1x16xf32>,
      %get3A_166 = vector.shape_cast %get3A_165 : vector<1x16xf32> to vector<16xf32>
      %add3A_167 = arith.addf %get3A_162, %get3A_166 : vector<16xf32>
      %max3A_168 = arith.constant 0.000000e+00 : f32
      %max3A_169 = vector.broadcast %max3A_168 : f32 to vector<16xf32>
      %max3A_170 = arith.maximumf %add3A_167, %max3A_169 : vector<16xf32>
      %swap3A_171 = arith.index_cast %add3A_142 : i32 to index
      %swap3A_172 = arith.constant 16 : index
      %swap3A_173 = tpu.vector_load %arg20[%swap3A_171, %swap3A_172] {strides = array<i32>} : memref<64x128xf32, #tpu.memory_space<vmem>>, vector<1x16xf32>,
      %swap3A_174 = vector.shape_cast %swap3A_173 : vector<1x16xf32> to vector<16xf32>
      %swap3A_175 = vector.shape_cast %max3A_170 : vector<16xf32> to vector<1x16xf32>
      tpu.vector_store %arg20[%swap3A_171, %swap3A_172], %swap3A_175 {strides = array<i32>} : memref<64x128xf32, #tpu.memory_space<vmem>>, vector<1x16xf32>,
      %get3A_176 = arith.index_cast %add3A_142 : i32 to index
      %get3A_177 = arith.constant 32 : index
      %get3A_178 = tpu.vector_load %arg20[%get3A_176, %get3A_177] {strides = array<i32>} : memref<64x128xf32, #tpu.memory_space<vmem>>, vector<1x16xf32>,
      %get3A_179 = vector.shape_cast %get3A_178 : vector<1x16xf32> to vector<16xf32>
      %get3A_180 = arith.index_cast %add3A_142 : i32 to index
      %get3A_181 = arith.constant 32 : index
      %get3A_182 = tpu.vector_load %arg17[%get3A_180, %get3A_181] {strides = array<i32>} : memref<64x128xf32, #tpu.memory_space<vmem>>, vector<1x16xf32>,
      %get3A_183 = vector.shape_cast %get3A_182 : vector<1x16xf32> to vector<16xf32>
      %add3A_184 = arith.addf %get3A_179, %get3A_183 : vector<16xf32>
      %max3A_185 = arith.constant 0.000000e+00 : f32
      %max3A_186 = vector.broadcast %max3A_185 : f32 to vector<16xf32>
      %max3A_187 = arith.maximumf %add3A_184, %max3A_186 : vector<16xf32>
      %swap3A_188 = arith.index_cast %add3A_142 : i32 to index
      %swap3A_189 = arith.constant 32 : index
      %swap3A_190 = tpu.vector_load %arg20[%swap3A_188, %swap3A_189] {strides = array<i32>} : memref<64x128xf32, #tpu.memory_space<vmem>>, vector<1x16xf32>,
      %swap3A_191 = vector.shape_cast %swap3A_190 : vector<1x16xf32> to vector<16xf32>
      %swap3A_192 = vector.shape_cast %max3A_187 : vector<16xf32> to vector<1x16xf32>
      tpu.vector_store %arg20[%swap3A_188, %swap3A_189], %swap3A_192 {strides = array<i32>} : memref<64x128xf32, #tpu.memory_space<vmem>>, vector<1x16xf32>,
      %get3A_193 = arith.index_cast %add3A_142 : i32 to index
      %get3A_194 = arith.constant 48 : index
      %get3A_195 = tpu.vector_load %arg20[%get3A_193, %get3A_194] {strides = array<i32>} : memref<64x128xf32, #tpu.memory_space<vmem>>, vector<1x16xf32>,
      %get3A_196 = vector.shape_cast %get3A_195 : vector<1x16xf32> to vector<16xf32>
      %get3A_197 = arith.index_cast %add3A_142 : i32 to index
      %get3A_198 = arith.constant 48 : index
      %get3A_199 = tpu.vector_load %arg17[%get3A_197, %get3A_198] {strides = array<i32>} : memref<64x128xf32, #tpu.memory_space<vmem>>, vector<1x16xf32>,
      %get3A_200 = vector.shape_cast %get3A_199 : vector<1x16xf32> to vector<16xf32>
      %add3A_201 = arith.addf %get3A_196, %get3A_200 : vector<16xf32>
      %max3A_202 = arith.constant 0.000000e+00 : f32
      %max3A_203 = vector.broadcast %max3A_202 : f32 to vector<16xf32>
      %max3A_204 = arith.maximumf %add3A_201, %max3A_203 : vector<16xf32>
      %swap3A_205 = arith.index_cast %add3A_142 : i32 to index
      %swap3A_206 = arith.constant 48 : index
      %swap3A_207 = tpu.vector_load %arg20[%swap3A_205, %swap3A_206] {strides = array<i32>} : memref<64x128xf32, #tpu.memory_space<vmem>>, vector<1x16xf32>,
      %swap3A_208 = vector.shape_cast %swap3A_207 : vector<1x16xf32> to vector<16xf32>
      %swap3A_209 = vector.shape_cast %max3A_204 : vector<16xf32> to vector<1x16xf32>
      tpu.vector_store %arg20[%swap3A_205, %swap3A_206], %swap3A_209 {strides = array<i32>} : memref<64x128xf32, #tpu.memory_space<vmem>>, vector<1x16xf32>,
      %get3A_210 = arith.index_cast %add3A_142 : i32 to index
      %get3A_211 = arith.constant 64 : index
      %get3A_212 = tpu.vector_load %arg20[%get3A_210, %get3A_211] {strides = array<i32>} : memref<64x128xf32, #tpu.memory_space<vmem>>, vector<1x16xf32>,
      %get3A_213 = vector.shape_cast %get3A_212 : vector<1x16xf32> to vector<16xf32>
      %get3A_214 = arith.index_cast %add3A_142 : i32 to index
      %get3A_215 = arith.constant 64 : index
      %get3A_216 = tpu.vector_load %arg17[%get3A_214, %get3A_215] {strides = array<i32>} : memref<64x128xf32, #tpu.memory_space<vmem>>, vector<1x16xf32>,
      %get3A_217 = vector.shape_cast %get3A_216 : vector<1x16xf32> to vector<16xf32>
      %add3A_218 = arith.addf %get3A_213, %get3A_217 : vector<16xf32>
      %max3A_219 = arith.constant 0.000000e+00 : f32
      %max3A_220 = vector.broadcast %max3A_219 : f32 to vector<16xf32>
      %max3A_221 = arith.maximumf %add3A_218, %max3A_220 : vector<16xf32>
      %swap3A_222 = arith.index_cast %add3A_142 : i32 to index
      %swap3A_223 = arith.constant 64 : index
      %swap3A_224 = tpu.vector_load %arg20[%swap3A_222, %swap3A_223] {strides = array<i32>} : memref<64x128xf32, #tpu.memory_space<vmem>>, vector<1x16xf32>,
      %swap3A_225 = vector.shape_cast %swap3A_224 : vector<1x16xf32> to vector<16xf32>
      %swap3A_226 = vector.shape_cast %max3A_221 : vector<16xf32> to vector<1x16xf32>
      tpu.vector_store %arg20[%swap3A_222, %swap3A_223], %swap3A_226 {strides = array<i32>} : memref<64x128xf32, #tpu.memory_space<vmem>>, vector<1x16xf32>,
      %get3A_227 = arith.index_cast %add3A_142 : i32 to index
      %get3A_228 = arith.constant 80 : index
      %get3A_229 = tpu.vector_load %arg20[%get3A_227, %get3A_228] {strides = array<i32>} : memref<64x128xf32, #tpu.memory_space<vmem>>, vector<1x16xf32>,
      %get3A_230 = vector.shape_cast %get3A_229 : vector<1x16xf32> to vector<16xf32>
      %get3A_231 = arith.index_cast %add3A_142 : i32 to index
      %get3A_232 = arith.constant 80 : index
      %get3A_233 = tpu.vector_load %arg17[%get3A_231, %get3A_232] {strides = array<i32>} : memref<64x128xf32, #tpu.memory_space<vmem>>, vector<1x16xf32>,
      %get3A_234 = vector.shape_cast %get3A_233 : vector<1x16xf32> to vector<16xf32>
      %add3A_235 = arith.addf %get3A_230, %get3A_234 : vector<16xf32>
      %max3A_236 = arith.constant 0.000000e+00 : f32
      %max3A_237 = vector.broadcast %max3A_236 : f32 to vector<16xf32>
      %max3A_238 = arith.maximumf %add3A_235, %max3A_237 : vector<16xf32>
      %swap3A_239 = arith.index_cast %add3A_142 : i32 to index
      %swap3A_240 = arith.constant 80 : index
      %swap3A_241 = tpu.vector_load %arg20[%swap3A_239, %swap3A_240] {strides = array<i32>} : memref<64x128xf32, #tpu.memory_space<vmem>>, vector<1x16xf32>,
      %swap3A_242 = vector.shape_cast %swap3A_241 : vector<1x16xf32> to vector<16xf32>
      %swap3A_243 = vector.shape_cast %max3A_238 : vector<16xf32> to vector<1x16xf32>
      tpu.vector_store %arg20[%swap3A_239, %swap3A_240], %swap3A_243 {strides = array<i32>} : memref<64x128xf32, #tpu.memory_space<vmem>>, vector<1x16xf32>,
      %get3A_244 = arith.index_cast %add3A_142 : i32 to index
      %get3A_245 = arith.constant 96 : index
      %get3A_246 = tpu.vector_load %arg20[%get3A_244, %get3A_245] {strides = array<i32>} : memref<64x128xf32, #tpu.memory_space<vmem>>, vector<1x16xf32>,
      %get3A_247 = vector.shape_cast %get3A_246 : vector<1x16xf32> to vector<16xf32>
      %get3A_248 = arith.index_cast %add3A_142 : i32 to index
      %get3A_249 = arith.constant 96 : index
      %get3A_250 = tpu.vector_load %arg17[%get3A_248, %get3A_249] {strides = array<i32>} : memref<64x128xf32, #tpu.memory_space<vmem>>, vector<1x16xf32>,
      %get3A_251 = vector.shape_cast %get3A_250 : vector<1x16xf32> to vector<16xf32>
      %add3A_252 = arith.addf %get3A_247, %get3A_251 : vector<16xf32>
      %max3A_253 = arith.constant 0.000000e+00 : f32
      %max3A_254 = vector.broadcast %max3A_253 : f32 to vector<16xf32>
      %max3A_255 = arith.maximumf %add3A_252, %max3A_254 : vector<16xf32>
      %swap3A_256 = arith.index_cast %add3A_142 : i32 to index
      %swap3A_257 = arith.constant 96 : index
      %swap3A_258 = tpu.vector_load %arg20[%swap3A_256, %swap3A_257] {strides = array<i32>} : memref<64x128xf32, #tpu.memory_space<vmem>>, vector<1x16xf32>,
      %swap3A_259 = vector.shape_cast %swap3A_258 : vector<1x16xf32> to vector<16xf32>
      %swap3A_260 = vector.shape_cast %max3A_255 : vector<16xf32> to vector<1x16xf32>
      tpu.vector_store %arg20[%swap3A_256, %swap3A_257], %swap3A_260 {strides = array<i32>} : memref<64x128xf32, #tpu.memory_space<vmem>>, vector<1x16xf32>,
      %get3A_261 = arith.index_cast %add3A_142 : i32 to index
      %get3A_262 = arith.constant 112 : index
      %get3A_263 = tpu.vector_load %arg20[%get3A_261, %get3A_262] {strides = array<i32>} : memref<64x128xf32, #tpu.memory_space<vmem>>, vector<1x16xf32>,
      %get3A_264 = vector.shape_cast %get3A_263 : vector<1x16xf32> to vector<16xf32>
      %get3A_265 = arith.index_cast %add3A_142 : i32 to index
      %get3A_266 = arith.constant 112 : index
      %get3A_267 = tpu.vector_load %arg17[%get3A_265, %get3A_266] {strides = array<i32>} : memref<64x128xf32, #tpu.memory_space<vmem>>, vector<1x16xf32>,
      %get3A_268 = vector.shape_cast %get3A_267 : vector<1x16xf32> to vector<16xf32>
      %add3A_269 = arith.addf %get3A_264, %get3A_268 : vector<16xf32>
      %max3A_270 = arith.constant 0.000000e+00 : f32
      %max3A_271 = vector.broadcast %max3A_270 : f32 to vector<16xf32>
      %max3A_272 = arith.maximumf %add3A_269, %max3A_271 : vector<16xf32>
      %swap3A_273 = arith.index_cast %add3A_142 : i32 to index
      %swap3A_274 = arith.constant 112 : index
      %swap3A_275 = tpu.vector_load %arg20[%swap3A_273, %swap3A_274] {strides = array<i32>} : memref<64x128xf32, #tpu.memory_space<vmem>>, vector<1x16xf32>,
      %swap3A_276 = vector.shape_cast %swap3A_275 : vector<1x16xf32> to vector<16xf32>
      %swap3A_277 = vector.shape_cast %max3A_272 : vector<16xf32> to vector<1x16xf32>
      tpu.vector_store %arg20[%swap3A_273, %swap3A_274], %swap3A_277 {strides = array<i32>} : memref<64x128xf32, #tpu.memory_space<vmem>>, vector<1x16xf32>,
    }
    %scan3A_126 = arith.constant 16 : i32
    "tpu.region"() ({
      %run_scoped3A = tpu.sem_alloc : memref<!tpu.dma_semaphore, #tpu.memory_space<semaphore_mem>>
      %dma_start3A_138 = tpu.memref_slice %arg5[%add3A_106] : memref<160000xi32, #tpu.memory_space<hbm>> -> memref<16xi32, #tpu.memory_space<hbm>>
      %dma_start3A_139 = tpu.memref_slice %arg5[%add3A_106] : memref<160000xi32, #tpu.memory_space<hbm>> -> memref<16xi32, #tpu.memory_space<hbm>>
      tpu.enqueue_dma source(%dma_start3A_139 : memref<16xi32, #tpu.memory_space<hbm>>) target(%arg24 : memref<16xi32, #tpu.memory_space<vmem>>) target_semaphore(%run_scoped3A : memref<!tpu.dma_semaphore, #tpu.memory_space<semaphore_mem>>)
      %dma_wait3A_140 = tpu.memref_slice %arg5[%add3A_106] : memref<160000xi32, #tpu.memory_space<hbm>> -> memref<16xi32, #tpu.memory_space<hbm>>
      %dma_wait3A_141 = tpu.memref_slice %arg5[%add3A_106] : memref<160000xi32, #tpu.memory_space<hbm>> -> memref<16xi32, #tpu.memory_space<hbm>>
      tpu.wait_dma2 semaphore(%run_scoped3A : memref<!tpu.dma_semaphore, #tpu.memory_space<semaphore_mem>>) src(%dma_wait3A_141 : memref<16xi32, #tpu.memory_space<hbm>>) dst(%arg24 : memref<16xi32, #tpu.memory_space<vmem>>)
      tpu.yield
    }) : () -> ()
    "tpu.region"() ({
      %run_scoped3A = tpu.sem_alloc : memref<!tpu.dma_semaphore, #tpu.memory_space<semaphore_mem>>
      %dma_start3A_138 = arith.constant 0 : i32
      %dma_start3A_139 = arith.constant 0 : i32
      %dma_start3A_140 = tpu.memref_slice %arg20[%dma_start3A_138, %dma_start3A_139] : memref<64x128xf32, #tpu.memory_space<vmem>> -> memref<16x128xf32, #tpu.memory_space<vmem>>
      %dma_start3A_141 = arith.constant 0 : i32
      %dma_start3A_142 = arith.constant 0 : i32
      %dma_start3A_143 = tpu.memref_slice %arg7[%dma_start3A_141, %dma_start3A_142] : memref<10000x128xf32, #tpu.memory_space<vmem_shared>> -> memref<10000x128xf32, #tpu.memory_space<vmem_shared>>
      tpu.enqueue_indirect_dma source(%dma_start3A_140 : memref<16x128xf32, #tpu.memory_space<vmem>>) target(%dma_start3A_143 : memref<10000x128xf32, #tpu.memory_space<vmem_shared>>) offsets(%arg24 : memref<16xi32, #tpu.memory_space<vmem>>) semaphore(%run_scoped3A : memref<!tpu.dma_semaphore, #tpu.memory_space<semaphore_mem>>) {add = true}
      %dma_wait3A_144 = arith.constant 0 : i32
      %dma_wait3A_145 = arith.constant 0 : i32
      %dma_wait3A_146 = tpu.memref_slice %arg20[%dma_wait3A_144, %dma_wait3A_145] : memref<64x128xf32, #tpu.memory_space<vmem>> -> memref<16x128xf32, #tpu.memory_space<vmem>>
      %dma_wait3A_147 = arith.constant 0 : i32
      %dma_wait3A_148 = arith.constant 0 : i32
      %dma_wait3A_149 = tpu.memref_slice %arg7[%dma_wait3A_147, %dma_wait3A_148] : memref<10000x128xf32, #tpu.memory_space<vmem_shared>> -> memref<10000x128xf32, #tpu.memory_space<vmem_shared>>
      tpu.wait_indirect_dma semaphore(%run_scoped3A : memref<!tpu.dma_semaphore, #tpu.memory_space<semaphore_mem>>) src(%dma_wait3A_146 : memref<16x128xf32, #tpu.memory_space<vmem>>) dst(%dma_wait3A_149 : memref<10000x128xf32, #tpu.memory_space<vmem_shared>>)
      tpu.yield
    }) : () -> ()
    %barrier3A_127 = arith.constant 0 : index
    tpu.barrier barrier_id(%barrier3A_127)
    %scan3A_128 = arith.constant 0 : i32
    %scan3A_129 = arith.constant 16 : i32
    %scan3A_130 = arith.addi %scan3A_128, %scan3A_129 : i32
    %scan3A_131 = arith.constant 1 : i32
    scf.for %scan3A_138 = %scan3A_128 to %scan3A_130 step %scan3A_131  : i32 {
      %mul3A_139 = arith.constant 1 : i32
      %mul3A_140 = arith.muli %scan3A_138, %mul3A_139 : i32
      %add3A_141 = arith.constant 0 : i32
      %add3A_142 = arith.addi %add3A_141, %mul3A_140 : i32
      %mul3A_143 = arith.constant 16 : i32
      %mul3A_144 = arith.muli %add3A_142, %mul3A_143 : i32
      %add3A_145 = arith.addi %arg1, %mul3A_144 : i32
      %lt3A = arith.constant 250 : i32
      %lt3A_146 = arith.cmpi slt, %add3A_145, %lt3A : i32
      %convert_element_type3A = arith.extui %lt3A_146 : i1 to i32
      %cond3A = arith.constant 0 : i32
      %cond3A_147 = arith.cmpi ne, %convert_element_type3A, %cond3A : i32
      scf.if %cond3A_147 {
        %mul3A_148 = arith.constant 40 : i32
        %mul3A_149 = arith.muli %add3A_145, %mul3A_148 : i32
        %mul3A_150 = arith.constant 10000 : i32
        %mul3A_151 = arith.muli %arg0, %mul3A_150 : i32
        %mul3A_152 = arith.constant 40 : i32
        %mul3A_153 = arith.muli %add3A_145, %mul3A_152 : i32
        %add3A_154 = arith.addi %mul3A_151, %mul3A_153 : i32
        %dma_start3A_155 = arith.constant 0 : i32
        %dma_start3A_156 = tpu.memref_slice %arg6[%add3A_154, %dma_start3A_155] : memref<20000x128xf32, #tpu.memory_space<hbm>> -> memref<40x128xf32, #tpu.memory_space<hbm>>
        %dma_start3A_157 = arith.constant 0 : i32
        %dma_start3A_158 = tpu.memref_slice %arg7[%mul3A_149, %dma_start3A_157] : memref<10000x128xf32, #tpu.memory_space<vmem_shared>> -> memref<40x128xf32, #tpu.memory_space<vmem_shared>>
        tpu.enqueue_dma source(%dma_start3A_158 : memref<40x128xf32, #tpu.memory_space<vmem_shared>>) target(%dma_start3A_156 : memref<40x128xf32, #tpu.memory_space<hbm>>) target_semaphore(%arg40 : memref<!tpu.dma_semaphore, #tpu.memory_space<semaphore_mem>>)
      } else {
      }
    }
    %scan3A_132 = arith.constant 16 : i32
    %scan3A_133 = arith.constant 0 : i32
    %scan3A_134 = arith.constant 16 : i32
    %scan3A_135 = arith.addi %scan3A_133, %scan3A_134 : i32
    %scan3A_136 = arith.constant 1 : i32
    scf.for %scan3A_138 = %scan3A_133 to %scan3A_135 step %scan3A_136  : i32 {
      %mul3A_139 = arith.constant 1 : i32
      %mul3A_140 = arith.muli %scan3A_138, %mul3A_139 : i32
      %add3A_141 = arith.constant 0 : i32
      %add3A_142 = arith.addi %add3A_141, %mul3A_140 : i32
      %mul3A_143 = arith.constant 16 : i32
      %mul3A_144 = arith.muli %add3A_142, %mul3A_143 : i32
      %add3A_145 = arith.addi %arg1, %mul3A_144 : i32
      %lt3A = arith.constant 250 : i32
      %lt3A_146 = arith.cmpi slt, %add3A_145, %lt3A : i32
      %convert_element_type3A = arith.extui %lt3A_146 : i1 to i32
      %cond3A = arith.constant 0 : i32
      %cond3A_147 = arith.cmpi ne, %convert_element_type3A, %cond3A : i32
      scf.if %cond3A_147 {
        %dma_wait3A_148 = arith.constant 0 : i32
        %dma_wait3A_149 = arith.constant 0 : i32
        %dma_wait3A_150 = tpu.memref_slice %arg6[%dma_wait3A_148, %dma_wait3A_149] : memref<20000x128xf32, #tpu.memory_space<hbm>> -> memref<40x128xf32, #tpu.memory_space<hbm>>
        %dma_wait3A_151 = arith.constant 0 : i32
        %dma_wait3A_152 = arith.constant 0 : i32
        %dma_wait3A_153 = tpu.memref_slice %arg7[%dma_wait3A_151, %dma_wait3A_152] : memref<10000x128xf32, #tpu.memory_space<vmem_shared>> -> memref<40x128xf32, #tpu.memory_space<vmem_shared>>
        tpu.wait_dma2 semaphore(%arg40 : memref<!tpu.dma_semaphore, #tpu.memory_space<semaphore_mem>>) src(%dma_wait3A_153 : memref<40x128xf32, #tpu.memory_space<vmem_shared>>) dst(%dma_wait3A_150 : memref<40x128xf32, #tpu.memory_space<hbm>>)
      } else {
      }
    }
    %scan3A_137 = arith.constant 16 : i32
    return
  }
}

module attributes {stable_mosaic.version = 14 : i64} {
  func.func @_mlp1_body(%arg0: i32, %arg1: memref<2000x128xf32, #tpu.memory_space<vmem>>, %arg2: memref<2000x128xf32, #tpu.memory_space<vmem>>, %arg3: memref<1x256xf32, #tpu.memory_space<vmem>>, %arg4: memref<256x256xf32, #tpu.memory_space<vmem>>, %arg5: memref<1x256xf32, #tpu.memory_space<vmem>>, %arg6: memref<256x256xf32, #tpu.memory_space<vmem>>, %arg7: memref<1x256xf32, #tpu.memory_space<vmem>>, %arg8: memref<2000x256xf32, #tpu.memory_space<vmem>>) attributes {dimension_semantics = [#tpu.dimension_semantics<arbitrary>], iteration_bounds = array<i64: 5>, scalar_prefetch = 0 : i64, scratch_operands = 0 : i64, tpu.core_type = #tpu.core_type<tc>, window_params = [{transform_indices = @transform_0, window_bounds = array<i64: 2000, 128>}, {transform_indices = @transform_1, window_bounds = array<i64: 2000, 128>}, {pipeline_mode = #tpu.pipeline_mode<synchronous>, transform_indices = @transform_2, window_bounds = array<i64: 1, 256>}, {pipeline_mode = #tpu.pipeline_mode<synchronous>, transform_indices = @transform_3, window_bounds = array<i64: 256, 256>}, {pipeline_mode = #tpu.pipeline_mode<synchronous>, transform_indices = @transform_4, window_bounds = array<i64: 1, 256>}, {pipeline_mode = #tpu.pipeline_mode<synchronous>, transform_indices = @transform_5, window_bounds = array<i64: 256, 256>}, {pipeline_mode = #tpu.pipeline_mode<synchronous>, transform_indices = @transform_6, window_bounds = array<i64: 1, 256>}, {transform_indices = @transform_7, window_bounds = array<i64: 2000, 256>}]} {
    %get3A = arith.constant 0 : index
    %get3A_0 = arith.constant 0 : index
    %get3A_1 = vector.load %arg1[%get3A, %get3A_0] : memref<2000x128xf32, #tpu.memory_space<vmem>>, vector<2000x128xf32>
    %get3A_2 = arith.constant 0 : index
    %get3A_3 = arith.constant 0 : index
    %get3A_4 = vector.load %arg3[%get3A_2, %get3A_3] : memref<1x256xf32, #tpu.memory_space<vmem>>, vector<1x128xf32>
    %add3A = vector.broadcast %get3A_4 : vector<1x128xf32> to vector<2000x128xf32>
    %add3A_5 = arith.addf %get3A_1, %add3A : vector<2000x128xf32>
    %get3A_6 = arith.constant 0 : index
    %get3A_7 = arith.constant 0 : index
    %get3A_8 = vector.load %arg2[%get3A_6, %get3A_7] : memref<2000x128xf32, #tpu.memory_space<vmem>>, vector<2000x128xf32>
    %get3A_9 = arith.constant 0 : index
    %get3A_10 = arith.constant 128 : index
    %get3A_11 = vector.load %arg3[%get3A_9, %get3A_10] : memref<1x256xf32, #tpu.memory_space<vmem>>, vector<1x128xf32>
    %add3A_12 = vector.broadcast %get3A_11 : vector<1x128xf32> to vector<2000x128xf32>
    %add3A_13 = arith.addf %get3A_8, %add3A_12 : vector<2000x128xf32>
    %get3A_14 = arith.constant 0 : index
    %get3A_15 = arith.constant 0 : index
    %get3A_16 = vector.load %arg4[%get3A_14, %get3A_15] : memref<256x256xf32, #tpu.memory_space<vmem>>, vector<128x256xf32>
    %dot_general3A = arith.constant dense<0.000000e+00> : vector<2000x256xf32>
    %dot_general3A_17 = tpu.matmul %add3A_5, %get3A_16, %dot_general3A {dimension_numbers = #tpu.dot_dimension_numbers<[1], [0], [0], [1], [0, 0, 1, 1], [], []>, transpose_lhs_hint = false} : vector<2000x128xf32>, vector<128x256xf32>, vector<2000x256xf32> -> vector<2000x256xf32>
    %get3A_18 = arith.constant 128 : index
    %get3A_19 = arith.constant 0 : index
    %get3A_20 = vector.load %arg4[%get3A_18, %get3A_19] : memref<256x256xf32, #tpu.memory_space<vmem>>, vector<128x256xf32>
    %dot_general3A_21 = arith.constant dense<0.000000e+00> : vector<2000x256xf32>
    %dot_general3A_22 = tpu.matmul %add3A_13, %get3A_20, %dot_general3A_21 {dimension_numbers = #tpu.dot_dimension_numbers<[1], [0], [0], [1], [0, 0, 1, 1], [], []>, transpose_lhs_hint = false} : vector<2000x128xf32>, vector<128x256xf32>, vector<2000x256xf32> -> vector<2000x256xf32>
    %add3A_23 = arith.addf %dot_general3A_17, %dot_general3A_22 : vector<2000x256xf32>
    %get3A_24 = arith.constant 0 : index
    %get3A_25 = arith.constant 0 : index
    %get3A_26 = vector.load %arg5[%get3A_24, %get3A_25] : memref<1x256xf32, #tpu.memory_space<vmem>>, vector<1x256xf32>
    %add3A_27 = vector.broadcast %get3A_26 : vector<1x256xf32> to vector<2000x256xf32>
    %add3A_28 = arith.addf %add3A_23, %add3A_27 : vector<2000x256xf32>
    %max3A = arith.constant 0.000000e+00 : f32
    %max3A_29 = vector.broadcast %max3A : f32 to vector<2000x256xf32>
    %max3A_30 = arith.maximumf %add3A_28, %max3A_29 : vector<2000x256xf32>
    %get3A_31 = arith.constant 0 : index
    %get3A_32 = arith.constant 0 : index
    %get3A_33 = vector.load %arg6[%get3A_31, %get3A_32] : memref<256x256xf32, #tpu.memory_space<vmem>>, vector<256x256xf32>
    %dot_general3A_34 = arith.constant dense<0.000000e+00> : vector<2000x256xf32>
    %dot_general3A_35 = tpu.matmul %max3A_30, %get3A_33, %dot_general3A_34 {dimension_numbers = #tpu.dot_dimension_numbers<[1], [0], [0], [1], [0, 0, 1, 1], [], []>, transpose_lhs_hint = false} : vector<2000x256xf32>, vector<256x256xf32>, vector<2000x256xf32> -> vector<2000x256xf32>
    %get3A_36 = arith.constant 0 : index
    %get3A_37 = arith.constant 0 : index
    %get3A_38 = vector.load %arg7[%get3A_36, %get3A_37] : memref<1x256xf32, #tpu.memory_space<vmem>>, vector<1x256xf32>
    %add3A_39 = vector.broadcast %get3A_38 : vector<1x256xf32> to vector<2000x256xf32>
    %add3A_40 = arith.addf %dot_general3A_35, %add3A_39 : vector<2000x256xf32>
    %max3A_41 = arith.constant 0.000000e+00 : f32
    %max3A_42 = vector.broadcast %max3A_41 : f32 to vector<2000x256xf32>
    %max3A_43 = arith.maximumf %add3A_40, %max3A_42 : vector<2000x256xf32>
    %swap3A = arith.constant 0 : index
    %swap3A_44 = arith.constant 0 : index
    %swap3A_45 = vector.load %arg8[%swap3A, %swap3A_44] : memref<2000x256xf32, #tpu.memory_space<vmem>>, vector<2000x256xf32>
    tpu.vector_store %arg8[%swap3A, %swap3A_44], %max3A_43 {strides = array<i32>} : memref<2000x256xf32, #tpu.memory_space<vmem>>, vector<2000x256xf32>,
    return
  }
  func.func @transform_0(%arg0: i32) -> (i32, i32) {
    %c0_i32 = arith.constant 0 : i32
    %c0_i32_0 = arith.constant 0 : i32
    return %arg0, %c0_i32 : i32, i32
  }
  func.func @transform_1(%arg0: i32) -> (i32, i32) {
    %add3A = arith.constant 5 : i32
    %add3A_0 = arith.addi %add3A, %arg0 : i32
    %c0_i32 = arith.constant 0 : i32
    %c0_i32_1 = arith.constant 0 : i32
    return %add3A_0, %c0_i32 : i32, i32
  }
  func.func @transform_2(%arg0: i32) -> (i32, i32) {
    %c0_i32 = arith.constant 0 : i32
    %c0_i32_0 = arith.constant 0 : i32
    %c0_i32_1 = arith.constant 0 : i32
    return %c0_i32, %c0_i32_0 : i32, i32
  }
  func.func @transform_3(%arg0: i32) -> (i32, i32) {
    %c0_i32 = arith.constant 0 : i32
    %c0_i32_0 = arith.constant 0 : i32
    %c0_i32_1 = arith.constant 0 : i32
    return %c0_i32, %c0_i32_0 : i32, i32
  }
  func.func @transform_4(%arg0: i32) -> (i32, i32) {
    %c0_i32 = arith.constant 0 : i32
    %c0_i32_0 = arith.constant 0 : i32
    %c0_i32_1 = arith.constant 0 : i32
    return %c0_i32, %c0_i32_0 : i32, i32
  }
  func.func @transform_5(%arg0: i32) -> (i32, i32) {
    %c0_i32 = arith.constant 0 : i32
    %c0_i32_0 = arith.constant 0 : i32
    %c0_i32_1 = arith.constant 0 : i32
    return %c0_i32, %c0_i32_0 : i32, i32
  }
  func.func @transform_6(%arg0: i32) -> (i32, i32) {
    %c0_i32 = arith.constant 0 : i32
    %c0_i32_0 = arith.constant 0 : i32
    %c0_i32_1 = arith.constant 0 : i32
    return %c0_i32, %c0_i32_0 : i32, i32
  }
  func.func @transform_7(%arg0: i32) -> (i32, i32) {
    %c0_i32 = arith.constant 0 : i32
    %c0_i32_0 = arith.constant 0 : i32
    return %arg0, %c0_i32 : i32, i32
  }
}

module attributes {stable_mosaic.version = 14 : i64} {
  func.func @_edge_body(%arg0: i32, %arg1: i32, %arg2: memref<2000x7xf32, #tpu.memory_space<vmem>>, %arg3: memref<1x128xf32, #tpu.memory_space<vmem>>, %arg4: memref<7x128xf32, #tpu.memory_space<vmem>>, %arg5: memref<1x128xf32, #tpu.memory_space<vmem>>, %arg6: memref<7x128xf32, #tpu.memory_space<vmem>>, %arg7: memref<1x128xf32, #tpu.memory_space<vmem>>, %arg8: memref<2000x128xf32, #tpu.memory_space<vmem>>, %arg9: memref<2000x128xf32, #tpu.memory_space<vmem>>) attributes {dimension_semantics = [#tpu.dimension_semantics<arbitrary>, #tpu.dimension_semantics<arbitrary>], iteration_bounds = array<i64: 2, 80>, scalar_prefetch = 0 : i64, scratch_operands = 0 : i64, tpu.core_type = #tpu.core_type<tc>, window_params = [{transform_indices = @transform_0, window_bounds = array<i64: 2000, 7>}, {transform_indices = @transform_1, window_bounds = array<i64: 1, 128>}, {transform_indices = @transform_2, window_bounds = array<i64: 7, 128>}, {transform_indices = @transform_3, window_bounds = array<i64: 1, 128>}, {transform_indices = @transform_4, window_bounds = array<i64: 7, 128>}, {transform_indices = @transform_5, window_bounds = array<i64: 1, 128>}, {transform_indices = @transform_6, window_bounds = array<i64: 2000, 128>}, {transform_indices = @transform_7, window_bounds = array<i64: 2000, 128>}]} {
    %get3A = arith.constant 0 : index
    %get3A_0 = arith.constant 0 : index
    %get3A_1 = vector.load %arg2[%get3A, %get3A_0] : memref<2000x7xf32, #tpu.memory_space<vmem>>, vector<2000x7xf32>
    %get3A_2 = arith.constant 0 : index
    %get3A_3 = arith.constant 0 : index
    %get3A_4 = vector.load %arg4[%get3A_2, %get3A_3] : memref<7x128xf32, #tpu.memory_space<vmem>>, vector<7x128xf32>
    %dot_general3A = arith.constant dense<0.000000e+00> : vector<2000x128xf32>
    %dot_general3A_5 = tpu.matmul %get3A_1, %get3A_4, %dot_general3A {dimension_numbers = #tpu.dot_dimension_numbers<[1], [0], [0], [1], [0, 0, 1, 1], [], []>, transpose_lhs_hint = false} : vector<2000x7xf32>, vector<7x128xf32>, vector<2000x128xf32> -> vector<2000x128xf32>
    %get3A_6 = arith.constant 0 : index
    %get3A_7 = arith.constant 0 : index
    %get3A_8 = vector.load %arg5[%get3A_6, %get3A_7] : memref<1x128xf32, #tpu.memory_space<vmem>>, vector<1x128xf32>
    %add3A = vector.broadcast %get3A_8 : vector<1x128xf32> to vector<2000x128xf32>
    %add3A_9 = arith.addf %dot_general3A_5, %add3A : vector<2000x128xf32>
    %get3A_10 = arith.constant 0 : index
    %get3A_11 = arith.constant 0 : index
    %get3A_12 = vector.load %arg3[%get3A_10, %get3A_11] : memref<1x128xf32, #tpu.memory_space<vmem>>, vector<1x128xf32>
    %add3A_13 = vector.broadcast %get3A_12 : vector<1x128xf32> to vector<2000x128xf32>
    %add3A_14 = arith.addf %add3A_9, %add3A_13 : vector<2000x128xf32>
    %max3A = arith.constant 0.000000e+00 : f32
    %max3A_15 = vector.broadcast %max3A : f32 to vector<2000x128xf32>
    %max3A_16 = arith.maximumf %add3A_14, %max3A_15 : vector<2000x128xf32>
    %swap3A = arith.constant 0 : index
    %swap3A_17 = arith.constant 0 : index
    %swap3A_18 = vector.load %arg8[%swap3A, %swap3A_17] : memref<2000x128xf32, #tpu.memory_space<vmem>>, vector<2000x128xf32>
    tpu.vector_store %arg8[%swap3A, %swap3A_17], %max3A_16 {strides = array<i32>} : memref<2000x128xf32, #tpu.memory_space<vmem>>, vector<2000x128xf32>,
    %get3A_19 = arith.constant 0 : index
    %get3A_20 = arith.constant 0 : index
    %get3A_21 = vector.load %arg6[%get3A_19, %get3A_20] : memref<7x128xf32, #tpu.memory_space<vmem>>, vector<7x128xf32>
    %dot_general3A_22 = arith.constant dense<0.000000e+00> : vector<2000x128xf32>
    %dot_general3A_23 = tpu.matmul %get3A_1, %get3A_21, %dot_general3A_22 {dimension_numbers = #tpu.dot_dimension_numbers<[1], [0], [0], [1], [0, 0, 1, 1], [], []>, transpose_lhs_hint = false} : vector<2000x7xf32>, vector<7x128xf32>, vector<2000x128xf32> -> vector<2000x128xf32>
    %get3A_24 = arith.constant 0 : index
    %get3A_25 = arith.constant 0 : index
    %get3A_26 = vector.load %arg7[%get3A_24, %get3A_25] : memref<1x128xf32, #tpu.memory_space<vmem>>, vector<1x128xf32>
    %add3A_27 = vector.broadcast %get3A_26 : vector<1x128xf32> to vector<2000x128xf32>
    %add3A_28 = arith.addf %dot_general3A_23, %add3A_27 : vector<2000x128xf32>
    %swap3A_29 = arith.constant 0 : index
    %swap3A_30 = arith.constant 0 : index
    %swap3A_31 = vector.load %arg9[%swap3A_29, %swap3A_30] : memref<2000x128xf32, #tpu.memory_space<vmem>>, vector<2000x128xf32>
    tpu.vector_store %arg9[%swap3A_29, %swap3A_30], %add3A_28 {strides = array<i32>} : memref<2000x128xf32, #tpu.memory_space<vmem>>, vector<2000x128xf32>,
    return
  }
  func.func @transform_0(%arg0: i32, %arg1: i32) -> (i32, i32) {
    %c0_i32 = arith.constant 0 : i32
    %c0_i32_0 = arith.constant 0 : i32
    return %arg1, %c0_i32 : i32, i32
  }
  func.func @transform_1(%arg0: i32, %arg1: i32) -> (i32, i32) {
    %c0_i32 = arith.constant 0 : i32
    %c0_i32_0 = arith.constant 0 : i32
    return %c0_i32, %arg0 : i32, i32
  }
  func.func @transform_2(%arg0: i32, %arg1: i32) -> (i32, i32) {
    %c0_i32 = arith.constant 0 : i32
    %c0_i32_0 = arith.constant 0 : i32
    return %c0_i32, %arg0 : i32, i32
  }
  func.func @transform_3(%arg0: i32, %arg1: i32) -> (i32, i32) {
    %c0_i32 = arith.constant 0 : i32
    %c0_i32_0 = arith.constant 0 : i32
    return %c0_i32, %arg0 : i32, i32
  }
  func.func @transform_4(%arg0: i32, %arg1: i32) -> (i32, i32) {
    %c0_i32 = arith.constant 0 : i32
    %c0_i32_0 = arith.constant 0 : i32
    return %c0_i32, %arg0 : i32, i32
  }
  func.func @transform_5(%arg0: i32, %arg1: i32) -> (i32, i32) {
    %c0_i32 = arith.constant 0 : i32
    %c0_i32_0 = arith.constant 0 : i32
    return %c0_i32, %arg0 : i32, i32
  }
  func.func @transform_6(%arg0: i32, %arg1: i32) -> (i32, i32) {
    %mul3A = arith.constant 80 : i32
    %mul3A_0 = arith.muli %arg0, %mul3A : i32
    %add3A = arith.addi %mul3A_0, %arg1 : i32
    %c0_i32 = arith.constant 0 : i32
    %c0_i32_1 = arith.constant 0 : i32
    return %add3A, %c0_i32 : i32, i32
  }
  func.func @transform_7(%arg0: i32, %arg1: i32) -> (i32, i32) {
    %mul3A = arith.constant 80 : i32
    %mul3A_0 = arith.muli %arg0, %mul3A : i32
    %add3A = arith.addi %mul3A_0, %arg1 : i32
    %c0_i32 = arith.constant 0 : i32
    %c0_i32_1 = arith.constant 0 : i32
    return %add3A, %c0_i32 : i32, i32
  }
}

module attributes {stable_mosaic.version = 14 : i64} {
  func.func @_mlp2_body(%arg0: i32, %arg1: memref<2000x256xf32, #tpu.memory_space<vmem>>, %arg2: memref<2000x128xf32, #tpu.memory_space<vmem>>, %arg3: memref<2000x128xf32, #tpu.memory_space<vmem>>, %arg4: memref<2000x1xi32, #tpu.memory_space<vmem>>, %arg5: memref<256x256xf32, #tpu.memory_space<vmem>>, %arg6: memref<1x256xf32, #tpu.memory_space<vmem>>, %arg7: memref<256x256xf32, #tpu.memory_space<vmem>>, %arg8: memref<1x256xf32, #tpu.memory_space<vmem>>, %arg9: memref<256x128xf32, #tpu.memory_space<vmem>>, %arg10: memref<1x128xf32, #tpu.memory_space<vmem>>, %arg11: memref<2000x256xf32, #tpu.memory_space<vmem>>, %arg12: memref<64x128xf32, #tpu.memory_space<vmem>>, %arg13: memref<64x256xf32, #tpu.memory_space<vmem>>, %arg14: memref<64x128xf32, #tpu.memory_space<vmem>>) attributes {dimension_semantics = [#tpu.dimension_semantics<arbitrary>], iteration_bounds = array<i64: 5>, scalar_prefetch = 0 : i64, scratch_operands = 2 : i64, tpu.core_type = #tpu.core_type<tc>, window_params = [{transform_indices = @transform_0, window_bounds = array<i64: 2000, 256>}, {transform_indices = @transform_1, window_bounds = array<i64: 2000, 128>}, {transform_indices = @transform_2, window_bounds = array<i64: 2000, 128>}, {transform_indices = @transform_3, window_bounds = array<i64: 2000, 1>}, {pipeline_mode = #tpu.pipeline_mode<synchronous>, transform_indices = @transform_4, window_bounds = array<i64: 256, 256>}, {pipeline_mode = #tpu.pipeline_mode<synchronous>, transform_indices = @transform_5, window_bounds = array<i64: 1, 256>}, {pipeline_mode = #tpu.pipeline_mode<synchronous>, transform_indices = @transform_6, window_bounds = array<i64: 256, 256>}, {pipeline_mode = #tpu.pipeline_mode<synchronous>, transform_indices = @transform_7, window_bounds = array<i64: 1, 256>}, {pipeline_mode = #tpu.pipeline_mode<synchronous>, transform_indices = @transform_8, window_bounds = array<i64: 256, 128>}, {pipeline_mode = #tpu.pipeline_mode<synchronous>, transform_indices = @transform_9, window_bounds = array<i64: 1, 128>}, {transform_indices = @transform_10, window_bounds = array<i64: 2000, 256>}, {pipeline_mode = #tpu.pipeline_mode<synchronous>, transform_indices = @transform_11, window_bounds = array<i64: 64, 128>}]} {
    %get3A = arith.constant 0 : index
    %get3A_0 = arith.constant 0 : index
    %get3A_1 = vector.load %arg1[%get3A, %get3A_0] : memref<2000x256xf32, #tpu.memory_space<vmem>>, vector<2000x256xf32>
    %get3A_2 = arith.constant 0 : index
    %get3A_3 = arith.constant 0 : index
    %get3A_4 = vector.load %arg2[%get3A_2, %get3A_3] : memref<2000x128xf32, #tpu.memory_space<vmem>>, vector<2000x128xf32>
    %get3A_5 = arith.constant 0 : index
    %get3A_6 = arith.constant 0 : index
    %get3A_7 = vector.load %arg3[%get3A_5, %get3A_6] : memref<2000x128xf32, #tpu.memory_space<vmem>>, vector<2000x128xf32>
    %concatenate3A = tpu.concatenate %get3A_4, %get3A_7 in 1 : vector<2000x128xf32>, vector<2000x128xf32> -> vector<2000x256xf32>
    %add3A = arith.addf %get3A_1, %concatenate3A : vector<2000x256xf32>
    %get3A_8 = arith.constant 0 : index
    %get3A_9 = arith.constant 0 : index
    %get3A_10 = vector.load %arg5[%get3A_8, %get3A_9] : memref<256x256xf32, #tpu.memory_space<vmem>>, vector<256x256xf32>
    %dot_general3A = arith.constant dense<0.000000e+00> : vector<2000x256xf32>
    %dot_general3A_11 = tpu.matmul %add3A, %get3A_10, %dot_general3A {dimension_numbers = #tpu.dot_dimension_numbers<[1], [0], [0], [1], [0, 0, 1, 1], [], []>, transpose_lhs_hint = false} : vector<2000x256xf32>, vector<256x256xf32>, vector<2000x256xf32> -> vector<2000x256xf32>
    %get3A_12 = arith.constant 0 : index
    %get3A_13 = arith.constant 0 : index
    %get3A_14 = vector.load %arg6[%get3A_12, %get3A_13] : memref<1x256xf32, #tpu.memory_space<vmem>>, vector<1x256xf32>
    %add3A_15 = vector.broadcast %get3A_14 : vector<1x256xf32> to vector<2000x256xf32>
    %add3A_16 = arith.addf %dot_general3A_11, %add3A_15 : vector<2000x256xf32>
    %max3A = arith.constant 0.000000e+00 : f32
    %max3A_17 = vector.broadcast %max3A : f32 to vector<2000x256xf32>
    %max3A_18 = arith.maximumf %add3A_16, %max3A_17 : vector<2000x256xf32>
    %get3A_19 = arith.constant 0 : index
    %get3A_20 = arith.constant 0 : index
    %get3A_21 = vector.load %arg7[%get3A_19, %get3A_20] : memref<256x256xf32, #tpu.memory_space<vmem>>, vector<256x256xf32>
    %dot_general3A_22 = arith.constant dense<0.000000e+00> : vector<2000x256xf32>
    %dot_general3A_23 = tpu.matmul %max3A_18, %get3A_21, %dot_general3A_22 {dimension_numbers = #tpu.dot_dimension_numbers<[1], [0], [0], [1], [0, 0, 1, 1], [], []>, transpose_lhs_hint = false} : vector<2000x256xf32>, vector<256x256xf32>, vector<2000x256xf32> -> vector<2000x256xf32>
    %get3A_24 = arith.constant 0 : index
    %get3A_25 = arith.constant 0 : index
    %get3A_26 = vector.load %arg8[%get3A_24, %get3A_25] : memref<1x256xf32, #tpu.memory_space<vmem>>, vector<1x256xf32>
    %add3A_27 = vector.broadcast %get3A_26 : vector<1x256xf32> to vector<2000x256xf32>
    %add3A_28 = arith.addf %dot_general3A_23, %add3A_27 : vector<2000x256xf32>
    %swap3A = arith.constant 0 : index
    %swap3A_29 = arith.constant 0 : index
    %swap3A_30 = vector.load %arg11[%swap3A, %swap3A_29] : memref<2000x256xf32, #tpu.memory_space<vmem>>, vector<2000x256xf32>
    tpu.vector_store %arg11[%swap3A, %swap3A_29], %add3A_28 {strides = array<i32>} : memref<2000x256xf32, #tpu.memory_space<vmem>>, vector<2000x256xf32>,
    %iota3A = tpu.iota {dimensions = array<i32: 1>} : vector<1x64xi32>
    %get3A_31 = arith.constant 0 : index
    %get3A_32 = arith.constant 0 : index
    %get3A_33 = vector.load %arg4[%get3A_31, %get3A_32] : memref<2000x1xi32, #tpu.memory_space<vmem>>, vector<2000x1xi32>
    %eq3A = vector.broadcast %get3A_33 : vector<2000x1xi32> to vector<2000x64xi32>
    %eq3A_34 = vector.broadcast %iota3A : vector<1x64xi32> to vector<2000x64xi32>
    %eq3A_35 = arith.cmpi eq, %eq3A, %eq3A_34 : vector<2000x64xi32>
    %convert_element_type3A = arith.extui %eq3A_35 : vector<2000x64xi1> to vector<2000x64xi32>
    %convert_element_type3A_36 = arith.sitofp %convert_element_type3A : vector<2000x64xi32> to vector<2000x64xf32>
    %dot_general3A_37 = arith.constant dense<0.000000e+00> : vector<64x256xf32>
    %dot_general3A_38 = tpu.matmul %convert_element_type3A_36, %add3A_28, %dot_general3A_37 {dimension_numbers = #tpu.dot_dimension_numbers<[0], [0], [1], [1], [0, 1, 1, 1], [], []>, transpose_lhs_hint = false} : vector<2000x64xf32>, vector<2000x256xf32>, vector<64x256xf32> -> vector<64x256xf32>
    %broadcast_in_dim3A = arith.constant 1.000000e+00 : f32
    %broadcast_in_dim3A_39 = vector.broadcast %broadcast_in_dim3A : f32 to vector<2000x128xf32>
    %dot_general3A_40 = arith.constant dense<0.000000e+00> : vector<64x128xf32>
    %dot_general3A_41 = tpu.matmul %convert_element_type3A_36, %broadcast_in_dim3A_39, %dot_general3A_40 {dimension_numbers = #tpu.dot_dimension_numbers<[0], [0], [1], [1], [0, 1, 1, 1], [], []>, transpose_lhs_hint = false} : vector<2000x64xf32>, vector<2000x128xf32>, vector<64x128xf32> -> vector<64x128xf32>
    %eq3A_42 = arith.constant 0 : i32
    %eq3A_43 = arith.cmpi eq, %arg0, %eq3A_42 : i32
    %convert_element_type3A_44 = arith.extui %eq3A_43 : i1 to i32
    %cond3A = arith.constant 0 : i32
    %cond3A_45 = arith.cmpi ne, %convert_element_type3A_44, %cond3A : i32
    scf.if %cond3A_45 {
      %broadcast_in_dim3A_65 = arith.constant 0.000000e+00 : f32
      %broadcast_in_dim3A_66 = vector.broadcast %broadcast_in_dim3A_65 : f32 to vector<64x256xf32>
      %swap3A_67 = arith.constant 0 : index
      %swap3A_68 = arith.constant 0 : index
      %swap3A_69 = vector.load %arg13[%swap3A_67, %swap3A_68] : memref<64x256xf32, #tpu.memory_space<vmem>>, vector<64x256xf32>
      tpu.vector_store %arg13[%swap3A_67, %swap3A_68], %broadcast_in_dim3A_66 {strides = array<i32>} : memref<64x256xf32, #tpu.memory_space<vmem>>, vector<64x256xf32>,
      %broadcast_in_dim3A_70 = arith.constant 0.000000e+00 : f32
      %broadcast_in_dim3A_71 = vector.broadcast %broadcast_in_dim3A_70 : f32 to vector<64x128xf32>
      %swap3A_72 = arith.constant 0 : index
      %swap3A_73 = arith.constant 0 : index
      %swap3A_74 = vector.load %arg14[%swap3A_72, %swap3A_73] : memref<64x128xf32, #tpu.memory_space<vmem>>, vector<64x128xf32>
      tpu.vector_store %arg14[%swap3A_72, %swap3A_73], %broadcast_in_dim3A_71 {strides = array<i32>} : memref<64x128xf32, #tpu.memory_space<vmem>>, vector<64x128xf32>,
    } else {
    }
    %get3A_46 = arith.constant 0 : index
    %get3A_47 = arith.constant 0 : index
    %get3A_48 = vector.load %arg13[%get3A_46, %get3A_47] : memref<64x256xf32, #tpu.memory_space<vmem>>, vector<64x256xf32>
    %add3A_49 = arith.addf %get3A_48, %dot_general3A_38 : vector<64x256xf32>
    %swap3A_50 = arith.constant 0 : index
    %swap3A_51 = arith.constant 0 : index
    %swap3A_52 = vector.load %arg13[%swap3A_50, %swap3A_51] : memref<64x256xf32, #tpu.memory_space<vmem>>, vector<64x256xf32>
    tpu.vector_store %arg13[%swap3A_50, %swap3A_51], %add3A_49 {strides = array<i32>} : memref<64x256xf32, #tpu.memory_space<vmem>>, vector<64x256xf32>,
    %get3A_53 = arith.constant 0 : index
    %get3A_54 = arith.constant 0 : index
    %get3A_55 = vector.load %arg14[%get3A_53, %get3A_54] : memref<64x128xf32, #tpu.memory_space<vmem>>, vector<64x128xf32>
    %add3A_56 = arith.addf %get3A_55, %dot_general3A_41 : vector<64x128xf32>
    %swap3A_57 = arith.constant 0 : index
    %swap3A_58 = arith.constant 0 : index
    %swap3A_59 = vector.load %arg14[%swap3A_57, %swap3A_58] : memref<64x128xf32, #tpu.memory_space<vmem>>, vector<64x128xf32>
    tpu.vector_store %arg14[%swap3A_57, %swap3A_58], %add3A_56 {strides = array<i32>} : memref<64x128xf32, #tpu.memory_space<vmem>>, vector<64x128xf32>,
    %eq3A_60 = arith.constant 4 : i32
    %eq3A_61 = arith.cmpi eq, %arg0, %eq3A_60 : i32
    %convert_element_type3A_62 = arith.extui %eq3A_61 : i1 to i32
    %cond3A_63 = arith.constant 0 : i32
    %cond3A_64 = arith.cmpi ne, %convert_element_type3A_62, %cond3A_63 : i32
    scf.if %cond3A_64 {
      %get3A_65 = arith.constant 0 : index
      %get3A_66 = arith.constant 0 : index
      %get3A_67 = vector.load %arg13[%get3A_65, %get3A_66] : memref<64x256xf32, #tpu.memory_space<vmem>>, vector<64x256xf32>
      %get3A_68 = arith.constant 0 : index
      %get3A_69 = arith.constant 0 : index
      %get3A_70 = vector.load %arg9[%get3A_68, %get3A_69] : memref<256x128xf32, #tpu.memory_space<vmem>>, vector<256x128xf32>
      %dot_general3A_71 = arith.constant dense<0.000000e+00> : vector<64x128xf32>
      %dot_general3A_72 = tpu.matmul %get3A_67, %get3A_70, %dot_general3A_71 {dimension_numbers = #tpu.dot_dimension_numbers<[1], [0], [0], [1], [0, 0, 1, 1], [], []>, transpose_lhs_hint = false} : vector<64x256xf32>, vector<256x128xf32>, vector<64x128xf32> -> vector<64x128xf32>
      %get3A_73 = arith.constant 0 : index
      %get3A_74 = arith.constant 0 : index
      %get3A_75 = vector.load %arg14[%get3A_73, %get3A_74] : memref<64x128xf32, #tpu.memory_space<vmem>>, vector<64x128xf32>
      %max3A_76 = arith.constant 1.000000e+00 : f32
      %max3A_77 = vector.broadcast %max3A_76 : f32 to vector<64x128xf32>
      %max3A_78 = arith.maximumf %get3A_75, %max3A_77 : vector<64x128xf32>
      %div3A = arith.divf %dot_general3A_72, %max3A_78 : vector<64x128xf32>
      %get3A_79 = arith.constant 0 : index
      %get3A_80 = arith.constant 0 : index
      %get3A_81 = vector.load %arg10[%get3A_79, %get3A_80] : memref<1x128xf32, #tpu.memory_space<vmem>>, vector<1x128xf32>
      %add3A_82 = vector.broadcast %get3A_81 : vector<1x128xf32> to vector<64x128xf32>
      %add3A_83 = arith.addf %div3A, %add3A_82 : vector<64x128xf32>
      %swap3A_84 = arith.constant 0 : index
      %swap3A_85 = arith.constant 0 : index
      %swap3A_86 = vector.load %arg12[%swap3A_84, %swap3A_85] : memref<64x128xf32, #tpu.memory_space<vmem>>, vector<64x128xf32>
      tpu.vector_store %arg12[%swap3A_84, %swap3A_85], %add3A_83 {strides = array<i32>} : memref<64x128xf32, #tpu.memory_space<vmem>>, vector<64x128xf32>,
    } else {
    }
    return
  }
  func.func @transform_0(%arg0: i32) -> (i32, i32) {
    %c0_i32 = arith.constant 0 : i32
    %c0_i32_0 = arith.constant 0 : i32
    return %arg0, %c0_i32 : i32, i32
  }
  func.func @transform_1(%arg0: i32) -> (i32, i32) {
    %c0_i32 = arith.constant 0 : i32
    %c0_i32_0 = arith.constant 0 : i32
    return %arg0, %c0_i32 : i32, i32
  }
  func.func @transform_2(%arg0: i32) -> (i32, i32) {
    %add3A = arith.constant 5 : i32
    %add3A_0 = arith.addi %add3A, %arg0 : i32
    %c0_i32 = arith.constant 0 : i32
    %c0_i32_1 = arith.constant 0 : i32
    return %add3A_0, %c0_i32 : i32, i32
  }
  func.func @transform_3(%arg0: i32) -> (i32, i32) {
    %c0_i32 = arith.constant 0 : i32
    %c0_i32_0 = arith.constant 0 : i32
    return %arg0, %c0_i32 : i32, i32
  }
  func.func @transform_4(%arg0: i32) -> (i32, i32) {
    %c0_i32 = arith.constant 0 : i32
    %c0_i32_0 = arith.constant 0 : i32
    %c0_i32_1 = arith.constant 0 : i32
    return %c0_i32, %c0_i32_0 : i32, i32
  }
  func.func @transform_5(%arg0: i32) -> (i32, i32) {
    %c0_i32 = arith.constant 0 : i32
    %c0_i32_0 = arith.constant 0 : i32
    %c0_i32_1 = arith.constant 0 : i32
    return %c0_i32, %c0_i32_0 : i32, i32
  }
  func.func @transform_6(%arg0: i32) -> (i32, i32) {
    %c0_i32 = arith.constant 0 : i32
    %c0_i32_0 = arith.constant 0 : i32
    %c0_i32_1 = arith.constant 0 : i32
    return %c0_i32, %c0_i32_0 : i32, i32
  }
  func.func @transform_7(%arg0: i32) -> (i32, i32) {
    %c0_i32 = arith.constant 0 : i32
    %c0_i32_0 = arith.constant 0 : i32
    %c0_i32_1 = arith.constant 0 : i32
    return %c0_i32, %c0_i32_0 : i32, i32
  }
  func.func @transform_8(%arg0: i32) -> (i32, i32) {
    %c0_i32 = arith.constant 0 : i32
    %c0_i32_0 = arith.constant 0 : i32
    %c0_i32_1 = arith.constant 0 : i32
    return %c0_i32, %c0_i32_0 : i32, i32
  }
  func.func @transform_9(%arg0: i32) -> (i32, i32) {
    %c0_i32 = arith.constant 0 : i32
    %c0_i32_0 = arith.constant 0 : i32
    %c0_i32_1 = arith.constant 0 : i32
    return %c0_i32, %c0_i32_0 : i32, i32
  }
  func.func @transform_10(%arg0: i32) -> (i32, i32) {
    %c0_i32 = arith.constant 0 : i32
    %c0_i32_0 = arith.constant 0 : i32
    return %arg0, %c0_i32 : i32, i32
  }
  func.func @transform_11(%arg0: i32) -> (i32, i32) {
    %c0_i32 = arith.constant 0 : i32
    %c0_i32_0 = arith.constant 0 : i32
    %c0_i32_1 = arith.constant 0 : i32
    return %c0_i32, %c0_i32_0 : i32, i32
  }
}

</mosaic_0001>

<sc_bundles>
// kernel: kernel.10.cloned.1.call-start
scs
__scs_entry_jumppad:
0x0: {  	(pc) =	sbr.rel $0x88, $3  }
0x1: {  	(tag) =	ssettag $0x0;
	lr =	simm.s32 $0x1  }
0x2: {  	[smem:$0x3F8F] =	sst lr;
	_ =	strace $0xD0000000  }
0x3: {  	_ = 	snop  }
0x4: {  	_ = 	snop  }
0x5: {  	_ = 	snop  }
0x6: {  	_ = 	snop  }
0x7: {  	_ = 	snop  }
__scs_overlays_trampoline_lowered:
0x8: {  	[smem:$0x3F9E] =	sst s0  }
0x9: {  	[smem:$0x3F9F] =	sst s1  }
0xa: {  	[smem:$0x3FA0] =	sst s2  }
0xb: {  	[smem:$0x3FA1] =	sst s3  }
0xc: {  	[smem:$0x3FA2] =	sst s4  }
0xd: {  	[smem:$0x3FA3] =	sst s5  }
0xe: {  	[smem:$0x3FA4] =	sst s6  }
0xf: {  	[smem:$0x3FA5] =	sst s7  }
0x10: {  	[smem:$0x3FA6] =	sst s8  }
0x11: {  	[smem:$0x3FA7] =	sst s9;
	s0 =	simm.s32 @!p0 $0x0  }
0x12: {  	s1 =	sld [smem:$0x3F8D];
	s0 =	simm.s32 @p0 $0x1  }
0x13: {  	[smem:$0x3FA8] =	sst s0;
	s0 =	simm.s32 @!p1 $0x0  }
0x14: {  	s2 =	sld [smem:$0x3F8C];
	s0 =	simm.s32 @p1 $0x1  }
0x15: {  	[smem:$0x3FA9] =	sst s0;
	s0 =	simm.s32 @!p2 $0x0  }
0x16: {  	s3 =	sld [smem:$0x3FDB];
	s0 =	simm.s32 @p2 $0x1  }
0x17: {  	s4 =	simm.s32 $0x1BF5;
	[smem:$0x3FAB] =	sst s0  }
0x18: {  	s0 =	sld [smem:$0x3F8E];
	_ =	swait.ge [sflag:s4], $0x0  }
0x19: {  	s7 =	sld [smem:$0x3F8F]  }
0x1a: {  	s8 =	sadd.s32 $0xFFFFE003, lr  }
0x1b: {  	s9 =	sadd.s32 $0xFFFFFEF7, lr;
	s5 =	simm.s32 $0xFFFFFFFF;
	p2 =	slt.u32 s8, $0xFFFFF086  }
0x1c: {  	p1 =	slt.u32 s9, $0xF7A;
	s5 =	simm.s32 @!p2 $0x0  }
0x1d: {  	s5 =	simm.s32 @p1 $0x1;
	p0 =	seq.s32 s7, s2  }
0x1e: {  	s7 =	smul.u32 @!p0 $0xF7A, s2;
	p2 =	seq.s32 @!p0 s5, $0x0  }
0x1f: {  	s9 =	smul.u32 $0xF7A, s1;
	s8 =	simm.s32 @!p0 $0x1BF5;
	p2 =	por !p2, p0  }
0x20: {  	[sflag:s8] =	ssyncset.s32 @!p0 $0xFFFFF086;
	s6 =	sadd.s32 @!p0 s3, s7;
	s7 =	simm.s32 @!p0 $0x108  }
0x21: {  	s3 =	sadd.s32 s3, s9;
	s6 =	sadd.s32 @!p0 $0x88, s6;
	s7 =	simm.s32 @p2 $0x1082  }
0x22: {  	[simem:s7], [sflag:s8] =	dma.local @!p0 [hbm:s6], $0xF7A  }
0x23: {  	s9 =	sor.u32 $0xD0000000, s2;
	s6 =	simm.s32 $0x108;
	_ =	swait.ge @!p0 [sflag:s8], $0x0  }
0x24: {  	s3 =	sadd.s32 $0x88, s3;
	s6 =	simm.s32 @!p1 $0x1082;
	[sflag:s4] =	ssyncset.s32 $0xFFFFF086  }
0x25: {  	[simem:s6], [sflag:s4] =	dma.local [hbm:s3], $0xF7A  }
0x26: {  	[smem:$0x3F8F] =	sst s1;
	(tag) =	ssettag s2;
	_ =	strace s9  }
0x27: {  	s1 =	sld [smem:$0x3F9F]  }
0x28: {  	s2 =	sld [smem:$0x3FA0]  }
0x29: {  	s4 =	sld [smem:$0x3FA2]  }
0x2a: {  	p0 =	seq.s32 s5, $0x0;
	s5 =	sld [smem:$0x3FA3]  }
0x2b: {  	s6 =	sld [smem:$0x3FA4]  }
0x2c: {  	s7 =	sld [smem:$0x3FA5]  }
0x2d: {  	s3 =	simm.s32 $0x108;
	s8 =	sld [smem:$0x3FA6]  }
0x2e: {  	s3 =	simm.s32 @!p0 $0x1082;
	s9 =	sld [smem:$0x3FA7]  }
0x2f: {  	lr =	sadd.s32 s0, s3;
	s0 =	sld [smem:$0x3F9E]  }
0x30: {  	s3 =	sld [smem:$0x3FA1]  }
0x31: {  	[smem:$0x3FAA] =	sst s10  }
0x32: {  	s10 =	sld [smem:$0x3FA8];
	_ =	sdelay $0x3  }
0x33: {  	p0 =	seq.s32 s10, $0x1;
	s10 =	sld [smem:$0x3FAA];
	_ =	sdelay $0x3  }
0x34: {  	[smem:$0x3FAA] =	sst s10  }
0x35: {  	s10 =	sld [smem:$0x3FA9];
	_ =	sdelay $0x3  }
0x36: {  	p1 =	seq.s32 s10, $0x1;
	s10 =	sld [smem:$0x3FAA];
	_ =	sdelay $0x3  }
0x37: {  	[smem:$0x3FAA] =	sst s10  }
0x38: {  	s10 =	sld [smem:$0x3FAB]  }
0x39: {  	_ = 	snop;
	(pc) =	sbr.ind lr, $3  }
0x3a: {  	_ = 	snop  }
0x3b: {  	_ = 	snop  }
0x3c: {  	p2 =	seq.s32 s10, $0x1;
	s10 =	sld [smem:$0x3FAA]  }
0x3d: {  	_ =	shalt  }
0x3e: {  	_ =	shalt  }
0x3f: {  	_ =	shalt  }
0x40: {  	_ =	shalt  }
0x41: {  	_ =	shalt  }
0x42: {  	_ =	shalt  }
0x43: {  	_ =	shalt  }
0x44: {  	_ =	shalt  }
0x45: {  	_ =	shalt  }
0x46: {  	_ =	shalt  }
0x47: {  	_ =	shalt  }
0x48: {  	_ =	shalt  }
0x49: {  	_ =	shalt  }
0x4a: {  	_ =	shalt  }
0x4b: {  	_ =	shalt  }
0x4c: {  	_ =	shalt  }
0x4d: {  	_ =	shalt  }
0x4e: {  	_ =	shalt  }
0x4f: {  	_ =	shalt  }
0x50: {  	_ =	shalt  }
0x51: {  	_ =	shalt  }
0x52: {  	_ =	shalt  }
0x53: {  	_ =	shalt  }
0x54: {  	_ =	shalt  }
0x55: {  	_ =	shalt  }
0x56: {  	_ =	shalt  }
0x57: {  	_ =	shalt  }
0x58: {  	_ =	shalt  }
0x59: {  	_ =	shalt  }
0x5a: {  	_ =	shalt  }
0x5b: {  	_ =	shalt  }
0x5c: {  	_ =	shalt  }
0x5d: {  	_ =	shalt  }
0x5e: {  	_ =	shalt  }
0x5f: {  	_ =	shalt  }
0x60: {  	_ =	shalt  }
0x61: {  	_ =	shalt  }
0x62: {  	_ =	shalt  }
0x63: {  	_ =	shalt  }
0x64: {  	_ =	shalt  }
0x65: {  	_ =	shalt  }
0x66: {  	_ =	shalt  }
0x67: {  	_ =	shalt  }
0x68: {  	_ =	shalt  }
0x69: {  	_ =	shalt  }
0x6a: {  	_ =	shalt  }
0x6b: {  	_ =	shalt  }
0x6c: {  	_ =	shalt  }
0x6d: {  	_ =	shalt  }
0x6e: {  	_ =	shalt  }
0x6f: {  	_ =	shalt  }
0x70: {  	_ =	shalt  }
0x71: {  	_ =	shalt  }
0x72: {  	_ =	shalt  }
0x73: {  	_ =	shalt  }
0x74: {  	_ =	shalt  }
0x75: {  	_ =	shalt  }
0x76: {  	_ =	shalt  }
0x77: {  	_ =	shalt  }
0x78: {  	_ =	shalt  }
0x79: {  	_ =	shalt  }
0x7a: {  	_ =	shalt  }
0x7b: {  	_ =	shalt  }
0x7c: {  	_ =	shalt  }
0x7d: {  	_ =	shalt  }
0x7e: {  	_ =	shalt  }
0x7f: {  	_ =	shalt  }
0x80: {  	_ =	shalt  }
0x81: {  	_ =	shalt  }
0x82: {  	_ =	shalt  }
0x83: {  	_ =	shalt  }
0x84: {  	_ =	shalt  }
0x85: {  	_ =	shalt  }
0x86: {  	_ =	shalt  }
0x87: {  	_ =	shalt  }
.Lfunc_end0:
.L_simem_size_0:
called_computation.1_lowered:
.L_overlay_start_0:
0x88: {  	s2 =	sld [smem:$0x3FD9]  }
0x89: {  	s3 =	sld [smem:$0x3FFE];
	_ =	sdelay $0x1  }
0x8a: {  	s1 =	srdreg.scid  }
0x8b: {  	s0 =	sand.u32 $0x1, s1  }
0x8c: {  	s16 =	sshll.u32 s0, $0xA;
	s2 =	sadd.s32 s3, s2  }
0x8d: {  	s2 =	sadd.s32 s2, s16  }
0x8e: {  	[smem:$0x3FB6] =	sst s2  }
0x8f: {  	_ = 	snop  }
0x90: {  	(tm) =	ssettm $0x1  }
0x91: {  	s17 =	sld [smem:$0x3FFB];
	_ =	sdelay $0x3  }
0x92: {  	_ =	strace s17  }
0x93: {  	s2 =	sld [smem:$0x3FFC];
	_ =	sdelay $0x3  }
0x94: {  	_ =	strace s2  }
0x95: {  	s2 =	sld [smem:$0x3FFD];
	_ =	sdelay $0x3  }
0x96: {  	_ =	strace s2  }
0x97: {  	_ =	strace $0x8FFFFFFF  }
0x98: {  	s18 =	sld [smem:$0x3FDB];
	_ =	sdelay $0x1  }
0x99: {  	s19 =	simm.s32 $_scs_section_size  }
0x9a: {  	s4 =	simm.s32 $_size__tile_overlayer_lowered;
	s5 =	simm.s32 $_tile_overlayer_lowered  }
0x9b: {  	s22 =	simm.s32 $0x1BFF;
	s21 =	sshll.u32 s5, $0x1;
	s2 =	sadd.s32 s19, s18  }
0x9c: {  	s6 =	simm.s32 $0x0;
	s20 =	sshll.u32 s4, $0x1;
	s4 =	sadd.s32 s21, s2  }
0x9d: {  	[timem:s6], [sflag:s22] =	dma.local [hbm:s4], s20  }
0x9e: {  	_ =	swait.ge [sflag:s22], s20  }
0x9f: {  	s3 =	ssub.s32 $0x0, s20;
	[sflag:s22] =	ssyncset.done $0x0  }
0xa0: {  	[sflag:s22] =	ssyncadd.s32 s3;
	_ =	sdelay $0x1  }
0xa1: {  	s23 =	simm.s32 $0x1B8B  }
0xa2: {  	_ =	swait.ge [sflag:s23], $0x1  }
0xa3: {  	[sflag:s23] =	ssyncset.done $0x0  }
0xa4: {  	s25 =	simm.s32 $0x1B8E;
	s24 =	sld [smem:$0x3FFE];
	[sflag:s23] =	ssyncadd.s32 $0xFFFFFFFF  }
0xa5: {  	s26 =	simm.s32 $execute0_lowered;
	[smem:$0x3FD2] =	sst s25  }
0xa6: {  	s4 =	sshll.u32 s26, $0x1;
	_ =	strace $0x80000049;
	[dreg:$0x1] =	wrdreg $0xFFFFFFFF  }
0xa7: {  	s28 =	simm.s32 $_size_execute0_lowered;
	s2 =	sadd.s32 s2, s4;
	[dreg:$0x0] =	wrdreg $0x0  }
0xa8: {  	s4 =	sshll.u32 s28, $0x1;
	[dreg:$0x2] =	wrdreg s2  }
0xa9: {  	[dreg:$0x3] =	wrdreg s4  }
0xaa: {  	[dreg:$0x4] =	wrdreg $0xC0  }
0xab: {  	_ =	task [dreg:s6], $0x5FFFF  }
0xac: {  	[dreg:$0x1] =	wrdreg $0xFFFFFFFF  }
0xad: {  	[dreg:$0x0] =	wrdreg $0x60  }
0xae: {  	[dreg:$0x2] =	wrdreg s24  }
0xaf: {  	[dreg:$0x3] =	wrdreg $0x0  }
0xb0: {  	[dreg:$0x4] =	wrdreg $0x9  }
0xb1: {  	_ =	task.clear_ibuf [dreg:s6], $0x5FFFF;
	_ =	strace $0x90000049  }
0xb2: {  	s29 =	simm.s32 $0x9;
	_ =	strace $0x8000004B  }
0xb3: {  	_ =	swait.ge [sflag:s29], $0x1  }
0xb4: {  	[sflag:s29] =	ssyncadd.s32 $0xFFFFFFFF  }
0xb5: {  	_ =	strace $0x9000004B  }
0xb6: {  	_ =	sfence  }
0xb7: {  	s30 =	sld [smem:$0x0];
	_ =	sdelay $0x2  }
0xb8: {  	s31 =	sshll.u32 s1, $0xD;
	s1 =	sshrl.u32 s1, $0x2  }
0xb9: {  	s3 =	sand.u32 $0x4000, s31;
	s1 =	sadd.s32 s1, s30  }
0xba: {  	s0 =	sor.u32 s3, s0;
	s1 =	sshll.u32 s1, $0x11  }
0xbb: {  	s0 =	sor.u32 s1, s0  }
0xbc: {  	s0 =	sadd.s32 $0x8F2B, s0  }
0xbd: {  	[sflag:s0] =	ssyncadd.remote.s32 $0x1  }
0xbe: {  	_ =	sfence.sel $0xFFFF  }
0xbf: {  	[dreg:$0x0] =	wrdreg $0xFFFFFFFF;
	(pc) =	sbr.abs _section_cstart, $3  }
0xc0: {  	[dreg:$0x1] =	wrdreg $0xFFFFFFFF  }
0xc1: {  	_ =	task.clear_ibuf [dreg:s6], $0x2FFFF;
	_ =	strace $0x9FFFFFFF  }
0xc2: {  	(tm) =	ssettm $0x7FFFFFFF  }
0xc3: {  	_ =	shalt  }
tec
execute0_lowered:
.L_overlay_start_1:
0x0: {  	(tag) =	ssettag $0x1  }
0x1: {  	s9 =	rddreg [dreg:$0x0]  }
0x2: {  	s1 =	rddreg [dreg:$0x1]  }
0x3: {  	s2 =	simm.s32 $0x0;
	s0 =	srdreg.scid;
	s3 =	stileid.u32  }
0x4: {  	s30 =	simm.s32 $0x40;
	s29 =	simm.s32 $0x8;
	s28 =	simm.s32 $0x9  }
0x5: {  	s31 =	simm.s32 $0x6;
	[smem:$0x7FF] =	sst s2;
	s4 =	sadd.s32 $0x75FC00, s9  }
0x6: {  	s0 =	sand.u32 $0x1, s0;
	s6 =	sadd.s32 $0x273C00, s9;
	s7 =	smul.u32 $0x2710, s3  }
0x7: {  	s5 =	sadd.s32 $0x2C00, s9;
	s8 =	sadd.s32 $0x278C00, s9;
	s21 =	smul.u32 $0x5000, s3  }
0x8: {  	s22 =	smul.u32 $0x280, s3;
	p0 =	sgt.u32 s3, $0x9;
	s12 =	ssub.s32 $0x2, s0  }
0x9: {  	_ =	strace $0x8000004A;
	s10 =	smul.u32 $0x27100, s0;
	s13 =	sshrl.u32 s12, $0x1  }
0xa: {  	s14 =	sshrl.u32 s7, $0x3;
	s19 =	sadd.s32 $0x2700, s7;
	s25 =	sshrl.u32 s21, $0x2  }
0xb: {  	s21 =	simm.s32 $0x5;
	s11 =	sadd.s32 s10, s9;
	s9 =	sadd.s32 s7, s10  }
0xc: {  	s12 =	ssub.s32 s12, s13;
	s15 =	sadd.s32 s6, s14;
	s18 =	sadd.s32 $0x8, s14  }
0xd: {  	s10 =	sadd.s32 s10, s19;
	[dreg:$0x3] =	wrdreg s15;
	s16 =	sshll.u32 s9, $0x4  }
0xe: {  	s15 =	sadd.s32 s8, s14;
	s14 =	sadd.s32 s6, s18;
	s13 =	sadd.s32 s8, s18  }
0xf: {  	s10 =	sshll.u32 s10, $0x4;
	s24 =	smax.u32 s12, $0x1;
	[dreg:$0x4] =	wrdreg s15  }
0x10: {  	s11 =	sadd.s32 s22, s11;
	s22 =	simm.s32 $0x2;
	[dreg:$0x6] =	wrdreg s14  }
0x11: {  	s12 =	simm.s32 $0xB;
	s17 =	sadd.s32 s4, s16;
	[dreg:$0x7] =	wrdreg s13  }
0x12: {  	s13 =	sshrl.u32 s19, $0x3;
	s10 =	sadd.s32 s4, s10;
	[dreg:$0xc] =	wrdreg s24  }
0x13: {  	s26 =	sadd.s32 $0x50E00, s11;
	s24 =	simm.s32 $0x13A80;
	[dreg:$0x5] =	wrdreg s17  }
0x14: {  	s11 =	simm.s32 $0xA;
	s14 =	simm.s32 $0x4;
	[dreg:$0xa] =	wrdreg s10  }
0x15: {  	s15 =	simm.s32 $0xE;
	s20 =	sadd.s32 $0x400, s17;
	[dreg:$0xe] =	wrdreg s26  }
0x16: {  	s16 =	sadd.s32 s6, s13;
	s23 =	sadd.s32 s8, s13;
	[dreg:$0x8] =	wrdreg s20  }
0x17: {  	s10 =	sadd.s32 s25, s1;
	s13 =	simm.s32 $0x7;
	[dreg:$0x9] =	wrdreg s16  }
0x18: {  	s17 =	simm.s32 $0x3;
	s25 =	simm.s32 $0xC;
	[dreg:$0xb] =	wrdreg s23  }
0x19: {  	v1 =	vimm.f32 $0.0e+00;
	v0 =	vmov s0;
	[dreg:$0xd] =	wrdreg s10;
	s20 =	simm.s32 $0xD;
	s16 =	simm.s32 $0x0  }
.LBB2_1:
0x1a: {  	[dreg:$0xf] =	wrdreg s16;
	s0 =	simm.s32 $0x0;
	s16 =	simm.s32 $0x200  }
.LBB2_2:
0x1b: {  	p1 =	sne.s32 s16, $0x7E00;
	[tilespmem:s0+$0x19D70] =	vst v1  }
0x1c: {  	[tilespmem:s0+$0x19D00] =	vst v1  }
0x1d: {  	[tilespmem:s0+$0x19D10] =	vst v1  }
.Ltmp0:
0x1e: {  	[tilespmem:s0+$0x19D20] =	vst v1;
	(pc) =	sbr.rel @p1 .LBB2_2-.Ltmp0, $4  }
0x1f: {  	[tilespmem:s0+$0x19D30] =	vst v1  }
0x20: {  	[tilespmem:s0+$0x19D40] =	vst v1  }
0x21: {  	[tilespmem:s0+$0x19D50] =	vst v1  }
0x22: {  	[tilespmem:s0+$0x19D60] =	vst v1;
	s0 =	sshra.s32 s16, $0x2;
	s16 =	sadd.s32 $0x200, s16  }
0x23: {  	[tilespmem:s0+$0x19D70] =	vst v1  }
0x24: {  	[tilespmem:s0+$0x19D00] =	vst v1  }
0x25: {  	[tilespmem:s0+$0x19D10] =	vst v1  }
0x26: {  	[tilespmem:s0+$0x19D20] =	vst v1  }
0x27: {  	[tilespmem:s0+$0x19D30] =	vst v1  }
0x28: {  	[tilespmem:s0+$0x19D40] =	vst v1;
	s10 =	sadd.s32 $0x0, s3  }
0x29: {  	[tilespmem:s0+$0x19D50] =	vst v1;
	p1 =	sgt.u32 s10, $0xF9  }
0x2a: {  	[tilespmem:s0+$0x19D60] =	vst v1;
	s10 =	rddreg [dreg:$0xd];
	s0 =	simm.s32 @!p1 $0x19D00;
	s23 =	simm.s32 @!p1 $0x11  }
0x2b: {  	[spmem:s10] =	stream.linear.scatter @!p1 [tilespmem:s0], [sflag:$0x11], $0x1400, $0x38;
	[tilespmem:$0x1FE00] =	vst v63  }
0x2c: {  	s16 =	simm.s32 $0x10;
	_ =	swait.ge @!p1 [sflag:s23], $0x1400  }
0x2d: {  	s18 =	simm.s32 $0x20;
	s0 =	sadd.s32 $0x14000, s10;
	[sflag:s23] =	ssyncset.done @!p1 $0x0  }
.LBB2_4:
0x2e: {  	s10 =	sadd.s32 s16, s3;
	s16 =	smov.u32 s18;
	s18 =	sadd.s32 $0x10, s18  }
0x2f: {  	[sflag:s23] =	ssyncadd.s32 @!p1 $0xFFFFEC00;
	p2 =	sne.s32 s18, $0x100  }
.Ltmp1:
0x30: {  	p1 =	sgt.u32 s10, $0xF9;
	(pc) =	sbr.rel @p2 .LBB2_4-.Ltmp1, $4  }
0x31: {  	s10 =	simm.s32 @!p1 $0x19D00;
	s23 =	simm.s32 @!p1 $0x11  }
0x32: {  	[spmem:s0] =	stream.linear.scatter @!p1 [tilespmem:s10], [sflag:$0x11], $0x1400, $0x38;
	[tilespmem:$0x1FE00] =	vst v63  }
0x33: {  	_ =	swait.ge @!p1 [sflag:s23], $0x1400  }
0x34: {  	s0 =	sadd.s32 $0x14000, s0;
	[sflag:s23] =	ssyncset.done @!p1 $0x0  }
0x35: {  	s10 =	sadd.s32 s16, s3  }
0x36: {  	p2 =	sgt.u32 s10, $0xF9  }
0x37: {  	[sflag:s23] =	ssyncadd.s32 @!p1 $0xFFFFEC00;
	s10 =	simm.s32 @!p2 $0x19D00;
	s16 =	simm.s32 @!p2 $0x11  }
0x38: {  	[spmem:s0] =	stream.linear.scatter @!p2 [tilespmem:s10], [sflag:$0x11], $0x1400, $0x38;
	[tilespmem:$0x1FE00] =	vst v63  }
0x39: {  	_ =	swait.ge @!p2 [sflag:s16], $0x1400  }
0x3a: {  	[sflag:s16] =	ssyncset.done @!p2 $0x0  }
0x3b: {  	[sflag:s16] =	ssyncadd.s32 @!p2 $0xFFFFEC00  }
0x3c: {  	[bflag:$0x0] =	sbarrier.arrive $0xFFFF  }
0x3d: {  	s18 =	simm.s32 $0x0;
	s19 =	simm.s32 $0x13880;
	s16 =	rddreg [dreg:$0x3]  }
0x3e: {  	[tilespmem:s19], [sflag:$0x1] =	stream.linear.gather [hbm4b:s16+s18], $0x40, $0x38;
	[tilespmem:$0x1FE00] =	vst v63  }
0x3f: {  	s26 =	simm.s32 $0x13A00;
	s23 =	rddreg [dreg:$0x4]  }
0x40: {  	[tilespmem:s26], [sflag:$0x4] =	stream.linear.gather [hbm4b:s23+s18], $0x40, $0x38;
	[tilespmem:$0x1FE00] =	vst v63  }
0x41: {  	s10 =	rddreg [dreg:$0x5];
	s16 =	simm.s32 $0x13D00  }
0x42: {  	[tilespmem:s16], [sflag:$0x7] =	stream.linear.gather [hbm4b:s10+s18], $0x2000, $0x38;
	[tilespmem:$0x1FE00] =	vst v63  }
0x43: {  	s19 =	rddreg [dreg:$0x6];
	s23 =	simm.s32 $0x13900  }
0x44: {  	[tilespmem:s23], [sflag:$0x2] =	stream.linear.gather [hbm4b:s19+s18], $0x40, $0x38;
	[tilespmem:$0x1FE00] =	vst v63  }
0x45: {  	s26 =	rddreg [dreg:$0x7]  }
0x46: {  	[tilespmem:s24], [sflag:$0x5] =	stream.linear.gather [hbm4b:s26+s18], $0x40, $0x38;
	[tilespmem:$0x1FE00] =	vst v63  }
0x47: {  	s10 =	rddreg [dreg:$0x8];
	s16 =	simm.s32 $0x15D00;
	s19 =	simm.s32 $0x1  }
0x48: {  	[tilespmem:s16], [sflag:$0x8] =	stream.linear.gather [hbm4b:s10+s18], $0x2000, $0x38;
	[tilespmem:$0x1FE00] =	vst v63  }
0x49: {  	_ =	swait.ge [sflag:s19], $0x40  }
0x4a: {  	[sflag:s19] =	ssyncset.done $0x0  }
0x4b: {  	[sflag:s19] =	ssyncadd.s32 $0xFFFFFFC0  }
0x4c: {  	v2 =	vld [tilespmem:$0x13880]  }
0x4d: {  	v3 =	vld [tilespmem:$0x13890]  }
0x4e: {  	v4 =	vld [tilespmem:$0x138A0]  }
0x4f: {  	v5 =	vld [tilespmem:$0x138B0];
	_ =	sdelay $0x1  }
0x50: {  	v2 =	vshll.u32 v2, $0x1  }
0x51: {  	v3 =	vshll.u32 v3, $0x1;
	v2 =	vor.u32 v0, v2  }
0x52: {  	[tilespmem:$0x13B80] =	vst v2;
	v2 =	vor.u32 v0, v3;
	v3 =	vshll.u32 v4, $0x1  }
0x53: {  	[tilespmem:$0x13B90] =	vst v2;
	v2 =	vor.u32 v0, v3;
	v3 =	vshll.u32 v5, $0x1  }
0x54: {  	[tilespmem:$0x13BA0] =	vst v2;
	v2 =	vor.u32 v0, v3  }
0x55: {  	s23 =	simm.s32 $0x13B80;
	s26 =	simm.s32 $0x19D00;
	[tilespmem:$0x13BB0] =	vst v2  }
0x56: {  	[tilespmem:s26], [sflag:$0xA] =	stream.indirect.gather [hbm4b:s5+s30], $0x80, s23, s30, $0xb8;
	[tilespmem:$0x1FE00] =	vst v63  }
.LBB2_6:
0x57: {  	_ =	swait.ge [sflag:s22], $0x40  }
0x58: {  	[sflag:s22] =	ssyncset.done $0x0  }
0x59: {  	[sflag:s22] =	ssyncadd.s32 $0xFFFFFFC0  }
0x5a: {  	v2 =	vld [tilespmem:$0x13900]  }
0x5b: {  	v3 =	vld [tilespmem:$0x13910]  }
0x5c: {  	v4 =	vld [tilespmem:$0x13920]  }
0x5d: {  	v5 =	vld [tilespmem:$0x13930];
	_ =	sdelay $0x1  }
0x5e: {  	v2 =	vshll.u32 v2, $0x1  }
0x5f: {  	v3 =	vshll.u32 v3, $0x1;
	v2 =	vor.u32 v0, v2  }
0x60: {  	[tilespmem:$0x13C00] =	vst v2;
	v2 =	vor.u32 v0, v3;
	v3 =	vshll.u32 v4, $0x1  }
0x61: {  	[tilespmem:$0x13C10] =	vst v2;
	v2 =	vor.u32 v0, v3;
	v3 =	vshll.u32 v5, $0x1  }
0x62: {  	[tilespmem:$0x13C20] =	vst v2;
	v2 =	vor.u32 v0, v3  }
0x63: {  	s0 =	simm.s32 $0x13C00;
	s10 =	simm.s32 $0x1BD00;
	[tilespmem:$0x13C30] =	vst v2  }
0x64: {  	[tilespmem:s10], [sflag:$0xB] =	stream.indirect.gather [hbm4b:s5+s30], $0x80, s0, s30, $0xb8;
	[tilespmem:$0x1FE00] =	vst v63  }
0x65: {  	_ =	swait.ge [sflag:s11], $0x2000  }
0x66: {  	[sflag:s11] =	ssyncset.done $0x0  }
0x67: {  	[sflag:s11] =	ssyncadd.s32 $0xFFFFE000  }
0x68: {  	_ =	swait.ge [sflag:s13], $0x2000  }
0x69: {  	[sflag:s13] =	ssyncset.done $0x0  }
0x6a: {  	s23 =	simm.s32 $0x0;
	[sflag:s13] =	ssyncadd.s32 $0xFFFFE000  }
0x6b: {  	v8 =	vld [tilespmem:s23+$0x13D00]  }
0x6c: {  	v13 =	vld [tilespmem:s23+$0x13D10]  }
0x6d: {  	v7 =	vld [tilespmem:s23+$0x13D20]  }
0x6e: {  	v6 =	vld [tilespmem:s23+$0x13D30]  }
0x6f: {  	v5 =	vld [tilespmem:s23+$0x13D40]  }
0x70: {  	v4 =	vld [tilespmem:s23+$0x13D50]  }
0x71: {  	v3 =	vld [tilespmem:s23+$0x13D60]  }
0x72: {  	v2 =	vld [tilespmem:s23+$0x13D70]  }
0x73: {  	v14 =	vld [tilespmem:s23+$0x19D00]  }
0x74: {  	v15 =	vld [tilespmem:s23+$0x19D10]  }
0x75: {  	v12 =	vld [tilespmem:s23+$0x19D20]  }
0x76: {  	v11 =	vld [tilespmem:s23+$0x19D30]  }
0x77: {  	v10 =	vld [tilespmem:s23+$0x19D40]  }
0x78: {  	v9 =	vld [tilespmem:s23+$0x19D50];
	v14 =	vadd.f32 v8, v14  }
0x79: {  	s0 =	simm.s32 $0x200;
	v13 =	vadd.f32 v13, v15;
	v8 =	vld [tilespmem:s23+$0x19D60]  }
.LBB2_7:
0x7a: {  	s10 =	sshra.s32 s0, $0x2;
	p1 =	sne.s32 s0, $0x7E00;
	v14 =	vmax.f32 v14, $0.0e+00;
	v7 =	vadd.f32 v7, v12;
	v12 =	vld [tilespmem:s23+$0x19D70]  }
0x7b: {  	v15 =	vld [tilespmem:s10+$0x13D00];
	[tilespmem:s23+$0x19D00] =	vst v14;
	v13 =	vmax.f32 v13, $0.0e+00;
	v6 =	vadd.f32 v6, v11  }
0x7c: {  	v16 =	vld [tilespmem:s10+$0x13D10];
	[tilespmem:s23+$0x19D10] =	vst v13;
	v11 =	vmax.f32 v7, $0.0e+00;
	v5 =	vadd.f32 v5, v10  }
0x7d: {  	v7 =	vld [tilespmem:s10+$0x13D20];
	[tilespmem:s23+$0x19D20] =	vst v11;
	v10 =	vmax.f32 v6, $0.0e+00;
	v4 =	vadd.f32 v4, v9  }
0x7e: {  	v6 =	vld [tilespmem:s10+$0x13D30];
	[tilespmem:s23+$0x19D30] =	vst v10;
	v9 =	vmax.f32 v5, $0.0e+00;
	v3 =	vadd.f32 v3, v8  }
0x7f: {  	v5 =	vld [tilespmem:s10+$0x13D40];
	[tilespmem:s23+$0x19D40] =	vst v9;
	v8 =	vmax.f32 v4, $0.0e+00;
	v2 =	vadd.f32 v2, v12  }
0x80: {  	v4 =	vld [tilespmem:s10+$0x13D50];
	[tilespmem:s23+$0x19D50] =	vst v8;
	v8 =	vmax.f32 v3, $0.0e+00  }
0x81: {  	v3 =	vld [tilespmem:s10+$0x13D60];
	[tilespmem:s23+$0x19D60] =	vst v8;
	v8 =	vmax.f32 v2, $0.0e+00  }
0x82: {  	v2 =	vld [tilespmem:s10+$0x13D70];
	[tilespmem:s23+$0x19D70] =	vst v8;
	s23 =	smov.u32 s10  }
0x83: {  	v8 =	vld [tilespmem:s23+$0x19D00]  }
0x84: {  	v13 =	vld [tilespmem:s23+$0x19D10]  }
.Ltmp2:
0x85: {  	v12 =	vld [tilespmem:s23+$0x19D20];
	(pc) =	sbr.rel @p1 .LBB2_7-.Ltmp2, $4  }
0x86: {  	v11 =	vld [tilespmem:s23+$0x19D30]  }
0x87: {  	v10 =	vld [tilespmem:s23+$0x19D40]  }
0x88: {  	v14 =	vadd.f32 v15, v8;
	v9 =	vld [tilespmem:s23+$0x19D50]  }
0x89: {  	s0 =	sadd.s32 $0x200, s0;
	v13 =	vadd.f32 v16, v13;
	v8 =	vld [tilespmem:s23+$0x19D60]  }
0x8a: {  	v14 =	vmax.f32 v14, $0.0e+00;
	v7 =	vadd.f32 v7, v12;
	v12 =	vld [tilespmem:s23+$0x19D70]  }
0x8b: {  	[tilespmem:s23+$0x19D00] =	vst v14;
	v13 =	vmax.f32 v13, $0.0e+00;
	v6 =	vadd.f32 v6, v11  }
0x8c: {  	[tilespmem:s23+$0x19D10] =	vst v13;
	v7 =	vmax.f32 v7, $0.0e+00;
	v5 =	vadd.f32 v5, v10  }
0x8d: {  	[tilespmem:s23+$0x19D20] =	vst v7;
	v6 =	vmax.f32 v6, $0.0e+00;
	v4 =	vadd.f32 v4, v9  }
0x8e: {  	[tilespmem:s23+$0x19D30] =	vst v6;
	v5 =	vmax.f32 v5, $0.0e+00;
	v3 =	vadd.f32 v3, v8  }
0x8f: {  	[tilespmem:s23+$0x19D40] =	vst v5;
	v4 =	vmax.f32 v4, $0.0e+00;
	v2 =	vadd.f32 v2, v12  }
0x90: {  	[tilespmem:s23+$0x19D50] =	vst v4;
	v3 =	vmax.f32 v3, $0.0e+00  }
0x91: {  	[tilespmem:s23+$0x19D60] =	vst v3;
	v2 =	vmax.f32 v2, $0.0e+00  }
0x92: {  	[tilespmem:s23+$0x19D70] =	vst v2  }
0x93: {  	_ =	swait.ge [sflag:s14], $0x40  }
0x94: {  	s0 =	simm.s32 $0x13A00;
	s10 =	simm.s32 $0x19D00;
	[sflag:s14] =	ssyncset.done $0x0  }
0x95: {  	p1 =	seq.s32 s18, $0x0;
	s23 =	smul.u32 $0xC0, s18;
	[sflag:s14] =	ssyncadd.s32 $0xFFFFFFC0  }
0x96: {  	[spmem:s1] =	stream.indirect.scatter.add.f32 [tilespmem:s10], [sflag:$0xD], $0x80, s0, s30, $0xb8;
	[tilespmem:$0x1FE00] =	vst v63  }
0x97: {  	s0 =	simm.s32 @!p1 $0xF;
	s10 =	sadd.s32 $0x80, s23  }
0x98: {  	s26 =	simm.s32 $0x0;
	_ =	swait.ge @!p1 [sflag:s0], $0x2000;
	s16 =	sadd.s32 s7, s10  }
0x99: {  	s19 =	simm.s32 $0x13980;
	[sflag:s0] =	ssyncset.done @!p1 $0x0;
	s16 =	sshrl.u32 s16, $0x3  }
0x9a: {  	s10 =	sadd.s32 s9, s10;
	[sflag:s0] =	ssyncadd.s32 @!p1 $0xFFFFE000;
	s0 =	sadd.s32 s6, s16  }
0x9b: {  	[tilespmem:s19], [sflag:$0x3] =	stream.linear.gather [hbm4b:s0+s26], $0x40, $0x38;
	[tilespmem:$0x1FE00] =	vst v63  }
0x9c: {  	s16 =	sadd.s32 s8, s16;
	s19 =	simm.s32 $0x13B00;
	s0 =	sshll.u32 s10, $0x4  }
0x9d: {  	[tilespmem:s19], [sflag:$0x6] =	stream.linear.gather [hbm4b:s16+s26], $0x40, $0x38;
	[tilespmem:$0x1FE00] =	vst v63  }
0x9e: {  	s0 =	sadd.s32 s4, s0;
	s16 =	simm.s32 $0x17D00  }
0x9f: {  	[tilespmem:s16], [sflag:$0x9] =	stream.linear.gather [hbm4b:s0+s26], $0x2000, $0x38;
	[tilespmem:$0x1FE00] =	vst v63  }
0xa0: {  	_ =	swait.ge [sflag:s17], $0x40  }
0xa1: {  	[sflag:s17] =	ssyncset.done $0x0  }
0xa2: {  	[sflag:s17] =	ssyncadd.s32 $0xFFFFFFC0  }
0xa3: {  	v2 =	vld [tilespmem:$0x13980]  }
0xa4: {  	v3 =	vld [tilespmem:$0x13990]  }
0xa5: {  	v4 =	vld [tilespmem:$0x139A0]  }
0xa6: {  	v5 =	vld [tilespmem:$0x139B0];
	_ =	sdelay $0x1  }
0xa7: {  	v2 =	vshll.u32 v2, $0x1  }
0xa8: {  	v3 =	vshll.u32 v3, $0x1;
	v2 =	vor.u32 v0, v2  }
0xa9: {  	[tilespmem:$0x13C80] =	vst v2;
	v2 =	vor.u32 v0, v3;
	v3 =	vshll.u32 v4, $0x1  }
0xaa: {  	[tilespmem:$0x13C90] =	vst v2;
	v2 =	vor.u32 v0, v3;
	v3 =	vshll.u32 v5, $0x1  }
0xab: {  	[tilespmem:$0x13CA0] =	vst v2;
	v2 =	vor.u32 v0, v3  }
0xac: {  	s16 =	simm.s32 $0x13C80;
	s26 =	simm.s32 $0x1DD00;
	[tilespmem:$0x13CB0] =	vst v2  }
0xad: {  	[tilespmem:s26], [sflag:$0xC] =	stream.indirect.gather [hbm4b:s5+s30], $0x80, s16, s30, $0xb8;
	[tilespmem:$0x1FE00] =	vst v63  }
0xae: {  	_ =	swait.ge [sflag:s12], $0x2000  }
0xaf: {  	[sflag:s12] =	ssyncset.done $0x0  }
0xb0: {  	[sflag:s12] =	ssyncadd.s32 $0xFFFFE000  }
0xb1: {  	_ =	swait.ge [sflag:s29], $0x2000  }
0xb2: {  	[sflag:s29] =	ssyncset.done $0x0  }
0xb3: {  	s0 =	simm.s32 $0x0;
	[sflag:s29] =	ssyncadd.s32 $0xFFFFE000  }
0xb4: {  	v8 =	vld [tilespmem:s0+$0x15D00]  }
0xb5: {  	v13 =	vld [tilespmem:s0+$0x15D10]  }
0xb6: {  	v7 =	vld [tilespmem:s0+$0x15D20]  }
0xb7: {  	v6 =	vld [tilespmem:s0+$0x15D30]  }
0xb8: {  	v5 =	vld [tilespmem:s0+$0x15D40]  }
0xb9: {  	v4 =	vld [tilespmem:s0+$0x15D50]  }
0xba: {  	v3 =	vld [tilespmem:s0+$0x15D60]  }
0xbb: {  	v2 =	vld [tilespmem:s0+$0x15D70]  }
0xbc: {  	v14 =	vld [tilespmem:s0+$0x1BD00]  }
0xbd: {  	v15 =	vld [tilespmem:s0+$0x1BD10]  }
0xbe: {  	v12 =	vld [tilespmem:s0+$0x1BD20]  }
0xbf: {  	v11 =	vld [tilespmem:s0+$0x1BD30]  }
0xc0: {  	v10 =	vld [tilespmem:s0+$0x1BD40]  }
0xc1: {  	v9 =	vld [tilespmem:s0+$0x1BD50];
	v14 =	vadd.f32 v8, v14  }
0xc2: {  	s16 =	simm.s32 $0x200;
	v13 =	vadd.f32 v13, v15;
	v8 =	vld [tilespmem:s0+$0x1BD60]  }
.LBB2_9:
0xc3: {  	s10 =	sshra.s32 s16, $0x2;
	p1 =	sne.s32 s16, $0x7E00;
	v14 =	vmax.f32 v14, $0.0e+00;
	v7 =	vadd.f32 v7, v12;
	v12 =	vld [tilespmem:s0+$0x1BD70]  }
0xc4: {  	v15 =	vld [tilespmem:s10+$0x15D00];
	[tilespmem:s0+$0x1BD00] =	vst v14;
	v13 =	vmax.f32 v13, $0.0e+00;
	v6 =	vadd.f32 v6, v11  }
0xc5: {  	v16 =	vld [tilespmem:s10+$0x15D10];
	[tilespmem:s0+$0x1BD10] =	vst v13;
	v11 =	vmax.f32 v7, $0.0e+00;
	v5 =	vadd.f32 v5, v10  }
0xc6: {  	v7 =	vld [tilespmem:s10+$0x15D20];
	[tilespmem:s0+$0x1BD20] =	vst v11;
	v10 =	vmax.f32 v6, $0.0e+00;
	v4 =	vadd.f32 v4, v9  }
0xc7: {  	v6 =	vld [tilespmem:s10+$0x15D30];
	[tilespmem:s0+$0x1BD30] =	vst v10;
	v9 =	vmax.f32 v5, $0.0e+00;
	v3 =	vadd.f32 v3, v8  }
0xc8: {  	v5 =	vld [tilespmem:s10+$0x15D40];
	[tilespmem:s0+$0x1BD40] =	vst v9;
	v8 =	vmax.f32 v4, $0.0e+00;
	v2 =	vadd.f32 v2, v12  }
0xc9: {  	v4 =	vld [tilespmem:s10+$0x15D50];
	[tilespmem:s0+$0x1BD50] =	vst v8;
	v8 =	vmax.f32 v3, $0.0e+00  }
0xca: {  	v3 =	vld [tilespmem:s10+$0x15D60];
	[tilespmem:s0+$0x1BD60] =	vst v8;
	v8 =	vmax.f32 v2, $0.0e+00  }
0xcb: {  	v2 =	vld [tilespmem:s10+$0x15D70];
	[tilespmem:s0+$0x1BD70] =	vst v8;
	s0 =	smov.u32 s10  }
0xcc: {  	v8 =	vld [tilespmem:s0+$0x1BD00]  }
0xcd: {  	v13 =	vld [tilespmem:s0+$0x1BD10]  }
.Ltmp3:
0xce: {  	v12 =	vld [tilespmem:s0+$0x1BD20];
	(pc) =	sbr.rel @p1 .LBB2_9-.Ltmp3, $4  }
0xcf: {  	v11 =	vld [tilespmem:s0+$0x1BD30]  }
0xd0: {  	v10 =	vld [tilespmem:s0+$0x1BD40]  }
0xd1: {  	v14 =	vadd.f32 v15, v8;
	v9 =	vld [tilespmem:s0+$0x1BD50]  }
0xd2: {  	s16 =	sadd.s32 $0x200, s16;
	v13 =	vadd.f32 v16, v13;
	v8 =	vld [tilespmem:s0+$0x1BD60]  }
0xd3: {  	v14 =	vmax.f32 v14, $0.0e+00;
	v7 =	vadd.f32 v7, v12;
	v12 =	vld [tilespmem:s0+$0x1BD70]  }
0xd4: {  	[tilespmem:s0+$0x1BD00] =	vst v14;
	v13 =	vmax.f32 v13, $0.0e+00;
	v6 =	vadd.f32 v6, v11  }
0xd5: {  	[tilespmem:s0+$0x1BD10] =	vst v13;
	v7 =	vmax.f32 v7, $0.0e+00;
	v5 =	vadd.f32 v5, v10  }
0xd6: {  	[tilespmem:s0+$0x1BD20] =	vst v7;
	v6 =	vmax.f32 v6, $0.0e+00;
	v4 =	vadd.f32 v4, v9  }
0xd7: {  	[tilespmem:s0+$0x1BD30] =	vst v6;
	v5 =	vmax.f32 v5, $0.0e+00;
	v3 =	vadd.f32 v3, v8  }
0xd8: {  	[tilespmem:s0+$0x1BD40] =	vst v5;
	v4 =	vmax.f32 v4, $0.0e+00;
	v2 =	vadd.f32 v2, v12  }
0xd9: {  	[tilespmem:s0+$0x1BD50] =	vst v4;
	v3 =	vmax.f32 v3, $0.0e+00  }
0xda: {  	[tilespmem:s0+$0x1BD60] =	vst v3;
	v2 =	vmax.f32 v2, $0.0e+00  }
0xdb: {  	[tilespmem:s0+$0x1BD70] =	vst v2  }
0xdc: {  	p1 =	seq.s32 s18, $0x33;
	_ =	swait.ge [sflag:s21], $0x40  }
0xdd: {  	s0 =	sadd.s32 @!p1 $0xC0, s23;
	[sflag:s21] =	ssyncset.done $0x0  }
0xde: {  	s26 =	simm.s32 $0x1BD00;
	s10 =	sadd.s32 @!p1 s7, s0;
	[sflag:s21] =	ssyncadd.s32 $0xFFFFFFC0  }
0xdf: {  	[spmem:s1] =	stream.indirect.scatter.add.f32 [tilespmem:s26], [sflag:$0xE], $0x80, s24, s30, $0xb8;
	[tilespmem:$0x1FE00] =	vst v63  }
0xe0: {  	s10 =	sshrl.u32 @!p1 s10, $0x3;
	_ =	swait.ge [sflag:s20], $0x2000  }
0xe1: {  	s0 =	sadd.s32 @!p1 s9, s0;
	s16 =	sadd.s32 @!p1 s6, s10;
	[sflag:s20] =	ssyncset.done $0x0  }
0xe2: {  	s26 =	simm.s32 @!p1 $0x0;
	s24 =	simm.s32 @!p1 $0x13880;
	[sflag:s20] =	ssyncadd.s32 $0xFFFFE000  }
0xe3: {  	[tilespmem:s24], [sflag:$0x1] =	stream.linear.gather @!p1 [hbm4b:s16+s26], $0x40, $0x38;
	[tilespmem:$0x1FE00] =	vst v63  }
0xe4: {  	s0 =	sshll.u32 @!p1 s0, $0x4;
	s10 =	sadd.s32 @!p1 s8, s10;
	s16 =	simm.s32 @!p1 $0x13A00  }
0xe5: {  	[tilespmem:s16], [sflag:$0x4] =	stream.linear.gather @!p1 [hbm4b:s10+s26], $0x40, $0x38;
	[tilespmem:$0x1FE00] =	vst v63  }
0xe6: {  	s0 =	sadd.s32 @!p1 s4, s0;
	s10 =	simm.s32 @!p1 $0x13D00  }
0xe7: {  	[tilespmem:s10], [sflag:$0x7] =	stream.linear.gather @!p1 [hbm4b:s0+s26], $0x2000, $0x38;
	[tilespmem:$0x1FE00] =	vst v63  }
0xe8: {  	s0 =	simm.s32 @!p1 $0x1  }
0xe9: {  	_ =	swait.ge @!p1 [sflag:s0], $0x40  }
0xea: {  	[sflag:s0] =	ssyncset.done @!p1 $0x0  }
0xeb: {  	[sflag:s0] =	ssyncadd.s32 @!p1 $0xFFFFFFC0  }
0xec: {  	v2 =	vld @!p1 [tilespmem:$0x13880]  }
0xed: {  	v3 =	vld @!p1 [tilespmem:$0x13890]  }
0xee: {  	v4 =	vld @!p1 [tilespmem:$0x138A0]  }
0xef: {  	v5 =	vld @!p1 [tilespmem:$0x138B0];
	_ =	sdelay $0x1  }
0xf0: {  	v2 =	vshll.u32 @!p1 v2, $0x1  }
0xf1: {  	v3 =	vshll.u32 @!p1 v3, $0x1;
	v2 =	vor.u32 @!p1 v0, v2  }
0xf2: {  	[tilespmem:$0x13B80] =	vst @!p1 v2;
	v2 =	vor.u32 @!p1 v0, v3;
	v3 =	vshll.u32 @!p1 v4, $0x1  }
0xf3: {  	[tilespmem:$0x13B90] =	vst @!p1 v2;
	v2 =	vor.u32 @!p1 v0, v3;
	v3 =	vshll.u32 @!p1 v5, $0x1  }
0xf4: {  	[tilespmem:$0x13BA0] =	vst @!p1 v2;
	v2 =	vor.u32 @!p1 v0, v3  }
0xf5: {  	s16 =	simm.s32 @!p1 $0x19D00;
	s10 =	simm.s32 @!p1 $0x13B80;
	s0 =	simm.s32 @!p1 $0x40;
	[tilespmem:$0x13BB0] =	vst @!p1 v2  }
0xf6: {  	[tilespmem:s16], [sflag:$0xA] =	stream.indirect.gather @!p1 [hbm4b:s5+s0], $0x80, s10, s0, $0xb8;
	[tilespmem:$0x1FE00] =	vst v63  }
0xf7: {  	_ =	swait.ge [sflag:s25], $0x2000  }
0xf8: {  	[sflag:s25] =	ssyncset.done $0x0  }
0xf9: {  	[sflag:s25] =	ssyncadd.s32 $0xFFFFE000  }
0xfa: {  	_ =	swait.ge [sflag:s28], $0x2000  }
0xfb: {  	[sflag:s28] =	ssyncset.done $0x0  }
0xfc: {  	s0 =	simm.s32 $0x0;
	[sflag:s28] =	ssyncadd.s32 $0xFFFFE000  }
0xfd: {  	v8 =	vld [tilespmem:s0+$0x17D00]  }
0xfe: {  	v13 =	vld [tilespmem:s0+$0x17D10]  }
0xff: {  	v7 =	vld [tilespmem:s0+$0x17D20]  }
0x100: {  	v6 =	vld [tilespmem:s0+$0x17D30]  }
0x101: {  	v5 =	vld [tilespmem:s0+$0x17D40]  }
0x102: {  	v4 =	vld [tilespmem:s0+$0x17D50]  }
0x103: {  	v3 =	vld [tilespmem:s0+$0x17D60]  }
0x104: {  	v2 =	vld [tilespmem:s0+$0x17D70]  }
0x105: {  	v14 =	vld [tilespmem:s0+$0x1DD00]  }
0x106: {  	v15 =	vld [tilespmem:s0+$0x1DD10]  }
0x107: {  	v12 =	vld [tilespmem:s0+$0x1DD20]  }
0x108: {  	v11 =	vld [tilespmem:s0+$0x1DD30]  }
0x109: {  	v10 =	vld [tilespmem:s0+$0x1DD40]  }
0x10a: {  	v9 =	vld [tilespmem:s0+$0x1DD50];
	v14 =	vadd.f32 v8, v14  }
0x10b: {  	s16 =	simm.s32 $0x200;
	v13 =	vadd.f32 v13, v15;
	v8 =	vld [tilespmem:s0+$0x1DD60]  }
.LBB2_11:
0x10c: {  	s10 =	sshra.s32 s16, $0x2;
	p2 =	sne.s32 s16, $0x7E00;
	v14 =	vmax.f32 v14, $0.0e+00;
	v7 =	vadd.f32 v7, v12;
	v12 =	vld [tilespmem:s0+$0x1DD70]  }
0x10d: {  	v15 =	vld [tilespmem:s10+$0x17D00];
	[tilespmem:s0+$0x1DD00] =	vst v14;
	v13 =	vmax.f32 v13, $0.0e+00;
	v6 =	vadd.f32 v6, v11  }
0x10e: {  	v16 =	vld [tilespmem:s10+$0x17D10];
	[tilespmem:s0+$0x1DD10] =	vst v13;
	v11 =	vmax.f32 v7, $0.0e+00;
	v5 =	vadd.f32 v5, v10  }
0x10f: {  	v7 =	vld [tilespmem:s10+$0x17D20];
	[tilespmem:s0+$0x1DD20] =	vst v11;
	v10 =	vmax.f32 v6, $0.0e+00;
	v4 =	vadd.f32 v4, v9  }
0x110: {  	v6 =	vld [tilespmem:s10+$0x17D30];
	[tilespmem:s0+$0x1DD30] =	vst v10;
	v9 =	vmax.f32 v5, $0.0e+00;
	v3 =	vadd.f32 v3, v8  }
0x111: {  	v5 =	vld [tilespmem:s10+$0x17D40];
	[tilespmem:s0+$0x1DD40] =	vst v9;
	v8 =	vmax.f32 v4, $0.0e+00;
	v2 =	vadd.f32 v2, v12  }
0x112: {  	v4 =	vld [tilespmem:s10+$0x17D50];
	[tilespmem:s0+$0x1DD50] =	vst v8;
	v8 =	vmax.f32 v3, $0.0e+00  }
0x113: {  	v3 =	vld [tilespmem:s10+$0x17D60];
	[tilespmem:s0+$0x1DD60] =	vst v8;
	v8 =	vmax.f32 v2, $0.0e+00  }
0x114: {  	v2 =	vld [tilespmem:s10+$0x17D70];
	[tilespmem:s0+$0x1DD70] =	vst v8;
	s0 =	smov.u32 s10  }
0x115: {  	v8 =	vld [tilespmem:s0+$0x1DD00]  }
0x116: {  	v13 =	vld [tilespmem:s0+$0x1DD10]  }
.Ltmp4:
0x117: {  	v12 =	vld [tilespmem:s0+$0x1DD20];
	(pc) =	sbr.rel @p2 .LBB2_11-.Ltmp4, $4  }
0x118: {  	v11 =	vld [tilespmem:s0+$0x1DD30]  }
0x119: {  	v10 =	vld [tilespmem:s0+$0x1DD40]  }
0x11a: {  	v14 =	vadd.f32 v15, v8;
	v9 =	vld [tilespmem:s0+$0x1DD50]  }
0x11b: {  	s16 =	sadd.s32 $0x200, s16;
	v13 =	vadd.f32 v16, v13;
	v8 =	vld [tilespmem:s0+$0x1DD60]  }
0x11c: {  	v14 =	vmax.f32 v14, $0.0e+00;
	v7 =	vadd.f32 v7, v12;
	v63 =	vld [tilespmem:s0+$0x1DD70]  }
0x11d: {  	[tilespmem:s0+$0x1DD00] =	vst v14;
	v13 =	vmax.f32 v13, $0.0e+00;
	v6 =	vadd.f32 v6, v11  }
0x11e: {  	[tilespmem:s0+$0x1DD10] =	vst v13;
	v7 =	vmax.f32 v7, $0.0e+00;
	v5 =	vadd.f32 v5, v10  }
0x11f: {  	[tilespmem:s0+$0x1DD20] =	vst v7;
	v6 =	vmax.f32 v6, $0.0e+00;
	v4 =	vadd.f32 v4, v9  }
0x120: {  	[tilespmem:s0+$0x1DD30] =	vst v6;
	v5 =	vmax.f32 v5, $0.0e+00;
	v3 =	vadd.f32 v3, v8  }
0x121: {  	[tilespmem:s0+$0x1DD40] =	vst v5;
	v4 =	vmax.f32 v4, $0.0e+00;
	v2 =	vadd.f32 v2, v63  }
0x122: {  	[tilespmem:s0+$0x1DD50] =	vst v4;
	v3 =	vmax.f32 v3, $0.0e+00  }
0x123: {  	[tilespmem:s0+$0x1DD60] =	vst v3;
	v2 =	vmax.f32 v2, $0.0e+00  }
0x124: {  	[tilespmem:s0+$0x1DD70] =	vst v2  }
0x125: {  	_ =	swait.ge [sflag:s31], $0x40  }
0x126: {  	[sflag:s31] =	ssyncset.done $0x0  }
.Ltmp5:
0x127: {  	s26 =	simm.s32 $0x1DD00;
	[sflag:s31] =	ssyncadd.s32 $0xFFFFFFC0;
	(pc) =	sbr.rel @p1 .LBB2_14-.Ltmp5, $4  }
0x128: {  	[spmem:s1] =	stream.indirect.scatter.add.f32 [tilespmem:s26], [sflag:$0xF], $0x80, s19, s30, $0xb8;
	[tilespmem:$0x1FE00] =	vst v63  }
0x129: {  	_ =	swait.ge [sflag:s15], $0x2000  }
0x12a: {  	[sflag:s15] =	ssyncset.done $0x0  }
0x12b: {  	[sflag:s15] =	ssyncadd.s32 $0xFFFFE000  }
0x12c: {  	s0 =	sadd.s32 $0x100, s23  }
0x12d: {  	s10 =	sadd.s32 s7, s0  }
0x12e: {  	s10 =	sshrl.u32 s10, $0x3  }
0x12f: {  	s24 =	simm.s32 $0x13900;
	s16 =	sadd.s32 s6, s10  }
0x130: {  	[tilespmem:s24], [sflag:$0x2] =	stream.linear.gather [hbm4b:s16+s2], $0x40, $0x38;
	[tilespmem:$0x1FE00] =	vst v63  }
.Ltmp6:
0x131: {  	s0 =	sadd.s32 s9, s0;
	(pc) =	sbr.rel .LBB2_6-.Ltmp6, $4  }
0x132: {  	s0 =	sshll.u32 s0, $0x4;
	s10 =	sadd.s32 s8, s10;
	s24 =	simm.s32 $0x13A80  }
0x133: {  	[tilespmem:s24], [sflag:$0x5] =	stream.linear.gather [hbm4b:s10+s2], $0x40, $0x38;
	[tilespmem:$0x1FE00] =	vst v63  }
0x134: {  	s26 =	simm.s32 $0x15D00;
	s18 =	sadd.s32 $0x1, s18;
	s0 =	sadd.s32 s4, s0  }
0x135: {  	[tilespmem:s26], [sflag:$0x8] =	stream.linear.gather [hbm4b:s0+s2], $0x2000, $0x38;
	[tilespmem:$0x1FE00] =	vst v63  }
.LBB2_14:
0x136: {  	s0 =	simm.s32 $0xF  }
0x137: {  	_ =	swait.ge [sflag:s0], $0x2000  }
0x138: {  	s16 =	simm.s32 $0x1FD00;
	s18 =	simm.s32 $0x11;
	[sflag:s0] =	ssyncset.done $0x0  }
0x139: {  	s10 =	rddreg [dreg:$0x9];
	[sflag:s0] =	ssyncadd.s32 $0xFFFFE000;
	s0 =	simm.s32 $0x0  }
0x13a: {  	[tilespmem:s16], [sflag:$0x11] =	stream.linear.gather [hbm4b:s10+s0], $0x10, $0x38;
	[tilespmem:$0x1FE00] =	vst v63  }
0x13b: {  	_ =	swait.ge [sflag:s18], $0x10  }
0x13c: {  	[sflag:s18] =	ssyncset.done $0x0  }
0x13d: {  	[sflag:s18] =	ssyncadd.s32 $0xFFFFFFF0  }
0x13e: {  	v2 =	vld [tilespmem:$0x1FD00];
	_ =	sdelay $0x4  }
0x13f: {  	v2 =	vshll.u32 v2, $0x1  }
0x140: {  	v2 =	vor.u32 v0, v2  }
0x141: {  	s23 =	simm.s32 $0x10;
	s19 =	simm.s32 $0x1FD80;
	s16 =	simm.s32 $0x19D00;
	[tilespmem:$0x1FD80] =	vst v2  }
0x142: {  	[tilespmem:s16], [sflag:$0x11] =	stream.indirect.gather [hbm4b:s5+s23], $0x80, s19, s23, $0xb8;
	[tilespmem:$0x1FE00] =	vst v63  }
0x143: {  	_ =	swait.ge [sflag:s18], $0x800  }
0x144: {  	[sflag:s18] =	ssyncset.done $0x0  }
0x145: {  	s26 =	simm.s32 $0x13D00;
	s24 =	rddreg [dreg:$0xa];
	[sflag:s18] =	ssyncadd.s32 $0xFFFFF800  }
0x146: {  	[tilespmem:s26], [sflag:$0x11] =	stream.linear.gather [hbm4b:s24+s0], $0x800, $0x38;
	[tilespmem:$0x1FE00] =	vst v63  }
0x147: {  	_ =	swait.ge [sflag:s18], $0x800  }
0x148: {  	[sflag:s18] =	ssyncset.done $0x0  }
0x149: {  	s0 =	simm.s32 $0x0;
	[sflag:s18] =	ssyncadd.s32 $0xFFFFF800  }
0x14a: {  	v8 =	vld [tilespmem:s0+$0x13D00]  }
0x14b: {  	v13 =	vld [tilespmem:s0+$0x13D10]  }
0x14c: {  	v7 =	vld [tilespmem:s0+$0x13D20]  }
0x14d: {  	v6 =	vld [tilespmem:s0+$0x13D30]  }
0x14e: {  	v5 =	vld [tilespmem:s0+$0x13D40]  }
0x14f: {  	v4 =	vld [tilespmem:s0+$0x13D50]  }
0x150: {  	v3 =	vld [tilespmem:s0+$0x13D60]  }
0x151: {  	v2 =	vld [tilespmem:s0+$0x13D70]  }
0x152: {  	v14 =	vld [tilespmem:s0+$0x19D00]  }
0x153: {  	v15 =	vld [tilespmem:s0+$0x19D10]  }
0x154: {  	v12 =	vld [tilespmem:s0+$0x19D20]  }
0x155: {  	v11 =	vld [tilespmem:s0+$0x19D30]  }
0x156: {  	v10 =	vld [tilespmem:s0+$0x19D40]  }
0x157: {  	v9 =	vld [tilespmem:s0+$0x19D50];
	v14 =	vadd.f32 v8, v14  }
0x158: {  	s16 =	simm.s32 $0x200;
	s24 =	simm.s32 $0x13A80;
	v13 =	vadd.f32 v13, v15;
	v8 =	vld [tilespmem:s0+$0x19D60]  }
.LBB2_15:
0x159: {  	s10 =	sshra.s32 s16, $0x2;
	p1 =	sne.s32 s16, $0x1E00;
	v14 =	vmax.f32 v14, $0.0e+00;
	v7 =	vadd.f32 v7, v12;
	v12 =	vld [tilespmem:s0+$0x19D70]  }
0x15a: {  	v15 =	vld [tilespmem:s10+$0x13D00];
	[tilespmem:s0+$0x19D00] =	vst v14;
	v13 =	vmax.f32 v13, $0.0e+00;
	v6 =	vadd.f32 v6, v11  }
0x15b: {  	v16 =	vld [tilespmem:s10+$0x13D10];
	[tilespmem:s0+$0x19D10] =	vst v13;
	v11 =	vmax.f32 v7, $0.0e+00;
	v5 =	vadd.f32 v5, v10  }
0x15c: {  	v7 =	vld [tilespmem:s10+$0x13D20];
	[tilespmem:s0+$0x19D20] =	vst v11;
	v10 =	vmax.f32 v6, $0.0e+00;
	v4 =	vadd.f32 v4, v9  }
0x15d: {  	v6 =	vld [tilespmem:s10+$0x13D30];
	[tilespmem:s0+$0x19D30] =	vst v10;
	v9 =	vmax.f32 v5, $0.0e+00;
	v3 =	vadd.f32 v3, v8  }
0x15e: {  	v5 =	vld [tilespmem:s10+$0x13D40];
	[tilespmem:s0+$0x19D40] =	vst v9;
	v8 =	vmax.f32 v4, $0.0e+00;
	v2 =	vadd.f32 v2, v12  }
0x15f: {  	v4 =	vld [tilespmem:s10+$0x13D50];
	[tilespmem:s0+$0x19D50] =	vst v8;
	v8 =	vmax.f32 v3, $0.0e+00  }
0x160: {  	v3 =	vld [tilespmem:s10+$0x13D60];
	[tilespmem:s0+$0x19D60] =	vst v8;
	v8 =	vmax.f32 v2, $0.0e+00  }
0x161: {  	v2 =	vld [tilespmem:s10+$0x13D70];
	[tilespmem:s0+$0x19D70] =	vst v8;
	s0 =	smov.u32 s10  }
0x162: {  	v8 =	vld [tilespmem:s0+$0x19D00]  }
0x163: {  	v13 =	vld [tilespmem:s0+$0x19D10]  }
.Ltmp7:
0x164: {  	v12 =	vld [tilespmem:s0+$0x19D20];
	(pc) =	sbr.rel @p1 .LBB2_15-.Ltmp7, $4  }
0x165: {  	v11 =	vld [tilespmem:s0+$0x19D30]  }
0x166: {  	v10 =	vld [tilespmem:s0+$0x19D40]  }
0x167: {  	v14 =	vadd.f32 v15, v8;
	v9 =	vld [tilespmem:s0+$0x19D50]  }
0x168: {  	s16 =	sadd.s32 $0x200, s16;
	v13 =	vadd.f32 v16, v13;
	v8 =	vld [tilespmem:s0+$0x19D60]  }
0x169: {  	v14 =	vmax.f32 v14, $0.0e+00;
	v7 =	vadd.f32 v7, v12;
	v63 =	vld [tilespmem:s0+$0x19D70]  }
0x16a: {  	[tilespmem:s0+$0x19D00] =	vst v14;
	v13 =	vmax.f32 v13, $0.0e+00;
	v6 =	vadd.f32 v6, v11  }
0x16b: {  	[tilespmem:s0+$0x19D10] =	vst v13;
	v7 =	vmax.f32 v7, $0.0e+00;
	v5 =	vadd.f32 v5, v10  }
0x16c: {  	[tilespmem:s0+$0x19D20] =	vst v7;
	v6 =	vmax.f32 v6, $0.0e+00;
	v4 =	vadd.f32 v4, v9  }
0x16d: {  	[tilespmem:s0+$0x19D30] =	vst v6;
	v5 =	vmax.f32 v5, $0.0e+00;
	v3 =	vadd.f32 v3, v8  }
0x16e: {  	[tilespmem:s0+$0x19D40] =	vst v5;
	v4 =	vmax.f32 v4, $0.0e+00;
	v2 =	vadd.f32 v2, v63  }
0x16f: {  	[tilespmem:s0+$0x19D50] =	vst v4;
	v3 =	vmax.f32 v3, $0.0e+00  }
0x170: {  	s16 =	simm.s32 $0x0;
	[tilespmem:s0+$0x19D60] =	vst v3;
	v2 =	vmax.f32 v2, $0.0e+00  }
0x171: {  	s10 =	rddreg [dreg:$0xb];
	s18 =	simm.s32 $0x1FD80;
	s19 =	simm.s32 $0x11;
	[tilespmem:s0+$0x19D70] =	vst v2  }
0x172: {  	[tilespmem:s18], [sflag:$0x11] =	stream.linear.gather [hbm4b:s10+s16], $0x10, $0x38;
	[tilespmem:$0x1FE00] =	vst v63  }
0x173: {  	_ =	swait.ge [sflag:s19], $0x10  }
0x174: {  	[sflag:s19] =	ssyncset.done $0x0  }
0x175: {  	s23 =	simm.s32 $0x19D00;
	s16 =	simm.s32 $0x10;
	[sflag:s19] =	ssyncadd.s32 $0xFFFFFFF0  }
0x176: {  	[spmem:s1] =	stream.indirect.scatter.add.f32 [tilespmem:s23], [sflag:$0x11], $0x80, s18, s16, $0xb8;
	[tilespmem:$0x1FE00] =	vst v63  }
0x177: {  	_ =	swait.ge [sflag:s19], $0x800  }
0x178: {  	[sflag:s19] =	ssyncset.done $0x0  }
0x179: {  	s26 =	sadd.s32 $0x0, s3;
	[sflag:s19] =	ssyncadd.s32 $0xFFFFF800  }
0x17a: {  	p1 =	sgt.u32 s26, $0xF9;
	[bflag:$0x0] =	sbarrier.arrive $0xFFFF  }
0x17b: {  	s10 =	sshll.u32 @!p1 s3, $0x6;
	s23 =	rddreg [dreg:$0xe]  }
0x17c: {  	s0 =	simm.s32 $0x10;
	s26 =	sor.u32 @!p1 $0x1C10, s10;
	s18 =	rddreg [dreg:$0xd]  }
0x17d: {  	s16 =	sadd.s32 $0x2800, s23;
	s10 =	sshrl.u32 @!p1 s18, $0x3;
	s18 =	sadd.s32 $0x14000, s18  }
.LBB2_17:
0x17e: {  	[hbm:s23], [sflag:s26] =	dma.local @!p1 [spmem:s10], $0x280  }
0x17f: {  	s10 =	smov.u32 s0;
	s0 =	sadd.s32 $0x10, s0  }
0x180: {  	p2 =	sne.s32 s0, $0x100  }
.Ltmp8:
0x181: {  	(pc) =	sbr.rel @p2 .LBB2_17-.Ltmp8, $4  }
0x182: {  	s23 =	smov.u32 s16;
	s10 =	sadd.s32 s10, s3  }
0x183: {  	p1 =	sgt.u32 s10, $0xF9  }
0x184: {  	s16 =	sadd.s32 $0x2800, s16;
	s10 =	sshll.u32 @!p1 s3, $0x6  }
0x185: {  	s26 =	sor.u32 @!p1 $0x1C10, s10;
	s10 =	sshrl.u32 @!p1 s18, $0x3;
	s18 =	sadd.s32 $0x14000, s18  }
0x186: {  	[hbm:s23], [sflag:s26] =	dma.local @!p1 [spmem:s10], $0x280  }
0x187: {  	s0 =	simm.s32 $0x10  }
0x188: {  	_ =	swait.ge [sflag:s0], $0x280  }
0x189: {  	[sflag:s0] =	ssyncset.done $0x0  }
0x18a: {  	[sflag:s0] =	ssyncadd.s32 $0xFFFFFD80  }
0x18b: {  	_ =	swait.ge [sflag:s0], $0x280  }
0x18c: {  	[sflag:s0] =	ssyncset.done $0x0  }
0x18d: {  	[sflag:s0] =	ssyncadd.s32 $0xFFFFFD80  }
0x18e: {  	_ =	swait.ge [sflag:s0], $0x280  }
0x18f: {  	[sflag:s0] =	ssyncset.done $0x0  }
0x190: {  	[sflag:s0] =	ssyncadd.s32 $0xFFFFFD80  }
0x191: {  	_ =	swait.ge [sflag:s0], $0x280  }
0x192: {  	[sflag:s0] =	ssyncset.done $0x0  }
0x193: {  	[sflag:s0] =	ssyncadd.s32 $0xFFFFFD80  }
0x194: {  	_ =	swait.ge [sflag:s0], $0x280  }
0x195: {  	[sflag:s0] =	ssyncset.done $0x0  }
0x196: {  	[sflag:s0] =	ssyncadd.s32 $0xFFFFFD80  }
0x197: {  	_ =	swait.ge [sflag:s0], $0x280  }
0x198: {  	[sflag:s0] =	ssyncset.done $0x0  }
0x199: {  	[sflag:s0] =	ssyncadd.s32 $0xFFFFFD80  }
0x19a: {  	_ =	swait.ge [sflag:s0], $0x280  }
0x19b: {  	[sflag:s0] =	ssyncset.done $0x0  }
0x19c: {  	[sflag:s0] =	ssyncadd.s32 $0xFFFFFD80  }
0x19d: {  	_ =	swait.ge [sflag:s0], $0x280  }
0x19e: {  	[sflag:s0] =	ssyncset.done $0x0  }
0x19f: {  	[sflag:s0] =	ssyncadd.s32 $0xFFFFFD80  }
0x1a0: {  	_ =	swait.ge [sflag:s0], $0x280  }
0x1a1: {  	[sflag:s0] =	ssyncset.done $0x0  }
0x1a2: {  	[sflag:s0] =	ssyncadd.s32 $0xFFFFFD80  }
0x1a3: {  	_ =	swait.ge [sflag:s0], $0x280  }
0x1a4: {  	[sflag:s0] =	ssyncset.done $0x0  }
0x1a5: {  	[sflag:s0] =	ssyncadd.s32 $0xFFFFFD80  }
0x1a6: {  	_ =	swait.ge [sflag:s0], $0x280  }
0x1a7: {  	[sflag:s0] =	ssyncset.done $0x0  }
0x1a8: {  	[sflag:s0] =	ssyncadd.s32 $0xFFFFFD80  }
0x1a9: {  	_ =	swait.ge [sflag:s0], $0x280  }
0x1aa: {  	[sflag:s0] =	ssyncset.done $0x0  }
0x1ab: {  	[sflag:s0] =	ssyncadd.s32 $0xFFFFFD80  }
0x1ac: {  	_ =	swait.ge [sflag:s0], $0x280  }
0x1ad: {  	[sflag:s0] =	ssyncset.done $0x0  }
0x1ae: {  	[sflag:s0] =	ssyncadd.s32 $0xFFFFFD80  }
0x1af: {  	_ =	swait.ge [sflag:s0], $0x280  }
0x1b0: {  	[sflag:s0] =	ssyncset.done $0x0  }
0x1b1: {  	[sflag:s0] =	ssyncadd.s32 $0xFFFFFD80  }
0x1b2: {  	_ =	swait.ge [sflag:s0], $0x280  }
0x1b3: {  	[sflag:s0] =	ssyncset.done $0x0  }
0x1b4: {  	[sflag:s0] =	ssyncadd.s32 $0xFFFFFD80;
	s0 =	simm.s32 @!p0 $0x10  }
0x1b5: {  	_ =	swait.ge @!p0 [sflag:s0], $0x280  }
0x1b6: {  	s16 =	rddreg [dreg:$0xf]  }
0x1b7: {  	s26 =	rddreg [dreg:$0xc];
	s16 =	sadd.s32 $0x1, s16  }
0x1b8: {  	p1 =	sne.s32 s16, s26  }
.Ltmp9:
0x1b9: {  	_ = 	snop;
	(pc) =	sbr.rel @p1 .LBB2_1-.Ltmp9, $3  }
0x1ba: {  	_ =	sdelay $0x1  }
0x1bb: {  	[sflag:s0] =	ssyncset.done @!p0 $0x0  }
0x1bc: {  	[sflag:s0] =	ssyncadd.s32 @!p0 $0xFFFFFD80  }
0x1bd: {  	_ =	sfence.sel $0x180000  }
0x1be: {  	[bflag:$0x0] =	sbarrier.arrive $0xFFFF  }
0x1bf: {  	_ =	strace $0x9000004A  }
0x1c0: {  	[bflag:$0x2] =	sbarrier.arrive $0xFFFF  }
0x1c1: {  	p0 =	sne.s32 s3, $0x0;
	s0 =	rddreg [dreg:$0x2]  }
0x1c2: {  	s0 =	sadd.s32 @!p0 $0x100000, s0  }
0x1c3: {  	[sflag:s0] =	ssyncadd.tile.s32 @!p0 $0x1;
	_ =	shalt  }
.Lfunc_end2:
_tile_overlayer_lowered:
.L_overlay_start_2:
0x1c4: {  	(tag) =	ssettag $0x2  }
0x1c5: {  	s0 =	rddreg [dreg:$0x0];
	s2 =	stileid.u32  }
0x1c6: {  	s1 =	rddreg [dreg:$0x1];
	p0 =	sne.s32 s2, $0x0  }
0x1c7: {  	s3 =	rddreg [dreg:$0x2];
	[bflag:$0x3] =	sbarrier.arrive $0xFFFF;
	s2 =	simm.s32 @!p0 $0x1C11  }
0x1c8: {  	[timem:s3], [sflag:s2] =	dma.local @!p0 [hbm:s0], s1  }
0x1c9: {  	s0 =	simm.s32 @!p0 $0x11  }
0x1ca: {  	_ =	swait.ge @!p0 [sflag:s0], s1  }
0x1cb: {  	s1 =	ssub.s32 @!p0 $0x0, s1;
	[sflag:s0] =	ssyncset.done @!p0 $0x0  }
0x1cc: {  	[sflag:s0] =	ssyncadd.s32 @!p0 s1  }
0x1cd: {  	[bflag:$0x3] =	sbarrier.arrive $0xFFFF  }
0x1ce: {  	_ =	shalt  }

// kernel: kernel.7.cloned.1.call-start
scs
__scs_entry_jumppad:
0x0: {  	(pc) =	sbr.rel $0x88, $3  }
0x1: {  	(tag) =	ssettag $0x0;
	lr =	simm.s32 $0x1  }
0x2: {  	[smem:$0x3F8F] =	sst lr;
	_ =	strace $0xD0000000  }
0x3: {  	_ = 	snop  }
0x4: {  	_ = 	snop  }
0x5: {  	_ = 	snop  }
0x6: {  	_ = 	snop  }
0x7: {  	_ = 	snop  }
__scs_overlays_trampoline_lowered:
0x8: {  	[smem:$0x3F9E] =	sst s0  }
0x9: {  	[smem:$0x3F9F] =	sst s1  }
0xa: {  	[smem:$0x3FA0] =	sst s2  }
0xb: {  	[smem:$0x3FA1] =	sst s3  }
0xc: {  	[smem:$0x3FA2] =	sst s4  }
0xd: {  	[smem:$0x3FA3] =	sst s5  }
0xe: {  	[smem:$0x3FA4] =	sst s6  }
0xf: {  	[smem:$0x3FA5] =	sst s7  }
0x10: {  	[smem:$0x3FA6] =	sst s8  }
0x11: {  	[smem:$0x3FA7] =	sst s9;
	s0 =	simm.s32 @!p0 $0x0  }
0x12: {  	s1 =	sld [smem:$0x3F8D];
	s0 =	simm.s32 @p0 $0x1  }
0x13: {  	[smem:$0x3FA8] =	sst s0;
	s0 =	simm.s32 @!p1 $0x0  }
0x14: {  	s2 =	sld [smem:$0x3F8C];
	s0 =	simm.s32 @p1 $0x1  }
0x15: {  	[smem:$0x3FA9] =	sst s0;
	s0 =	simm.s32 @!p2 $0x0  }
0x16: {  	s3 =	sld [smem:$0x3FDB];
	s0 =	simm.s32 @p2 $0x1  }
0x17: {  	s4 =	simm.s32 $0x1BF5;
	[smem:$0x3FAB] =	sst s0  }
0x18: {  	s0 =	sld [smem:$0x3F8E];
	_ =	swait.ge [sflag:s4], $0x0  }
0x19: {  	s7 =	sld [smem:$0x3F8F]  }
0x1a: {  	s8 =	sadd.s32 $0xFFFFE003, lr  }
0x1b: {  	s9 =	sadd.s32 $0xFFFFFEF7, lr;
	s5 =	simm.s32 $0xFFFFFFFF;
	p2 =	slt.u32 s8, $0xFFFFF086  }
0x1c: {  	p1 =	slt.u32 s9, $0xF7A;
	s5 =	simm.s32 @!p2 $0x0  }
0x1d: {  	s5 =	simm.s32 @p1 $0x1;
	p0 =	seq.s32 s7, s2  }
0x1e: {  	s7 =	smul.u32 @!p0 $0xF7A, s2;
	p2 =	seq.s32 @!p0 s5, $0x0  }
0x1f: {  	s9 =	smul.u32 $0xF7A, s1;
	s8 =	simm.s32 @!p0 $0x1BF5;
	p2 =	por !p2, p0  }
0x20: {  	[sflag:s8] =	ssyncset.s32 @!p0 $0xFFFFF086;
	s6 =	sadd.s32 @!p0 s3, s7;
	s7 =	simm.s32 @!p0 $0x108  }
0x21: {  	s3 =	sadd.s32 s3, s9;
	s6 =	sadd.s32 @!p0 $0x88, s6;
	s7 =	simm.s32 @p2 $0x1082  }
0x22: {  	[simem:s7], [sflag:s8] =	dma.local @!p0 [hbm:s6], $0xF7A  }
0x23: {  	s9 =	sor.u32 $0xD0000000, s2;
	s6 =	simm.s32 $0x108;
	_ =	swait.ge @!p0 [sflag:s8], $0x0  }
0x24: {  	s3 =	sadd.s32 $0x88, s3;
	s6 =	simm.s32 @!p1 $0x1082;
	[sflag:s4] =	ssyncset.s32 $0xFFFFF086  }
0x25: {  	[simem:s6], [sflag:s4] =	dma.local [hbm:s3], $0xF7A  }
0x26: {  	[smem:$0x3F8F] =	sst s1;
	(tag) =	ssettag s2;
	_ =	strace s9  }
0x27: {  	s1 =	sld [smem:$0x3F9F]  }
0x28: {  	s2 =	sld [smem:$0x3FA0]  }
0x29: {  	s4 =	sld [smem:$0x3FA2]  }
0x2a: {  	p0 =	seq.s32 s5, $0x0;
	s5 =	sld [smem:$0x3FA3]  }
0x2b: {  	s6 =	sld [smem:$0x3FA4]  }
0x2c: {  	s7 =	sld [smem:$0x3FA5]  }
0x2d: {  	s3 =	simm.s32 $0x108;
	s8 =	sld [smem:$0x3FA6]  }
0x2e: {  	s3 =	simm.s32 @!p0 $0x1082;
	s9 =	sld [smem:$0x3FA7]  }
0x2f: {  	lr =	sadd.s32 s0, s3;
	s0 =	sld [smem:$0x3F9E]  }
0x30: {  	s3 =	sld [smem:$0x3FA1]  }
0x31: {  	[smem:$0x3FAA] =	sst s10  }
0x32: {  	s10 =	sld [smem:$0x3FA8];
	_ =	sdelay $0x3  }
0x33: {  	p0 =	seq.s32 s10, $0x1;
	s10 =	sld [smem:$0x3FAA];
	_ =	sdelay $0x3  }
0x34: {  	[smem:$0x3FAA] =	sst s10  }
0x35: {  	s10 =	sld [smem:$0x3FA9];
	_ =	sdelay $0x3  }
0x36: {  	p1 =	seq.s32 s10, $0x1;
	s10 =	sld [smem:$0x3FAA];
	_ =	sdelay $0x3  }
0x37: {  	[smem:$0x3FAA] =	sst s10  }
0x38: {  	s10 =	sld [smem:$0x3FAB]  }
0x39: {  	_ = 	snop;
	(pc) =	sbr.ind lr, $3  }
0x3a: {  	_ = 	snop  }
0x3b: {  	_ = 	snop  }
0x3c: {  	p2 =	seq.s32 s10, $0x1;
	s10 =	sld [smem:$0x3FAA]  }
0x3d: {  	_ =	shalt  }
0x3e: {  	_ =	shalt  }
0x3f: {  	_ =	shalt  }
0x40: {  	_ =	shalt  }
0x41: {  	_ =	shalt  }
0x42: {  	_ =	shalt  }
0x43: {  	_ =	shalt  }
0x44: {  	_ =	shalt  }
0x45: {  	_ =	shalt  }
0x46: {  	_ =	shalt  }
0x47: {  	_ =	shalt  }
0x48: {  	_ =	shalt  }
0x49: {  	_ =	shalt  }
0x4a: {  	_ =	shalt  }
0x4b: {  	_ =	shalt  }
0x4c: {  	_ =	shalt  }
0x4d: {  	_ =	shalt  }
0x4e: {  	_ =	shalt  }
0x4f: {  	_ =	shalt  }
0x50: {  	_ =	shalt  }
0x51: {  	_ =	shalt  }
0x52: {  	_ =	shalt  }
0x53: {  	_ =	shalt  }
0x54: {  	_ =	shalt  }
0x55: {  	_ =	shalt  }
0x56: {  	_ =	shalt  }
0x57: {  	_ =	shalt  }
0x58: {  	_ =	shalt  }
0x59: {  	_ =	shalt  }
0x5a: {  	_ =	shalt  }
0x5b: {  	_ =	shalt  }
0x5c: {  	_ =	shalt  }
0x5d: {  	_ =	shalt  }
0x5e: {  	_ =	shalt  }
0x5f: {  	_ =	shalt  }
0x60: {  	_ =	shalt  }
0x61: {  	_ =	shalt  }
0x62: {  	_ =	shalt  }
0x63: {  	_ =	shalt  }
0x64: {  	_ =	shalt  }
0x65: {  	_ =	shalt  }
0x66: {  	_ =	shalt  }
0x67: {  	_ =	shalt  }
0x68: {  	_ =	shalt  }
0x69: {  	_ =	shalt  }
0x6a: {  	_ =	shalt  }
0x6b: {  	_ =	shalt  }
0x6c: {  	_ =	shalt  }
0x6d: {  	_ =	shalt  }
0x6e: {  	_ =	shalt  }
0x6f: {  	_ =	shalt  }
0x70: {  	_ =	shalt  }
0x71: {  	_ =	shalt  }
0x72: {  	_ =	shalt  }
0x73: {  	_ =	shalt  }
0x74: {  	_ =	shalt  }
0x75: {  	_ =	shalt  }
0x76: {  	_ =	shalt  }
0x77: {  	_ =	shalt  }
0x78: {  	_ =	shalt  }
0x79: {  	_ =	shalt  }
0x7a: {  	_ =	shalt  }
0x7b: {  	_ =	shalt  }
0x7c: {  	_ =	shalt  }
0x7d: {  	_ =	shalt  }
0x7e: {  	_ =	shalt  }
0x7f: {  	_ =	shalt  }
0x80: {  	_ =	shalt  }
0x81: {  	_ =	shalt  }
0x82: {  	_ =	shalt  }
0x83: {  	_ =	shalt  }
0x84: {  	_ =	shalt  }
0x85: {  	_ =	shalt  }
0x86: {  	_ =	shalt  }
0x87: {  	_ =	shalt  }
.Lfunc_end0:
.L_simem_size_0:
called_computation_lowered:
.L_overlay_start_0:
0x88: {  	s2 =	sld [smem:$0x3FD9]  }
0x89: {  	s3 =	sld [smem:$0x3FFE];
	_ =	sdelay $0x1  }
0x8a: {  	s1 =	srdreg.scid  }
0x8b: {  	s0 =	sand.u32 $0x1, s1  }
0x8c: {  	s14 =	sshll.u32 s0, $0xA;
	s2 =	sadd.s32 s3, s2  }
0x8d: {  	s2 =	sadd.s32 s2, s14  }
0x8e: {  	[smem:$0x3FB6] =	sst s2  }
0x8f: {  	_ = 	snop  }
0x90: {  	s2 =	sld [smem:$0x3FD0];
	_ =	sdelay $0x2  }
0x91: {  	s15 =	simm.s32 $0xA;
	s4 =	simm.s32 $0x10  }
0x92: {  	[smem:s4], [sflag:s15] =	dma.local [hbm:s2], $0x1  }
0x93: {  	_ =	swait.eq [sflag:s15], $0x1  }
0x94: {  	[sflag:s15] =	ssyncset.done $0x0  }
0x95: {  	[sflag:s15] =	ssyncadd.s32 $0xFFFFFFFF  }
0x96: {  	s16 =	sld [smem:$0x11];
	(tm) =	ssettm $0x1  }
0x97: {  	s17 =	sld [smem:$0x3FFB];
	_ =	sdelay $0x3  }
0x98: {  	_ =	strace s17  }
0x99: {  	s3 =	sld [smem:$0x3FFC];
	_ =	sdelay $0x3  }
0x9a: {  	_ =	strace s3  }
0x9b: {  	s3 =	sld [smem:$0x3FFD];
	_ =	sdelay $0x3  }
0x9c: {  	_ =	strace s3  }
0x9d: {  	_ =	strace $0x8FFFFFFF  }
0x9e: {  	s18 =	sld [smem:$0x3FDB];
	_ =	sdelay $0x1  }
0x9f: {  	s19 =	simm.s32 $_scs_section_size  }
0xa0: {  	s5 =	simm.s32 $_size__tile_overlayer_lowered;
	s6 =	simm.s32 $_tile_overlayer_lowered  }
0xa1: {  	s22 =	simm.s32 $0x1BFF;
	s21 =	sshll.u32 s6, $0x1;
	s3 =	sadd.s32 s19, s18  }
0xa2: {  	s7 =	simm.s32 $0x0;
	s20 =	sshll.u32 s5, $0x1;
	s5 =	sadd.s32 s21, s3  }
0xa3: {  	[timem:s7], [sflag:s22] =	dma.local [hbm:s5], s20  }
0xa4: {  	_ =	swait.ge [sflag:s22], s20  }
0xa5: {  	s4 =	ssub.s32 $0x0, s20;
	[sflag:s22] =	ssyncset.done $0x0  }
0xa6: {  	[sflag:s22] =	ssyncadd.s32 s4;
	_ =	sdelay $0x1  }
0xa7: {  	s23 =	simm.s32 $0x1B8B  }
0xa8: {  	_ =	swait.ge [sflag:s23], $0x1  }
0xa9: {  	[sflag:s23] =	ssyncset.done $0x0  }
0xaa: {  	s25 =	simm.s32 $0x1B8E;
	s24 =	sld [smem:$0x3FFE];
	[sflag:s23] =	ssyncadd.s32 $0xFFFFFFFF  }
0xab: {  	s26 =	simm.s32 $execute0_lowered;
	[smem:$0x3FD2] =	sst s25  }
0xac: {  	s5 =	sshll.u32 s26, $0x1;
	_ =	strace $0x80000046;
	[dreg:$0x1] =	wrdreg $0xFFFFFFFF  }
0xad: {  	s28 =	simm.s32 $_size_execute0_lowered;
	s3 =	sadd.s32 s3, s5;
	[dreg:$0x0] =	wrdreg $0x0  }
0xae: {  	s5 =	sshll.u32 s28, $0x1;
	[dreg:$0x2] =	wrdreg s3  }
0xaf: {  	[dreg:$0x3] =	wrdreg s5  }
0xb0: {  	[dreg:$0x4] =	wrdreg $0xC0  }
0xb1: {  	_ =	task [dreg:s7], $0x5FFFF  }
0xb2: {  	[dreg:$0x1] =	wrdreg $0xFFFFFFFF  }
0xb3: {  	[dreg:$0x0] =	wrdreg $0x60  }
0xb4: {  	[dreg:$0x2] =	wrdreg s24  }
0xb5: {  	[dreg:$0x3] =	wrdreg s16  }
0xb6: {  	[dreg:$0x4] =	wrdreg $0x0  }
0xb7: {  	[dreg:$0x5] =	wrdreg $0x9  }
0xb8: {  	_ =	task.clear_ibuf [dreg:s7], $0x6FFFF;
	_ =	strace $0x90000046  }
0xb9: {  	s29 =	simm.s32 $0x9;
	_ =	strace $0x80000048  }
0xba: {  	_ =	swait.ge [sflag:s29], $0x1  }
0xbb: {  	[sflag:s29] =	ssyncadd.s32 $0xFFFFFFFF  }
0xbc: {  	_ =	strace $0x90000048  }
0xbd: {  	_ =	sfence  }
0xbe: {  	s30 =	sld [smem:$0x0];
	_ =	sdelay $0x2  }
0xbf: {  	s31 =	sshll.u32 s1, $0xD;
	s1 =	sshrl.u32 s1, $0x2  }
0xc0: {  	s3 =	sand.u32 $0x4000, s31;
	s1 =	sadd.s32 s1, s30  }
0xc1: {  	s0 =	sor.u32 s3, s0;
	s1 =	sshll.u32 s1, $0x11  }
0xc2: {  	s0 =	sor.u32 s1, s0  }
0xc3: {  	s0 =	sadd.s32 $0x8F2B, s0  }
0xc4: {  	[sflag:s0] =	ssyncadd.remote.s32 $0x1  }
0xc5: {  	_ =	sfence.sel $0xFFFF  }
0xc6: {  	[dreg:$0x0] =	wrdreg $0xFFFFFFFF;
	(pc) =	sbr.abs _section_cstart, $3  }
0xc7: {  	[dreg:$0x1] =	wrdreg $0xFFFFFFFF  }
0xc8: {  	_ =	task.clear_ibuf [dreg:s7], $0x2FFFF;
	_ =	strace $0x9FFFFFFF  }
0xc9: {  	(tm) =	ssettm $0x7FFFFFFF  }
tec
execute0_lowered:
.L_overlay_start_1:
0x0: {  	(tag) =	ssettag $0x1  }
0x1: {  	s0 =	rddreg [dreg:$0x0]  }
0x2: {  	s4 =	rddreg [dreg:$0x1]  }
0x3: {  	s2 =	rddreg [dreg:$0x2]  }
0x4: {  	s5 =	srdreg.scid;
	s1 =	stileid.u32  }
0x5: {  	s3 =	simm.s32 $0x0;
	s15 =	simm.s32 $0x13880;
	s16 =	simm.s32 $0x13A00  }
0x6: {  	s17 =	simm.s32 $0x13900;
	s18 =	simm.s32 $0x15A00;
	s6 =	smul.u32 $0x2710, s1  }
0x7: {  	s28 =	simm.s32 $0x3;
	s29 =	simm.s32 $0x6;
	s21 =	smul.u32 $0x5000, s1  }
0x8: {  	s30 =	simm.s32 $0x8;
	s31 =	simm.s32 $0x9;
	s23 =	smul.u32 $0x4E2, s1  }
0x9: {  	s5 =	sand.u32 $0x1, s5;
	s8 =	sadd.s32 $0x27DC00, s0;
	s24 =	smul.u32 $0x27100, s1  }
0xa: {  	[smem:$0x7FF] =	sst s3;
	s0 =	sadd.s32 $0x278C00, s0;
	s25 =	smul.u32 $0x280, s1  }
0xb: {  	p0 =	sgt.u32 s1, $0x9;
	s7 =	smul.u32 $0x27100, s5;
	s9 =	ssub.s32 $0x2, s5  }
0xc: {  	_ =	strace $0x80000047;
	s5 =	smul.u32 $0x271000, s5;
	s11 =	sshrl.u32 s9, $0x1  }
0xd: {  	s12 =	sshrl.u32 s6, $0x3;
	s22 =	sshrl.u32 s21, $0x2;
	s21 =	simm.s32 $0x40  }
0xe: {  	s10 =	sadd.s32 s6, s7;
	s9 =	ssub.s32 s9, s11;
	s19 =	sadd.s32 s0, s12  }
0xf: {  	s6 =	sadd.s32 $0x2700, s6;
	s5 =	sadd.s32 s5, s8;
	s26 =	sadd.s32 s7, s4  }
0x10: {  	s4 =	simm.s32 $0x0;
	s10 =	sshll.u32 s10, $0x4;
	[dreg:$0x4] =	wrdreg s19  }
0x11: {  	s11 =	sadd.s32 $0x8, s19;
	s20 =	sshrl.u32 s6, $0x3;
	s6 =	sadd.s32 s7, s6  }
0x12: {  	s9 =	smax.u32 s9, $0x1;
	s12 =	sadd.s32 s24, s5;
	s14 =	sadd.s32 s25, s26  }
0x13: {  	s19 =	simm.s32 $0x1;
	s24 =	simm.s32 $0x2;
	s25 =	simm.s32 $0x5  }
0x14: {  	s26 =	simm.s32 $0x7;
	s10 =	sadd.s32 s8, s10;
	[dreg:$0x6] =	wrdreg s11  }
0x15: {  	s6 =	sshll.u32 s6, $0x4;
	[dreg:$0xa] =	wrdreg s9;
	s11 =	sadd.s32 s22, s2  }
0x16: {  	s22 =	simm.s32 $0x13980;
	[dreg:$0x5] =	wrdreg s10;
	s10 =	sadd.s32 $0x400, s10  }
0x17: {  	s6 =	sadd.s32 s8, s6;
	s8 =	simm.s32 $0xA;
	[dreg:$0x7] =	wrdreg s10  }
0x18: {  	s10 =	sadd.s32 s0, s20;
	[dreg:$0x9] =	wrdreg s6;
	s0 =	sadd.s32 s23, s0  }
0x19: {  	s20 =	simm.s32 $0x4;
	[dreg:$0x8] =	wrdreg s10;
	s0 =	sadd.s32 $0x10, s0  }
0x1a: {  	v0 =	vimm.f32 $0.0e+00;
	s23 =	simm.s32 $0x17A00;
	s6 =	simm.s32 $0xB;
	[dreg:$0xb] =	wrdreg s0  }
.LBB2_1:
0x1b: {  	s5 =	simm.s32 $0x0;
	s9 =	simm.s32 $0x200  }
.LBB2_2:
0x1c: {  	p1 =	sne.s32 s9, $0x7E00;
	[tilespmem:s5+$0x13A70] =	vst v0  }
0x1d: {  	[tilespmem:s5+$0x13A00] =	vst v0  }
0x1e: {  	[tilespmem:s5+$0x13A10] =	vst v0  }
.Ltmp0:
0x1f: {  	[tilespmem:s5+$0x13A20] =	vst v0;
	(pc) =	sbr.rel @p1 .LBB2_2-.Ltmp0, $4  }
0x20: {  	[tilespmem:s5+$0x13A30] =	vst v0  }
0x21: {  	[tilespmem:s5+$0x13A40] =	vst v0  }
0x22: {  	[tilespmem:s5+$0x13A50] =	vst v0  }
0x23: {  	[tilespmem:s5+$0x13A60] =	vst v0;
	s5 =	sshra.s32 s9, $0x2;
	s9 =	sadd.s32 $0x200, s9  }
0x24: {  	[tilespmem:s5+$0x13A70] =	vst v0  }
0x25: {  	[tilespmem:s5+$0x13A00] =	vst v0  }
0x26: {  	[tilespmem:s5+$0x13A10] =	vst v0  }
0x27: {  	[tilespmem:s5+$0x13A20] =	vst v0  }
0x28: {  	[tilespmem:s5+$0x13A30] =	vst v0  }
0x29: {  	[tilespmem:s5+$0x13A40] =	vst v0;
	s0 =	sadd.s32 $0x0, s1  }
0x2a: {  	[tilespmem:s5+$0x13A50] =	vst v0;
	p1 =	sgt.u32 s0, $0xF9  }
0x2b: {  	[tilespmem:s5+$0x13A60] =	vst v0;
	s0 =	simm.s32 @!p1 $0x13A00;
	s9 =	simm.s32 @!p1 $0xB  }
0x2c: {  	[spmem:s11] =	stream.linear.scatter @!p1 [tilespmem:s0], [sflag:$0xB], $0x1400, $0x38;
	[tilespmem:$0x1A280] =	vst v63  }
0x2d: {  	s10 =	simm.s32 $0x10;
	_ =	swait.ge @!p1 [sflag:s9], $0x1400  }
0x2e: {  	s13 =	simm.s32 $0x20;
	s5 =	sadd.s32 $0x14000, s11;
	[sflag:s9] =	ssyncset.done @!p1 $0x0  }
.LBB2_4:
0x2f: {  	s0 =	sadd.s32 s10, s1;
	s10 =	smov.u32 s13;
	s13 =	sadd.s32 $0x10, s13  }
0x30: {  	[sflag:s9] =	ssyncadd.s32 @!p1 $0xFFFFEC00;
	p2 =	sne.s32 s13, $0x100  }
.Ltmp1:
0x31: {  	p1 =	sgt.u32 s0, $0xF9;
	(pc) =	sbr.rel @p2 .LBB2_4-.Ltmp1, $4  }
0x32: {  	s0 =	simm.s32 @!p1 $0x13A00;
	s9 =	simm.s32 @!p1 $0xB  }
0x33: {  	[spmem:s5] =	stream.linear.scatter @!p1 [tilespmem:s0], [sflag:$0xB], $0x1400, $0x38;
	[tilespmem:$0x1A280] =	vst v63  }
0x34: {  	_ =	swait.ge @!p1 [sflag:s9], $0x1400  }
0x35: {  	s5 =	sadd.s32 $0x14000, s5;
	[sflag:s9] =	ssyncset.done @!p1 $0x0  }
0x36: {  	s0 =	sadd.s32 s10, s1  }
0x37: {  	p2 =	sgt.u32 s0, $0xF9  }
0x38: {  	[sflag:s9] =	ssyncadd.s32 @!p1 $0xFFFFEC00;
	s0 =	simm.s32 @!p2 $0x13A00;
	s7 =	simm.s32 @!p2 $0xB  }
0x39: {  	[spmem:s5] =	stream.linear.scatter @!p2 [tilespmem:s0], [sflag:$0xB], $0x1400, $0x38;
	[tilespmem:$0x1A280] =	vst v63  }
0x3a: {  	_ =	swait.ge @!p2 [sflag:s7], $0x1400  }
0x3b: {  	[sflag:s7] =	ssyncset.done @!p2 $0x0  }
0x3c: {  	[sflag:s7] =	ssyncadd.s32 @!p2 $0xFFFFEC00  }
0x3d: {  	[bflag:$0x0] =	sbarrier.arrive $0xFFFF  }
0x3e: {  	s5 =	simm.s32 $0x0;
	s7 =	rddreg [dreg:$0x4]  }
0x3f: {  	[tilespmem:s15], [sflag:$0x1] =	stream.linear.gather [hbm4b:s7+s5], $0x40, $0x38;
	[tilespmem:$0x1A280] =	vst v63  }
0x40: {  	s9 =	rddreg [dreg:$0x5]  }
0x41: {  	[tilespmem:s16], [sflag:$0x4] =	stream.linear.gather [hbm4b:s9+s5], $0x2000, $0x38;
	[tilespmem:$0x1A280] =	vst v63  }
0x42: {  	s10 =	rddreg [dreg:$0x6]  }
0x43: {  	[tilespmem:s17], [sflag:$0x2] =	stream.linear.gather [hbm4b:s10+s5], $0x40, $0x38;
	[tilespmem:$0x1A280] =	vst v63  }
0x44: {  	s13 =	rddreg [dreg:$0x7]  }
0x45: {  	[tilespmem:s18], [sflag:$0x5] =	stream.linear.gather [hbm4b:s13+s5], $0x2000, $0x38;
	[tilespmem:$0x1A280] =	vst v63  }
0x46: {  	s13 =	rddreg [dreg:$0xb]  }
.LBB2_6:
0x47: {  	_ =	swait.ge [sflag:s19], $0x40  }
0x48: {  	[sflag:s19] =	ssyncset.done $0x0  }
0x49: {  	[sflag:s19] =	ssyncadd.s32 $0xFFFFFFC0  }
0x4a: {  	_ =	swait.ge [sflag:s20], $0x2000  }
0x4b: {  	p1 =	seq.s32 s5, $0x0;
	[sflag:s20] =	ssyncset.done $0x0  }
0x4c: {  	s0 =	simm.s32 @!p1 $0x9;
	[sflag:s20] =	ssyncadd.s32 $0xFFFFE000  }
0x4d: {  	[spmem:s2] =	stream.indirect.scatter.add.f32 [tilespmem:s16], [sflag:$0x7], $0x80, s15, s21, $0xb8;
	[tilespmem:$0x1A280] =	vst v63  }
0x4e: {  	_ =	swait.ge @!p1 [sflag:s0], $0x2000  }
0x4f: {  	[sflag:s0] =	ssyncset.done @!p1 $0x0  }
0x50: {  	s10 =	sadd.s32 s5, s12;
	[sflag:s0] =	ssyncadd.s32 @!p1 $0xFFFFE000  }
0x51: {  	[tilespmem:s22], [sflag:$0x3] =	stream.linear.gather [hbm4b:s13+s3], $0x40, $0x38;
	[tilespmem:$0x1A280] =	vst v63  }
0x52: {  	s9 =	sadd.s32 $0x800, s10  }
0x53: {  	[tilespmem:s23], [sflag:$0x6] =	stream.linear.gather [hbm4b:s9+s3], $0x2000, $0x38;
	[tilespmem:$0x1A280] =	vst v63  }
0x54: {  	_ =	swait.ge [sflag:s24], $0x40  }
0x55: {  	[sflag:s24] =	ssyncset.done $0x0  }
0x56: {  	[sflag:s24] =	ssyncadd.s32 $0xFFFFFFC0  }
0x57: {  	_ =	swait.ge [sflag:s25], $0x2000  }
0x58: {  	p1 =	seq.s32 s5, $0x26400;
	[sflag:s25] =	ssyncset.done $0x0  }
.Ltmp2:
0x59: {  	[sflag:s25] =	ssyncadd.s32 $0xFFFFE000;
	(pc) =	sbr.rel @p1 .LBB2_8-.Ltmp2, $4  }
0x5a: {  	[spmem:s2] =	stream.indirect.scatter.add.f32 [tilespmem:s18], [sflag:$0x8], $0x80, s17, s21, $0xb8;
	[tilespmem:$0x1A280] =	vst v63  }
0x5b: {  	_ =	swait.ge [sflag:s26], $0x2000  }
0x5c: {  	[sflag:s26] =	ssyncset.done $0x0  }
0x5d: {  	[sflag:s26] =	ssyncadd.s32 $0xFFFFE000  }
0x5e: {  	s0 =	sadd.s32 $0x8, s13  }
0x5f: {  	[tilespmem:s15], [sflag:$0x1] =	stream.linear.gather [hbm4b:s0+s3], $0x40, $0x38;
	[tilespmem:$0x1A280] =	vst v63  }
0x60: {  	s7 =	sadd.s32 $0xC00, s10  }
0x61: {  	[tilespmem:s16], [sflag:$0x4] =	stream.linear.gather [hbm4b:s7+s3], $0x2000, $0x38;
	[tilespmem:$0x1A280] =	vst v63  }
0x62: {  	_ =	swait.ge [sflag:s28], $0x40  }
0x63: {  	[sflag:s28] =	ssyncset.done $0x0  }
0x64: {  	[sflag:s28] =	ssyncadd.s32 $0xFFFFFFC0  }
0x65: {  	_ =	swait.ge [sflag:s29], $0x2000  }
0x66: {  	[sflag:s29] =	ssyncset.done $0x0  }
0x67: {  	[sflag:s29] =	ssyncadd.s32 $0xFFFFE000  }
0x68: {  	[spmem:s2] =	stream.indirect.scatter.add.f32 [tilespmem:s23], [sflag:$0x9], $0x80, s22, s21, $0xb8;
	[tilespmem:$0x1A280] =	vst v63  }
0x69: {  	_ =	swait.ge [sflag:s30], $0x2000  }
.Ltmp3:
0x6a: {  	[sflag:s30] =	ssyncset.done $0x0;
	(pc) =	sbr.rel .LBB2_6-.Ltmp3, $4  }
0x6b: {  	s9 =	sadd.s32 $0x10, s13;
	[sflag:s30] =	ssyncadd.s32 $0xFFFFE000  }
0x6c: {  	[tilespmem:s17], [sflag:$0x2] =	stream.linear.gather [hbm4b:s9+s3], $0x40, $0x38;
	[tilespmem:$0x1A280] =	vst v63  }
0x6d: {  	s10 =	sadd.s32 $0x1000, s10;
	s5 =	sadd.s32 $0xC00, s5;
	s13 =	sadd.s32 $0x18, s13  }
0x6e: {  	[tilespmem:s18], [sflag:$0x5] =	stream.linear.gather [hbm4b:s10+s3], $0x2000, $0x38;
	[tilespmem:$0x1A280] =	vst v63  }
.LBB2_8:
0x6f: {  	_ =	swait.ge [sflag:s28], $0x40  }
0x70: {  	[sflag:s28] =	ssyncset.done $0x0  }
0x71: {  	[sflag:s28] =	ssyncadd.s32 $0xFFFFFFC0  }
0x72: {  	_ =	swait.ge [sflag:s29], $0x2000  }
0x73: {  	[sflag:s29] =	ssyncset.done $0x0  }
0x74: {  	[sflag:s29] =	ssyncadd.s32 $0xFFFFE000  }
0x75: {  	[spmem:s2] =	stream.indirect.scatter.add.f32 [tilespmem:s23], [sflag:$0x9], $0x80, s22, s21, $0xb8;
	[tilespmem:$0x1A280] =	vst v63  }
0x76: {  	_ =	swait.ge [sflag:s30], $0x2000  }
0x77: {  	[sflag:s30] =	ssyncset.done $0x0  }
0x78: {  	[sflag:s30] =	ssyncadd.s32 $0xFFFFE000  }
0x79: {  	_ =	swait.ge [sflag:s31], $0x2000  }
0x7a: {  	s0 =	simm.s32 $0x0;
	[sflag:s31] =	ssyncset.done $0x0  }
0x7b: {  	s7 =	simm.s32 $0x19A00;
	s5 =	rddreg [dreg:$0x8];
	[sflag:s31] =	ssyncadd.s32 $0xFFFFE000  }
0x7c: {  	[tilespmem:s7], [sflag:$0xB] =	stream.linear.gather [hbm4b:s5+s0], $0x10, $0x38;
	[tilespmem:$0x1A280] =	vst v63  }
0x7d: {  	_ =	swait.ge [sflag:s6], $0x10  }
0x7e: {  	[sflag:s6] =	ssyncset.done $0x0  }
0x7f: {  	s9 =	simm.s32 $0x19A80;
	s13 =	rddreg [dreg:$0x9];
	[sflag:s6] =	ssyncadd.s32 $0xFFFFFFF0  }
0x80: {  	[tilespmem:s9], [sflag:$0xB] =	stream.linear.gather [hbm4b:s13+s0], $0x800, $0x38;
	[tilespmem:$0x1A280] =	vst v63  }
0x81: {  	_ =	swait.ge [sflag:s6], $0x800  }
0x82: {  	[sflag:s6] =	ssyncset.done $0x0  }
0x83: {  	s10 =	simm.s32 $0x10;
	s13 =	sadd.s32 $0x0, s1;
	[sflag:s6] =	ssyncadd.s32 $0xFFFFF800  }
0x84: {  	[spmem:s2] =	stream.indirect.scatter.add.f32 [tilespmem:s9], [sflag:$0xB], $0x80, s7, s10, $0xb8;
	[tilespmem:$0x1A280] =	vst v63  }
0x85: {  	s5 =	simm.s32 $0x10;
	p1 =	sgt.u32 s13, $0xF9;
	_ =	swait.ge [sflag:s6], $0x800  }
0x86: {  	s13 =	smov.u32 s14;
	s0 =	sshll.u32 @!p1 s1, $0x6;
	[sflag:s6] =	ssyncset.done $0x0  }
0x87: {  	s0 =	sor.u32 @!p1 $0x1C0A, s0;
	s10 =	sadd.s32 $0x2800, s14;
	[sflag:s6] =	ssyncadd.s32 $0xFFFFF800  }
0x88: {  	s7 =	sshrl.u32 @!p1 s11, $0x3;
	s9 =	sadd.s32 $0x14000, s11;
	[bflag:$0x0] =	sbarrier.arrive $0xFFFF  }
.LBB2_9:
0x89: {  	[hbm:s13], [sflag:s0] =	dma.local @!p1 [spmem:s7], $0x280  }
0x8a: {  	s0 =	smov.u32 s5;
	s5 =	sadd.s32 $0x10, s5  }
0x8b: {  	p2 =	sne.s32 s5, $0x100  }
.Ltmp4:
0x8c: {  	(pc) =	sbr.rel @p2 .LBB2_9-.Ltmp4, $4  }
0x8d: {  	s13 =	smov.u32 s10;
	s0 =	sadd.s32 s0, s1  }
0x8e: {  	p1 =	sgt.u32 s0, $0xF9  }
0x8f: {  	s10 =	sadd.s32 $0x2800, s10;
	s0 =	sshll.u32 @!p1 s1, $0x6  }
0x90: {  	s7 =	sshrl.u32 @!p1 s9, $0x3;
	s9 =	sadd.s32 $0x14000, s9;
	s0 =	sor.u32 @!p1 $0x1C0A, s0  }
0x91: {  	[hbm:s13], [sflag:s0] =	dma.local @!p1 [spmem:s7], $0x280  }
0x92: {  	_ =	swait.ge [sflag:s8], $0x280  }
0x93: {  	[sflag:s8] =	ssyncset.done $0x0  }
0x94: {  	[sflag:s8] =	ssyncadd.s32 $0xFFFFFD80  }
0x95: {  	_ =	swait.ge [sflag:s8], $0x280  }
0x96: {  	[sflag:s8] =	ssyncset.done $0x0  }
0x97: {  	[sflag:s8] =	ssyncadd.s32 $0xFFFFFD80  }
0x98: {  	_ =	swait.ge [sflag:s8], $0x280  }
0x99: {  	[sflag:s8] =	ssyncset.done $0x0  }
0x9a: {  	[sflag:s8] =	ssyncadd.s32 $0xFFFFFD80  }
0x9b: {  	_ =	swait.ge [sflag:s8], $0x280  }
0x9c: {  	[sflag:s8] =	ssyncset.done $0x0  }
0x9d: {  	[sflag:s8] =	ssyncadd.s32 $0xFFFFFD80  }
0x9e: {  	_ =	swait.ge [sflag:s8], $0x280  }
0x9f: {  	[sflag:s8] =	ssyncset.done $0x0  }
0xa0: {  	[sflag:s8] =	ssyncadd.s32 $0xFFFFFD80  }
0xa1: {  	_ =	swait.ge [sflag:s8], $0x280  }
0xa2: {  	[sflag:s8] =	ssyncset.done $0x0  }
0xa3: {  	[sflag:s8] =	ssyncadd.s32 $0xFFFFFD80  }
0xa4: {  	_ =	swait.ge [sflag:s8], $0x280  }
0xa5: {  	[sflag:s8] =	ssyncset.done $0x0  }
0xa6: {  	[sflag:s8] =	ssyncadd.s32 $0xFFFFFD80  }
0xa7: {  	_ =	swait.ge [sflag:s8], $0x280  }
0xa8: {  	[sflag:s8] =	ssyncset.done $0x0  }
0xa9: {  	[sflag:s8] =	ssyncadd.s32 $0xFFFFFD80  }
0xaa: {  	_ =	swait.ge [sflag:s8], $0x280  }
0xab: {  	[sflag:s8] =	ssyncset.done $0x0  }
0xac: {  	[sflag:s8] =	ssyncadd.s32 $0xFFFFFD80  }
0xad: {  	_ =	swait.ge [sflag:s8], $0x280  }
0xae: {  	[sflag:s8] =	ssyncset.done $0x0  }
0xaf: {  	[sflag:s8] =	ssyncadd.s32 $0xFFFFFD80  }
0xb0: {  	_ =	swait.ge [sflag:s8], $0x280  }
0xb1: {  	[sflag:s8] =	ssyncset.done $0x0  }
0xb2: {  	[sflag:s8] =	ssyncadd.s32 $0xFFFFFD80  }
0xb3: {  	_ =	swait.ge [sflag:s8], $0x280  }
0xb4: {  	[sflag:s8] =	ssyncset.done $0x0  }
0xb5: {  	[sflag:s8] =	ssyncadd.s32 $0xFFFFFD80  }
0xb6: {  	_ =	swait.ge [sflag:s8], $0x280  }
0xb7: {  	[sflag:s8] =	ssyncset.done $0x0  }
0xb8: {  	[sflag:s8] =	ssyncadd.s32 $0xFFFFFD80  }
0xb9: {  	_ =	swait.ge [sflag:s8], $0x280  }
0xba: {  	[sflag:s8] =	ssyncset.done $0x0  }
0xbb: {  	[sflag:s8] =	ssyncadd.s32 $0xFFFFFD80  }
0xbc: {  	_ =	swait.ge [sflag:s8], $0x280  }
0xbd: {  	[sflag:s8] =	ssyncset.done $0x0  }
0xbe: {  	s0 =	simm.s32 @!p0 $0xA;
	[sflag:s8] =	ssyncadd.s32 $0xFFFFFD80  }
0xbf: {  	_ =	swait.ge @!p0 [sflag:s0], $0x280  }
0xc0: {  	s4 =	sadd.s32 $0x1, s4;
	s5 =	rddreg [dreg:$0xa]  }
0xc1: {  	p1 =	sne.s32 s4, s5  }
.Ltmp5:
0xc2: {  	_ = 	snop;
	(pc) =	sbr.rel @p1 .LBB2_1-.Ltmp5, $3  }
0xc3: {  	_ =	sdelay $0x1  }
0xc4: {  	[sflag:s0] =	ssyncset.done @!p0 $0x0  }
0xc5: {  	[sflag:s0] =	ssyncadd.s32 @!p0 $0xFFFFFD80  }
0xc6: {  	_ =	sfence.sel $0x180000  }
0xc7: {  	[bflag:$0x0] =	sbarrier.arrive $0xFFFF  }
0xc8: {  	_ =	strace $0x90000047  }
0xc9: {  	[bflag:$0x2] =	sbarrier.arrive $0xFFFF  }
0xca: {  	p0 =	sne.s32 s1, $0x0;
	s0 =	rddreg [dreg:$0x3]  }
0xcb: {  	s0 =	sadd.s32 @!p0 $0x100000, s0  }
0xcc: {  	[sflag:s0] =	ssyncadd.tile.s32 @!p0 $0x1;
	_ =	shalt  }
.Lfunc_end2:
_tile_overlayer_lowered:
.L_overlay_start_2:
0xcd: {  	(tag) =	ssettag $0x2  }
0xce: {  	s0 =	rddreg [dreg:$0x0];
	s2 =	stileid.u32  }
0xcf: {  	s1 =	rddreg [dreg:$0x1];
	p0 =	sne.s32 s2, $0x0  }
0xd0: {  	s3 =	rddreg [dreg:$0x2];
	[bflag:$0x3] =	sbarrier.arrive $0xFFFF;
	s2 =	simm.s32 @!p0 $0x1C0B  }
0xd1: {  	[timem:s3], [sflag:s2] =	dma.local @!p0 [hbm:s0], s1  }
0xd2: {  	s0 =	simm.s32 @!p0 $0xB  }
0xd3: {  	_ =	swait.ge @!p0 [sflag:s0], s1  }
0xd4: {  	s1 =	ssub.s32 @!p0 $0x0, s1;
	[sflag:s0] =	ssyncset.done @!p0 $0x0  }
0xd5: {  	[sflag:s0] =	ssyncadd.s32 @!p0 s1  }
0xd6: {  	[bflag:$0x3] =	sbarrier.arrive $0xFFFF  }
0xd7: {  	_ =	shalt  }

</sc_bundles>
